<compile_context>
chip_gen: v7x
topology: tpu7x:2x2x1
jax: 0.10.2.dev20260603
libtpu: 0.0.44.dev20260713+nightly
codegen_flags: <defaults>
</compile_context>

<pallas_src>
import functools

import jax
import jax.numpy as jnp
from jax import lax
from jax.experimental import pallas as pl
from jax.experimental.pallas import tpu as pltpu
from jax.experimental.pallas import tpu_sc as plsc

N = 10000
NP = 10240
E = 320000
D = 128
D2 = 64
NC = 2
NS = 16
K = 80
NCH = (E // (NC * NS)) // K
EPT = E // NS
KA = 128
NCH2 = EPT // KA
KT = EPT - NCH2 * KA
RPT = NP // NS
RPA = N // NS
NB = 4
NWB = 5
WBK = RPA // NWB
NBD = 5

_mesh = plsc.VectorSubcoreMesh(
    core_axis_name="c", subcore_axis_name="s", num_cores=NC, num_subcores=NS
)


def _sc_deg(dst_r, zeros_np, ones_k):

    @functools.partial(
        pl.kernel,
        out_type=jax.ShapeDtypeStruct((NC, NP), jnp.float32),
        mesh=_mesh,
        scratch_types=[
            pltpu.VMEM((NCH, K), jnp.int32),
            pltpu.VMEM((K,), jnp.float32),
            pltpu.VMEM_SHARED((NP,), jnp.float32),
            [pltpu.SemaphoreType.DMA for _ in range(NBD)],
        ],
    )
    def k(dst_hbm, zeros_hbm, ones_hbm, out_hbm, idx_v, ones_v, acc, dsems):
        c = lax.axis_index("c")
        s = lax.axis_index("s")
        base = s * RPT
        inits = [
            pltpu.async_copy(zeros_hbm.at[pl.ds(base, RPT)],
                             acc.at[pl.ds(base, RPT)], dsems[0]),
            pltpu.async_copy(ones_hbm, ones_v, dsems[1]),
            pltpu.async_copy(dst_hbm.at[c, s], idx_v, dsems[2]),
        ]
        for d in inits:
            d.wait()
        plsc.subcore_barrier()

        def group(o, carry):
            jo = o * NBD
            descs = [
                pltpu.async_copy(
                    ones_v, acc.at[idx_v.at[jo + b]], dsems[b], add=True
                )
                for b in range(NBD)
            ]
            for d in descs:
                d.wait()
            return carry

        lax.fori_loop(0, NCH // NBD, group, 0)
        plsc.subcore_barrier()
        pltpu.sync_copy(acc.at[pl.ds(base, RPT)], out_hbm.at[c, pl.ds(base, RPT)])

    return k(dst_r, zeros_np, ones_k)


def _sc_agg(yv, srco, srct, dst_a, dst_t, zeros_nd, wbidx):

    @functools.partial(
        pl.kernel,
        out_type=jax.ShapeDtypeStruct((2 * N, D2), jnp.float32),
        mesh=_mesh,
        scratch_types=[
            pltpu.VMEM((NCH2 * KA,), jnp.int32),
            pltpu.VMEM((KT,), jnp.int32),
            pltpu.VMEM((NCH2, KA), jnp.int32),
            pltpu.VMEM((1, KT), jnp.int32),
            pltpu.VMEM((NWB, WBK), jnp.int32),
            [pltpu.VMEM((WBK, D2), jnp.float32) for _ in range(2)],
            [pltpu.VMEM((KA, D2), jnp.float32) for _ in range(NB)],
            pltpu.VMEM_SHARED((N, D2), jnp.float32),
            [pltpu.SemaphoreType.DMA for _ in range(NB)],
            [pltpu.SemaphoreType.DMA for _ in range(NB)],
        ],
        compiler_params=pltpu.CompilerParams(use_tc_tiling_on_sc=False),
    )
    def k(y_hbm, src_hbm, srct_hbm, dst_hbm, dstt_hbm, zeros_hbm, wb_hbm,
          out_hbm, sidx, sidxt, didx, didxt, wbi, wbufs, gbufs, acc,
          gsems, tsems):
        c = lax.axis_index("c")
        s = lax.axis_index("s")
        base = s * RPA
        inits = [
            pltpu.async_copy(zeros_hbm.at[pl.ds(base, RPA)],
                             acc.at[pl.ds(base, RPA)], gsems[0]),
            pltpu.async_copy(src_hbm.at[c, s], sidx, gsems[1]),
            pltpu.async_copy(srct_hbm.at[c, s], sidxt, gsems[2]),
            pltpu.async_copy(dst_hbm.at[s], didx, gsems[3]),
            pltpu.async_copy(dstt_hbm.at[s], didxt, tsems[0]),
            pltpu.async_copy(wb_hbm.at[c, s], wbi, tsems[1]),
        ]
        for d in inits:
            d.wait()
        plsc.subcore_barrier()

        for b in range(NB):
            pltpu.async_copy(
                y_hbm.at[sidx.at[pl.ds(b * KA, KA)]], gbufs[b], gsems[b]
            )

        def group(jo, last):
            scats = []
            for b in range(NB):
                pltpu.make_async_copy(
                    y_hbm.at[sidx.at[pl.ds((jo + b) * KA, KA)]], gbufs[b],
                    gsems[b]
                ).wait()
                scats.append(pltpu.async_copy(
                    gbufs[b], acc.at[didx.at[jo + b]], tsems[b], add=True
                ))
            for b in range(NB):
                scats[b].wait()
                if not last:
                    pltpu.async_copy(
                        y_hbm.at[sidx.at[pl.ds((jo + NB + b) * KA, KA)]],
                        gbufs[b], gsems[b]
                    )

        def outer(o, carry):
            group(o * NB, last=False)
            return carry

        lax.fori_loop(0, NCH2 // NB - 1, outer, 0)
        group(NCH2 - NB, last=True)
        pltpu.async_copy(
            y_hbm.at[sidxt], gbufs[0].at[pl.ds(0, KT)], gsems[0]
        ).wait()
        pltpu.async_copy(
            gbufs[0].at[pl.ds(0, KT)], acc.at[didxt.at[0]], tsems[0], add=True
        ).wait()
        plsc.subcore_barrier()
        scouts = [None, None]
        for tch in range(NWB):
            w = wbufs[tch % 2]
            if scouts[tch % 2] is not None:
                scouts[tch % 2].wait()
            pltpu.sync_copy(acc.at[pl.ds(base + tch * WBK, WBK)], w)
            scouts[tch % 2] = pltpu.async_copy(
                w, out_hbm.at[wbi.at[tch]], tsems[tch % 2]
            )
        for d in scouts:
            d.wait()

    return k(yv, srco, srct, dst_a, dst_t, zeros_nd, wbidx)


R = 1000
GRID = N // R


def _tc_scale_matmul(x, W1, degp):

    def body(x_ref, w_ref, p_ref, o_ref):
        p = p_ref[...]
        z = lax.rsqrt(p[:, 0] + p[:, 1] + 1.0)
        o_ref[...] = (
            jnp.dot(x_ref[...], w_ref[...], preferred_element_type=jnp.float32)
            * z[:, None]
        )

    return pl.pallas_call(
        body,
        grid=(GRID,),
        in_specs=[
            pl.BlockSpec((R, D), lambda i: (i, 0)),
            pl.BlockSpec((D, D), lambda i: (0, 0)),
            pl.BlockSpec((R, NC), lambda i: (i, 0)),
        ],
        out_specs=pl.BlockSpec((R, D), lambda i: (i, 0)),
        out_shape=jax.ShapeDtypeStruct((N, D), jnp.float32),
    )(x, W1, degp)


def _tc_mid(p1, y1, degp, b1r, W2):

    def body(p_ref, y_ref, dp_ref, b_ref, w_ref, o_ref):
        dp = dp_ref[...]
        z = lax.rsqrt(dp[:, 0] + dp[:, 1] + 1.0)
        agg = p_ref[...] + y_ref[...]
        h = jnp.maximum(agg * z[:, None] + b_ref[...], 0.0)
        o_ref[...] = (
            jnp.dot(h, w_ref[...], preferred_element_type=jnp.float32) * z[:, None]
        )

    return pl.pallas_call(
        body,
        grid=(GRID,),
        in_specs=[
            pl.BlockSpec((R, D), lambda i: (i, 0)),
            pl.BlockSpec((R, D), lambda i: (i, 0)),
            pl.BlockSpec((R, NC), lambda i: (i, 0)),
            pl.BlockSpec((1, D), lambda i: (0, 0)),
            pl.BlockSpec((D, D), lambda i: (0, 0)),
        ],
        out_specs=pl.BlockSpec((R, D), lambda i: (i, 0)),
        out_shape=jax.ShapeDtypeStruct((N, D), jnp.float32),
    )(p1, y1, degp, b1r, W2)


def _tc_final(p2, y2, degp, b2r):

    def body(p_ref, y_ref, dp_ref, b_ref, o_ref):
        dp = dp_ref[...]
        z = lax.rsqrt(dp[:, 0] + dp[:, 1] + 1.0)
        o_ref[...] = (p_ref[...] + y_ref[...]) * z[:, None] + b_ref[...]

    return pl.pallas_call(
        body,
        grid=(GRID,),
        in_specs=[
            pl.BlockSpec((R, D), lambda i: (i, 0)),
            pl.BlockSpec((R, D), lambda i: (i, 0)),
            pl.BlockSpec((R, NC), lambda i: (i, 0)),
            pl.BlockSpec((1, D), lambda i: (0, 0)),
        ],
        out_specs=pl.BlockSpec((R, D), lambda i: (i, 0)),
        out_shape=jax.ShapeDtypeStruct((N, D), jnp.float32),
    )(p2, y2, degp, b2r)


def kernel(x, edge_index, W1, b1, W2, b2):
    ei = edge_index.astype(jnp.int32)
    src_t = ei[0].reshape(NS, EPT)
    src2 = 2 * src_t
    srco = jnp.stack([src2[:, :NCH2 * KA], src2[:, :NCH2 * KA] + 1], axis=0)
    srct = jnp.stack([src2[:, NCH2 * KA:], src2[:, NCH2 * KA:] + 1], axis=0)
    dst_r = ei[1].reshape(NS, EPT)
    dst_a = dst_r[:, :NCH2 * KA].reshape(NS, NCH2, KA)
    dst_t = dst_r[:, NCH2 * KA:].reshape(NS, 1, KT)
    dst_deg = ei[1].reshape(NC, NS, NCH, K)
    zeros_np = jnp.zeros((NP,), jnp.float32)
    zeros_nd = jnp.zeros((N, D2), jnp.float32)
    ones_k = jnp.ones((K,), jnp.float32)
    iota = jnp.arange(N, dtype=jnp.int32).reshape(NS, NWB, WBK)
    wbidx = jnp.stack([2 * iota, 2 * iota + 1], axis=0)
    srco, srct, wbidx = lax.optimization_barrier((srco, srct, wbidx))

    degp = _sc_deg(dst_deg, zeros_np, ones_k).T
    y1 = _tc_scale_matmul(x, W1, degp)
    p1 = _sc_agg(y1.reshape(2 * N, D2), srco, srct, dst_a, dst_t,
                 zeros_nd, wbidx)
    y2 = _tc_mid(p1.reshape(N, D), y1, degp, b1.reshape(1, D), W2)
    p2 = _sc_agg(y2.reshape(2 * N, D2), srco, srct, dst_a, dst_t,
                 zeros_nd, wbidx)
    return _tc_final(p2.reshape(N, D), y2, degp, b2.reshape(1, D))

# --- scband reference (transcript-rebuilt; emitter-appended) ---
"""Pipeline reference for scband-gcnencoder-28948079575789 (READ-ONLY COPY).

The authoritative reference and input builder live on the scoring server;
editing this copy changes nothing except your own understanding.
"""

import jax, jax.numpy as jnp
import numpy as np

N_NODES = 10000
N_EDGES = 320000
D_IN = 128
D_HID = 128
D_OUT = 128


def setup_inputs(seed: int = 0) -> dict:
    key = jax.random.key(seed)
    k_x, k_e, k_w1, k_b1, k_w2, k_b2 = jax.random.split(key, 6)
    x = jax.random.normal(k_x, (N_NODES, D_IN), dtype=jnp.float32)
    edge_index = jax.random.randint(k_e, (2, N_EDGES), 0, N_NODES, dtype=jnp.int64)
    # Glorot init like PyG GCNConv linear (weight stored as [in, out] here)
    s1 = (6.0 / (D_IN + D_HID)) ** 0.5
    W1 = jax.random.uniform(k_w1, (D_IN, D_HID), minval=-s1, maxval=s1, dtype=jnp.float32)
    b1 = jnp.zeros((D_HID,), dtype=jnp.float32)
    s2 = (6.0 / (D_HID + D_OUT)) ** 0.5
    W2 = jax.random.uniform(k_w2, (D_HID, D_OUT), minval=-s2, maxval=s2, dtype=jnp.float32)
    b2 = jnp.zeros((D_OUT,), dtype=jnp.float32)
    return {"x": x, "edge_index": edge_index, "W1": W1, "b1": b1, "W2": W2, "b2": b2}


def _gcn_conv(x, src, dst, W, b, num_nodes):
    # GCNConv (PyG semantics): add self-loops, symmetric normalization,
    # linear transform, scatter-add aggregation at dst (col), plus bias.
    loop = jnp.arange(num_nodes, dtype=src.dtype)
    src_sl = jnp.concatenate([src, loop])
    dst_sl = jnp.concatenate([dst, loop])
    ew = jnp.ones((src_sl.shape[0],), dtype=x.dtype)
    deg = jnp.zeros((num_nodes,), dtype=x.dtype).at[dst_sl].add(ew)
    deg_inv_sqrt = jnp.where(deg > 0, deg ** -0.5, 0.0)
    norm = deg_inv_sqrt[src_sl] * ew * deg_inv_sqrt[dst_sl]
    xw = x @ W
    msg = xw[src_sl] * norm[:, None]
    out = jnp.zeros((num_nodes, W.shape[1]), dtype=x.dtype).at[dst_sl].add(msg)
    return out + b


def reference(x, edge_index, W1, b1, W2, b2):
    # eval mode: F.dropout with training=False is identity
    src = edge_index[0]
    dst = edge_index[1]
    h = _gcn_conv(x, src, dst, W1, b1, N_NODES)
    h = jax.nn.relu(h)
    out = _gcn_conv(h, src, dst, W2, b2, N_NODES)
    return out

if __name__ == "__main__":
    import jax
    _d = setup_inputs()
    print(jax.jit(kernel)(*tuple(_d.values())))

</pallas_src>

<mosaic_0001>
#map = affine_map<(d0, d1) -> (0, 0)>
#map1 = affine_map<(d0, d1) -> (0, 0, 0)>
#map2 = affine_map<(d0, d1) -> (0, 0, 0, 0)>
module attributes {stable_mosaic.version = 14 : i64} {
  func.func @k(%arg0: i32, %arg1: i32, %arg2: memref<20000x64xf32, #tpu.memory_space<hbm>>, %arg3: memref<2x16x19968xi32, #tpu.memory_space<hbm>>, %arg4: memref<2x16x32xi32, #tpu.memory_space<hbm>>, %arg5: memref<16x156x128xi32, #tpu.memory_space<hbm>>, %arg6: memref<16x1x32xi32, #tpu.memory_space<hbm>>, %arg7: memref<10000x64xf32, #tpu.memory_space<hbm>>, %arg8: memref<2x16x5x125xi32, #tpu.memory_space<hbm>>, %arg9: memref<20000x64xf32, #tpu.memory_space<hbm>>, %arg10: memref<19968xi32, #tpu.memory_space<vmem>>, %arg11: memref<32xi32, #tpu.memory_space<vmem>>, %arg12: memref<156x128xi32, #tpu.memory_space<vmem>>, %arg13: memref<1x32xi32, #tpu.memory_space<vmem>>, %arg14: memref<5x125xi32, #tpu.memory_space<vmem>>, %arg15: memref<125x64xf32, #tpu.memory_space<vmem>>, %arg16: memref<125x64xf32, #tpu.memory_space<vmem>>, %arg17: memref<128x64xf32, #tpu.memory_space<vmem>>, %arg18: memref<128x64xf32, #tpu.memory_space<vmem>>, %arg19: memref<128x64xf32, #tpu.memory_space<vmem>>, %arg20: memref<128x64xf32, #tpu.memory_space<vmem>>, %arg21: memref<10000x64xf32, #tpu.memory_space<vmem_shared>>, %arg22: memref<!tpu.dma_semaphore, #tpu.memory_space<semaphore_mem>>, %arg23: memref<!tpu.dma_semaphore, #tpu.memory_space<semaphore_mem>>, %arg24: memref<!tpu.dma_semaphore, #tpu.memory_space<semaphore_mem>>, %arg25: memref<!tpu.dma_semaphore, #tpu.memory_space<semaphore_mem>>, %arg26: memref<!tpu.dma_semaphore, #tpu.memory_space<semaphore_mem>>, %arg27: memref<!tpu.dma_semaphore, #tpu.memory_space<semaphore_mem>>, %arg28: memref<!tpu.dma_semaphore, #tpu.memory_space<semaphore_mem>>, %arg29: memref<!tpu.dma_semaphore, #tpu.memory_space<semaphore_mem>>) attributes {dimension_semantics = [#tpu.dimension_semantics<core_parallel>, #tpu.dimension_semantics<subcore_parallel>], iteration_bounds = array<i64: 2, 16>, scalar_prefetch = 0 : i64, scratch_operands = 20 : i64, tpu.core_type = #tpu.core_type<sc_vector_subcore>, window_params = [{transform_indices = #map}, {transform_indices = #map1}, {transform_indices = #map1}, {transform_indices = #map1}, {transform_indices = #map1}, {transform_indices = #map}, {transform_indices = #map2}, {transform_indices = #map}]} {
    %mul3A = arith.constant 625 : i32
    %mul3A_0 = arith.muli %arg1, %mul3A : i32
    %dma_start3A = arith.constant 0 : i32
    %dma_start3A_1 = tpu.memref_slice %arg21[%mul3A_0, %dma_start3A] : memref<10000x64xf32, #tpu.memory_space<vmem_shared>> -> memref<625x64xf32, #tpu.memory_space<vmem_shared>>
    %dma_start3A_2 = arith.constant 0 : i32
    %dma_start3A_3 = tpu.memref_slice %arg7[%mul3A_0, %dma_start3A_2] : memref<10000x64xf32, #tpu.memory_space<hbm>> -> memref<625x64xf32, #tpu.memory_space<hbm>>
    tpu.enqueue_dma source(%dma_start3A_3 : memref<625x64xf32, #tpu.memory_space<hbm>>) target(%dma_start3A_1 : memref<625x64xf32, #tpu.memory_space<vmem_shared>>) target_semaphore(%arg22 : memref<!tpu.dma_semaphore, #tpu.memory_space<semaphore_mem>>)
    %dma_start3A_4 = arith.constant 0 : i32
    %dma_start3A_5 = tpu.memref_slice %arg3[%arg0, %arg1, %dma_start3A_4] : memref<2x16x19968xi32, #tpu.memory_space<hbm>> -> memref<1x1x19968xi32, #tpu.memory_space<hbm>>
    %dma_start3A_6 = tpu.memref_squeeze %dma_start3A_5 : memref<1x1x19968xi32, #tpu.memory_space<hbm>> -> memref<19968xi32, #tpu.memory_space<hbm>>
    %dma_start3A_7 = arith.constant 0 : i32
    %dma_start3A_8 = tpu.memref_slice %arg3[%arg0, %arg1, %dma_start3A_7] : memref<2x16x19968xi32, #tpu.memory_space<hbm>> -> memref<1x1x19968xi32, #tpu.memory_space<hbm>>
    %dma_start3A_9 = tpu.memref_squeeze %dma_start3A_8 : memref<1x1x19968xi32, #tpu.memory_space<hbm>> -> memref<19968xi32, #tpu.memory_space<hbm>>
    tpu.enqueue_dma source(%dma_start3A_9 : memref<19968xi32, #tpu.memory_space<hbm>>) target(%arg10 : memref<19968xi32, #tpu.memory_space<vmem>>) target_semaphore(%arg23 : memref<!tpu.dma_semaphore, #tpu.memory_space<semaphore_mem>>)
    %dma_start3A_10 = arith.constant 0 : i32
    %dma_start3A_11 = tpu.memref_slice %arg4[%arg0, %arg1, %dma_start3A_10] : memref<2x16x32xi32, #tpu.memory_space<hbm>> -> memref<1x1x32xi32, #tpu.memory_space<hbm>>
    %dma_start3A_12 = tpu.memref_squeeze %dma_start3A_11 : memref<1x1x32xi32, #tpu.memory_space<hbm>> -> memref<32xi32, #tpu.memory_space<hbm>>
    %dma_start3A_13 = arith.constant 0 : i32
    %dma_start3A_14 = tpu.memref_slice %arg4[%arg0, %arg1, %dma_start3A_13] : memref<2x16x32xi32, #tpu.memory_space<hbm>> -> memref<1x1x32xi32, #tpu.memory_space<hbm>>
    %dma_start3A_15 = tpu.memref_squeeze %dma_start3A_14 : memref<1x1x32xi32, #tpu.memory_space<hbm>> -> memref<32xi32, #tpu.memory_space<hbm>>
    tpu.enqueue_dma source(%dma_start3A_15 : memref<32xi32, #tpu.memory_space<hbm>>) target(%arg11 : memref<32xi32, #tpu.memory_space<vmem>>) target_semaphore(%arg24 : memref<!tpu.dma_semaphore, #tpu.memory_space<semaphore_mem>>)
    %dma_start3A_16 = arith.constant 0 : i32
    %dma_start3A_17 = arith.constant 0 : i32
    %dma_start3A_18 = tpu.memref_slice %arg5[%arg1, %dma_start3A_16, %dma_start3A_17] : memref<16x156x128xi32, #tpu.memory_space<hbm>> -> memref<1x156x128xi32, #tpu.memory_space<hbm>>
    %dma_start3A_19 = tpu.memref_squeeze %dma_start3A_18 : memref<1x156x128xi32, #tpu.memory_space<hbm>> -> memref<156x128xi32, #tpu.memory_space<hbm>>
    %dma_start3A_20 = arith.constant 0 : i32
    %dma_start3A_21 = arith.constant 0 : i32
    %dma_start3A_22 = tpu.memref_slice %arg5[%arg1, %dma_start3A_20, %dma_start3A_21] : memref<16x156x128xi32, #tpu.memory_space<hbm>> -> memref<1x156x128xi32, #tpu.memory_space<hbm>>
    %dma_start3A_23 = tpu.memref_squeeze %dma_start3A_22 : memref<1x156x128xi32, #tpu.memory_space<hbm>> -> memref<156x128xi32, #tpu.memory_space<hbm>>
    tpu.enqueue_dma source(%dma_start3A_23 : memref<156x128xi32, #tpu.memory_space<hbm>>) target(%arg12 : memref<156x128xi32, #tpu.memory_space<vmem>>) target_semaphore(%arg25 : memref<!tpu.dma_semaphore, #tpu.memory_space<semaphore_mem>>)
    %dma_start3A_24 = arith.constant 0 : i32
    %dma_start3A_25 = arith.constant 0 : i32
    %dma_start3A_26 = tpu.memref_slice %arg6[%arg1, %dma_start3A_24, %dma_start3A_25] : memref<16x1x32xi32, #tpu.memory_space<hbm>> -> memref<1x1x32xi32, #tpu.memory_space<hbm>>
    %dma_start3A_27 = tpu.memref_squeeze %dma_start3A_26 : memref<1x1x32xi32, #tpu.memory_space<hbm>> -> memref<1x32xi32, #tpu.memory_space<hbm>>
    %dma_start3A_28 = arith.constant 0 : i32
    %dma_start3A_29 = arith.constant 0 : i32
    %dma_start3A_30 = tpu.memref_slice %arg6[%arg1, %dma_start3A_28, %dma_start3A_29] : memref<16x1x32xi32, #tpu.memory_space<hbm>> -> memref<1x1x32xi32, #tpu.memory_space<hbm>>
    %dma_start3A_31 = tpu.memref_squeeze %dma_start3A_30 : memref<1x1x32xi32, #tpu.memory_space<hbm>> -> memref<1x32xi32, #tpu.memory_space<hbm>>
    tpu.enqueue_dma source(%dma_start3A_31 : memref<1x32xi32, #tpu.memory_space<hbm>>) target(%arg13 : memref<1x32xi32, #tpu.memory_space<vmem>>) target_semaphore(%arg26 : memref<!tpu.dma_semaphore, #tpu.memory_space<semaphore_mem>>)
    %dma_start3A_32 = arith.constant 0 : i32
    %dma_start3A_33 = arith.constant 0 : i32
    %dma_start3A_34 = tpu.memref_slice %arg8[%arg0, %arg1, %dma_start3A_32, %dma_start3A_33] : memref<2x16x5x125xi32, #tpu.memory_space<hbm>> -> memref<1x1x5x125xi32, #tpu.memory_space<hbm>>
    %dma_start3A_35 = tpu.memref_squeeze %dma_start3A_34 : memref<1x1x5x125xi32, #tpu.memory_space<hbm>> -> memref<5x125xi32, #tpu.memory_space<hbm>>
    %dma_start3A_36 = arith.constant 0 : i32
    %dma_start3A_37 = arith.constant 0 : i32
    %dma_start3A_38 = tpu.memref_slice %arg8[%arg0, %arg1, %dma_start3A_36, %dma_start3A_37] : memref<2x16x5x125xi32, #tpu.memory_space<hbm>> -> memref<1x1x5x125xi32, #tpu.memory_space<hbm>>
    %dma_start3A_39 = tpu.memref_squeeze %dma_start3A_38 : memref<1x1x5x125xi32, #tpu.memory_space<hbm>> -> memref<5x125xi32, #tpu.memory_space<hbm>>
    tpu.enqueue_dma source(%dma_start3A_39 : memref<5x125xi32, #tpu.memory_space<hbm>>) target(%arg14 : memref<5x125xi32, #tpu.memory_space<vmem>>) target_semaphore(%arg27 : memref<!tpu.dma_semaphore, #tpu.memory_space<semaphore_mem>>)
    %dma_wait3A = arith.constant 0 : i32
    %dma_wait3A_40 = tpu.memref_slice %arg21[%mul3A_0, %dma_wait3A] : memref<10000x64xf32, #tpu.memory_space<vmem_shared>> -> memref<625x64xf32, #tpu.memory_space<vmem_shared>>
    %dma_wait3A_41 = arith.constant 0 : i32
    %dma_wait3A_42 = tpu.memref_slice %arg7[%mul3A_0, %dma_wait3A_41] : memref<10000x64xf32, #tpu.memory_space<hbm>> -> memref<625x64xf32, #tpu.memory_space<hbm>>
    tpu.wait_dma2 semaphore(%arg22 : memref<!tpu.dma_semaphore, #tpu.memory_space<semaphore_mem>>) src(%dma_wait3A_42 : memref<625x64xf32, #tpu.memory_space<hbm>>) dst(%dma_wait3A_40 : memref<625x64xf32, #tpu.memory_space<vmem_shared>>)
    %dma_wait3A_43 = arith.constant 0 : i32
    %dma_wait3A_44 = tpu.memref_slice %arg3[%arg0, %arg1, %dma_wait3A_43] : memref<2x16x19968xi32, #tpu.memory_space<hbm>> -> memref<1x1x19968xi32, #tpu.memory_space<hbm>>
    %dma_wait3A_45 = tpu.memref_squeeze %dma_wait3A_44 : memref<1x1x19968xi32, #tpu.memory_space<hbm>> -> memref<19968xi32, #tpu.memory_space<hbm>>
    %dma_wait3A_46 = arith.constant 0 : i32
    %dma_wait3A_47 = tpu.memref_slice %arg3[%arg0, %arg1, %dma_wait3A_46] : memref<2x16x19968xi32, #tpu.memory_space<hbm>> -> memref<1x1x19968xi32, #tpu.memory_space<hbm>>
    %dma_wait3A_48 = tpu.memref_squeeze %dma_wait3A_47 : memref<1x1x19968xi32, #tpu.memory_space<hbm>> -> memref<19968xi32, #tpu.memory_space<hbm>>
    tpu.wait_dma2 semaphore(%arg23 : memref<!tpu.dma_semaphore, #tpu.memory_space<semaphore_mem>>) src(%dma_wait3A_48 : memref<19968xi32, #tpu.memory_space<hbm>>) dst(%arg10 : memref<19968xi32, #tpu.memory_space<vmem>>)
    %dma_wait3A_49 = arith.constant 0 : i32
    %dma_wait3A_50 = tpu.memref_slice %arg4[%arg0, %arg1, %dma_wait3A_49] : memref<2x16x32xi32, #tpu.memory_space<hbm>> -> memref<1x1x32xi32, #tpu.memory_space<hbm>>
    %dma_wait3A_51 = tpu.memref_squeeze %dma_wait3A_50 : memref<1x1x32xi32, #tpu.memory_space<hbm>> -> memref<32xi32, #tpu.memory_space<hbm>>
    %dma_wait3A_52 = arith.constant 0 : i32
    %dma_wait3A_53 = tpu.memref_slice %arg4[%arg0, %arg1, %dma_wait3A_52] : memref<2x16x32xi32, #tpu.memory_space<hbm>> -> memref<1x1x32xi32, #tpu.memory_space<hbm>>
    %dma_wait3A_54 = tpu.memref_squeeze %dma_wait3A_53 : memref<1x1x32xi32, #tpu.memory_space<hbm>> -> memref<32xi32, #tpu.memory_space<hbm>>
    tpu.wait_dma2 semaphore(%arg24 : memref<!tpu.dma_semaphore, #tpu.memory_space<semaphore_mem>>) src(%dma_wait3A_54 : memref<32xi32, #tpu.memory_space<hbm>>) dst(%arg11 : memref<32xi32, #tpu.memory_space<vmem>>)
    %dma_wait3A_55 = arith.constant 0 : i32
    %dma_wait3A_56 = arith.constant 0 : i32
    %dma_wait3A_57 = tpu.memref_slice %arg5[%arg1, %dma_wait3A_55, %dma_wait3A_56] : memref<16x156x128xi32, #tpu.memory_space<hbm>> -> memref<1x156x128xi32, #tpu.memory_space<hbm>>
    %dma_wait3A_58 = tpu.memref_squeeze %dma_wait3A_57 : memref<1x156x128xi32, #tpu.memory_space<hbm>> -> memref<156x128xi32, #tpu.memory_space<hbm>>
    %dma_wait3A_59 = arith.constant 0 : i32
    %dma_wait3A_60 = arith.constant 0 : i32
    %dma_wait3A_61 = tpu.memref_slice %arg5[%arg1, %dma_wait3A_59, %dma_wait3A_60] : memref<16x156x128xi32, #tpu.memory_space<hbm>> -> memref<1x156x128xi32, #tpu.memory_space<hbm>>
    %dma_wait3A_62 = tpu.memref_squeeze %dma_wait3A_61 : memref<1x156x128xi32, #tpu.memory_space<hbm>> -> memref<156x128xi32, #tpu.memory_space<hbm>>
    tpu.wait_dma2 semaphore(%arg25 : memref<!tpu.dma_semaphore, #tpu.memory_space<semaphore_mem>>) src(%dma_wait3A_62 : memref<156x128xi32, #tpu.memory_space<hbm>>) dst(%arg12 : memref<156x128xi32, #tpu.memory_space<vmem>>)
    %dma_wait3A_63 = arith.constant 0 : i32
    %dma_wait3A_64 = arith.constant 0 : i32
    %dma_wait3A_65 = tpu.memref_slice %arg6[%arg1, %dma_wait3A_63, %dma_wait3A_64] : memref<16x1x32xi32, #tpu.memory_space<hbm>> -> memref<1x1x32xi32, #tpu.memory_space<hbm>>
    %dma_wait3A_66 = tpu.memref_squeeze %dma_wait3A_65 : memref<1x1x32xi32, #tpu.memory_space<hbm>> -> memref<1x32xi32, #tpu.memory_space<hbm>>
    %dma_wait3A_67 = arith.constant 0 : i32
    %dma_wait3A_68 = arith.constant 0 : i32
    %dma_wait3A_69 = tpu.memref_slice %arg6[%arg1, %dma_wait3A_67, %dma_wait3A_68] : memref<16x1x32xi32, #tpu.memory_space<hbm>> -> memref<1x1x32xi32, #tpu.memory_space<hbm>>
    %dma_wait3A_70 = tpu.memref_squeeze %dma_wait3A_69 : memref<1x1x32xi32, #tpu.memory_space<hbm>> -> memref<1x32xi32, #tpu.memory_space<hbm>>
    tpu.wait_dma2 semaphore(%arg26 : memref<!tpu.dma_semaphore, #tpu.memory_space<semaphore_mem>>) src(%dma_wait3A_70 : memref<1x32xi32, #tpu.memory_space<hbm>>) dst(%arg13 : memref<1x32xi32, #tpu.memory_space<vmem>>)
    %dma_wait3A_71 = arith.constant 0 : i32
    %dma_wait3A_72 = arith.constant 0 : i32
    %dma_wait3A_73 = tpu.memref_slice %arg8[%arg0, %arg1, %dma_wait3A_71, %dma_wait3A_72] : memref<2x16x5x125xi32, #tpu.memory_space<hbm>> -> memref<1x1x5x125xi32, #tpu.memory_space<hbm>>
    %dma_wait3A_74 = tpu.memref_squeeze %dma_wait3A_73 : memref<1x1x5x125xi32, #tpu.memory_space<hbm>> -> memref<5x125xi32, #tpu.memory_space<hbm>>
    %dma_wait3A_75 = arith.constant 0 : i32
    %dma_wait3A_76 = arith.constant 0 : i32
    %dma_wait3A_77 = tpu.memref_slice %arg8[%arg0, %arg1, %dma_wait3A_75, %dma_wait3A_76] : memref<2x16x5x125xi32, #tpu.memory_space<hbm>> -> memref<1x1x5x125xi32, #tpu.memory_space<hbm>>
    %dma_wait3A_78 = tpu.memref_squeeze %dma_wait3A_77 : memref<1x1x5x125xi32, #tpu.memory_space<hbm>> -> memref<5x125xi32, #tpu.memory_space<hbm>>
    tpu.wait_dma2 semaphore(%arg27 : memref<!tpu.dma_semaphore, #tpu.memory_space<semaphore_mem>>) src(%dma_wait3A_78 : memref<5x125xi32, #tpu.memory_space<hbm>>) dst(%arg14 : memref<5x125xi32, #tpu.memory_space<vmem>>)
    %barrier3A = arith.constant 0 : index
    tpu.barrier barrier_id(%barrier3A)
    %dma_start3A_79 = arith.constant 0 : i32
    %dma_start3A_80 = tpu.memref_slice %arg10[%dma_start3A_79] : memref<19968xi32, #tpu.memory_space<vmem>> -> memref<128xi32, #tpu.memory_space<vmem>>
    %dma_start3A_81 = arith.constant 0 : i32
    %dma_start3A_82 = arith.constant 0 : i32
    %dma_start3A_83 = tpu.memref_slice %arg2[%dma_start3A_81, %dma_start3A_82] : memref<20000x64xf32, #tpu.memory_space<hbm>> -> memref<20000x64xf32, #tpu.memory_space<hbm>>
    tpu.enqueue_indirect_dma source(%dma_start3A_83 : memref<20000x64xf32, #tpu.memory_space<hbm>>) target(%arg17 : memref<128x64xf32, #tpu.memory_space<vmem>>) offsets(%dma_start3A_80 : memref<128xi32, #tpu.memory_space<vmem>>) semaphore(%arg22 : memref<!tpu.dma_semaphore, #tpu.memory_space<semaphore_mem>>)
    %dma_start3A_84 = arith.constant 128 : i32
    %dma_start3A_85 = tpu.memref_slice %arg10[%dma_start3A_84] : memref<19968xi32, #tpu.memory_space<vmem>> -> memref<128xi32, #tpu.memory_space<vmem>>
    %dma_start3A_86 = arith.constant 0 : i32
    %dma_start3A_87 = arith.constant 0 : i32
    %dma_start3A_88 = tpu.memref_slice %arg2[%dma_start3A_86, %dma_start3A_87] : memref<20000x64xf32, #tpu.memory_space<hbm>> -> memref<20000x64xf32, #tpu.memory_space<hbm>>
    tpu.enqueue_indirect_dma source(%dma_start3A_88 : memref<20000x64xf32, #tpu.memory_space<hbm>>) target(%arg18 : memref<128x64xf32, #tpu.memory_space<vmem>>) offsets(%dma_start3A_85 : memref<128xi32, #tpu.memory_space<vmem>>) semaphore(%arg23 : memref<!tpu.dma_semaphore, #tpu.memory_space<semaphore_mem>>)
    %dma_start3A_89 = arith.constant 256 : i32
    %dma_start3A_90 = tpu.memref_slice %arg10[%dma_start3A_89] : memref<19968xi32, #tpu.memory_space<vmem>> -> memref<128xi32, #tpu.memory_space<vmem>>
    %dma_start3A_91 = arith.constant 0 : i32
    %dma_start3A_92 = arith.constant 0 : i32
    %dma_start3A_93 = tpu.memref_slice %arg2[%dma_start3A_91, %dma_start3A_92] : memref<20000x64xf32, #tpu.memory_space<hbm>> -> memref<20000x64xf32, #tpu.memory_space<hbm>>
    tpu.enqueue_indirect_dma source(%dma_start3A_93 : memref<20000x64xf32, #tpu.memory_space<hbm>>) target(%arg19 : memref<128x64xf32, #tpu.memory_space<vmem>>) offsets(%dma_start3A_90 : memref<128xi32, #tpu.memory_space<vmem>>) semaphore(%arg24 : memref<!tpu.dma_semaphore, #tpu.memory_space<semaphore_mem>>)
    %dma_start3A_94 = arith.constant 384 : i32
    %dma_start3A_95 = tpu.memref_slice %arg10[%dma_start3A_94] : memref<19968xi32, #tpu.memory_space<vmem>> -> memref<128xi32, #tpu.memory_space<vmem>>
    %dma_start3A_96 = arith.constant 0 : i32
    %dma_start3A_97 = arith.constant 0 : i32
    %dma_start3A_98 = tpu.memref_slice %arg2[%dma_start3A_96, %dma_start3A_97] : memref<20000x64xf32, #tpu.memory_space<hbm>> -> memref<20000x64xf32, #tpu.memory_space<hbm>>
    tpu.enqueue_indirect_dma source(%dma_start3A_98 : memref<20000x64xf32, #tpu.memory_space<hbm>>) target(%arg20 : memref<128x64xf32, #tpu.memory_space<vmem>>) offsets(%dma_start3A_95 : memref<128xi32, #tpu.memory_space<vmem>>) semaphore(%arg25 : memref<!tpu.dma_semaphore, #tpu.memory_space<semaphore_mem>>)
    %scan3A = arith.constant 0 : i32
    %scan3A_99 = arith.constant 0 : i32
    %scan3A_100 = arith.constant 38 : i32
    %scan3A_101 = arith.addi %scan3A_99, %scan3A_100 : i32
    %scan3A_102 = arith.constant 1 : i32
    scf.for %scan3A_292 = %scan3A_99 to %scan3A_101 step %scan3A_102  : i32 {
      %mul3A_293 = arith.constant 4 : i32
      %mul3A_294 = arith.muli %scan3A_292, %mul3A_293 : i32
      %add3A_295 = arith.constant 0 : i32
      %add3A_296 = arith.addi %mul3A_294, %add3A_295 : i32
      %mul3A_297 = arith.constant 128 : i32
      %mul3A_298 = arith.muli %add3A_296, %mul3A_297 : i32
      %dma_wait3A_299 = tpu.memref_slice %arg10[%mul3A_298] : memref<19968xi32, #tpu.memory_space<vmem>> -> memref<128xi32, #tpu.memory_space<vmem>>
      %dma_wait3A_300 = arith.constant 0 : i32
      %dma_wait3A_301 = arith.constant 0 : i32
      %dma_wait3A_302 = tpu.memref_slice %arg2[%dma_wait3A_300, %dma_wait3A_301] : memref<20000x64xf32, #tpu.memory_space<hbm>> -> memref<20000x64xf32, #tpu.memory_space<hbm>>
      tpu.wait_indirect_dma semaphore(%arg22 : memref<!tpu.dma_semaphore, #tpu.memory_space<semaphore_mem>>) src(%dma_wait3A_302 : memref<20000x64xf32, #tpu.memory_space<hbm>>) dst(%arg17 : memref<128x64xf32, #tpu.memory_space<vmem>>)
      %add3A_303 = arith.constant 0 : i32
      %add3A_304 = arith.addi %mul3A_294, %add3A_303 : i32
      %dma_start3A_305 = arith.constant 0 : i32
      %dma_start3A_306 = tpu.memref_slice %arg12[%add3A_304, %dma_start3A_305] : memref<156x128xi32, #tpu.memory_space<vmem>> -> memref<1x128xi32, #tpu.memory_space<vmem>>
      %dma_start3A_307 = tpu.memref_squeeze %dma_start3A_306 : memref<1x128xi32, #tpu.memory_space<vmem>> -> memref<128xi32, #tpu.memory_space<vmem>>
      %dma_start3A_308 = arith.constant 0 : i32
      %dma_start3A_309 = arith.constant 0 : i32
      %dma_start3A_310 = tpu.memref_slice %arg21[%dma_start3A_308, %dma_start3A_309] : memref<10000x64xf32, #tpu.memory_space<vmem_shared>> -> memref<10000x64xf32, #tpu.memory_space<vmem_shared>>
      tpu.enqueue_indirect_dma source(%arg17 : memref<128x64xf32, #tpu.memory_space<vmem>>) target(%dma_start3A_310 : memref<10000x64xf32, #tpu.memory_space<vmem_shared>>) offsets(%dma_start3A_307 : memref<128xi32, #tpu.memory_space<vmem>>) semaphore(%arg26 : memref<!tpu.dma_semaphore, #tpu.memory_space<semaphore_mem>>) {add = true}
      %add3A_311 = arith.constant 1 : i32
      %add3A_312 = arith.addi %mul3A_294, %add3A_311 : i32
      %mul3A_313 = arith.constant 128 : i32
      %mul3A_314 = arith.muli %add3A_312, %mul3A_313 : i32
      %dma_wait3A_315 = tpu.memref_slice %arg10[%mul3A_314] : memref<19968xi32, #tpu.memory_space<vmem>> -> memref<128xi32, #tpu.memory_space<vmem>>
      %dma_wait3A_316 = arith.constant 0 : i32
      %dma_wait3A_317 = arith.constant 0 : i32
      %dma_wait3A_318 = tpu.memref_slice %arg2[%dma_wait3A_316, %dma_wait3A_317] : memref<20000x64xf32, #tpu.memory_space<hbm>> -> memref<20000x64xf32, #tpu.memory_space<hbm>>
      tpu.wait_indirect_dma semaphore(%arg23 : memref<!tpu.dma_semaphore, #tpu.memory_space<semaphore_mem>>) src(%dma_wait3A_318 : memref<20000x64xf32, #tpu.memory_space<hbm>>) dst(%arg18 : memref<128x64xf32, #tpu.memory_space<vmem>>)
      %add3A_319 = arith.constant 1 : i32
      %add3A_320 = arith.addi %mul3A_294, %add3A_319 : i32
      %dma_start3A_321 = arith.constant 0 : i32
      %dma_start3A_322 = tpu.memref_slice %arg12[%add3A_320, %dma_start3A_321] : memref<156x128xi32, #tpu.memory_space<vmem>> -> memref<1x128xi32, #tpu.memory_space<vmem>>
      %dma_start3A_323 = tpu.memref_squeeze %dma_start3A_322 : memref<1x128xi32, #tpu.memory_space<vmem>> -> memref<128xi32, #tpu.memory_space<vmem>>
      %dma_start3A_324 = arith.constant 0 : i32
      %dma_start3A_325 = arith.constant 0 : i32
      %dma_start3A_326 = tpu.memref_slice %arg21[%dma_start3A_324, %dma_start3A_325] : memref<10000x64xf32, #tpu.memory_space<vmem_shared>> -> memref<10000x64xf32, #tpu.memory_space<vmem_shared>>
      tpu.enqueue_indirect_dma source(%arg18 : memref<128x64xf32, #tpu.memory_space<vmem>>) target(%dma_start3A_326 : memref<10000x64xf32, #tpu.memory_space<vmem_shared>>) offsets(%dma_start3A_323 : memref<128xi32, #tpu.memory_space<vmem>>) semaphore(%arg27 : memref<!tpu.dma_semaphore, #tpu.memory_space<semaphore_mem>>) {add = true}
      %add3A_327 = arith.constant 2 : i32
      %add3A_328 = arith.addi %mul3A_294, %add3A_327 : i32
      %mul3A_329 = arith.constant 128 : i32
      %mul3A_330 = arith.muli %add3A_328, %mul3A_329 : i32
      %dma_wait3A_331 = tpu.memref_slice %arg10[%mul3A_330] : memref<19968xi32, #tpu.memory_space<vmem>> -> memref<128xi32, #tpu.memory_space<vmem>>
      %dma_wait3A_332 = arith.constant 0 : i32
      %dma_wait3A_333 = arith.constant 0 : i32
      %dma_wait3A_334 = tpu.memref_slice %arg2[%dma_wait3A_332, %dma_wait3A_333] : memref<20000x64xf32, #tpu.memory_space<hbm>> -> memref<20000x64xf32, #tpu.memory_space<hbm>>
      tpu.wait_indirect_dma semaphore(%arg24 : memref<!tpu.dma_semaphore, #tpu.memory_space<semaphore_mem>>) src(%dma_wait3A_334 : memref<20000x64xf32, #tpu.memory_space<hbm>>) dst(%arg19 : memref<128x64xf32, #tpu.memory_space<vmem>>)
      %add3A_335 = arith.constant 2 : i32
      %add3A_336 = arith.addi %mul3A_294, %add3A_335 : i32
      %dma_start3A_337 = arith.constant 0 : i32
      %dma_start3A_338 = tpu.memref_slice %arg12[%add3A_336, %dma_start3A_337] : memref<156x128xi32, #tpu.memory_space<vmem>> -> memref<1x128xi32, #tpu.memory_space<vmem>>
      %dma_start3A_339 = tpu.memref_squeeze %dma_start3A_338 : memref<1x128xi32, #tpu.memory_space<vmem>> -> memref<128xi32, #tpu.memory_space<vmem>>
      %dma_start3A_340 = arith.constant 0 : i32
      %dma_start3A_341 = arith.constant 0 : i32
      %dma_start3A_342 = tpu.memref_slice %arg21[%dma_start3A_340, %dma_start3A_341] : memref<10000x64xf32, #tpu.memory_space<vmem_shared>> -> memref<10000x64xf32, #tpu.memory_space<vmem_shared>>
      tpu.enqueue_indirect_dma source(%arg19 : memref<128x64xf32, #tpu.memory_space<vmem>>) target(%dma_start3A_342 : memref<10000x64xf32, #tpu.memory_space<vmem_shared>>) offsets(%dma_start3A_339 : memref<128xi32, #tpu.memory_space<vmem>>) semaphore(%arg28 : memref<!tpu.dma_semaphore, #tpu.memory_space<semaphore_mem>>) {add = true}
      %add3A_343 = arith.constant 3 : i32
      %add3A_344 = arith.addi %mul3A_294, %add3A_343 : i32
      %mul3A_345 = arith.constant 128 : i32
      %mul3A_346 = arith.muli %add3A_344, %mul3A_345 : i32
      %dma_wait3A_347 = tpu.memref_slice %arg10[%mul3A_346] : memref<19968xi32, #tpu.memory_space<vmem>> -> memref<128xi32, #tpu.memory_space<vmem>>
      %dma_wait3A_348 = arith.constant 0 : i32
      %dma_wait3A_349 = arith.constant 0 : i32
      %dma_wait3A_350 = tpu.memref_slice %arg2[%dma_wait3A_348, %dma_wait3A_349] : memref<20000x64xf32, #tpu.memory_space<hbm>> -> memref<20000x64xf32, #tpu.memory_space<hbm>>
      tpu.wait_indirect_dma semaphore(%arg25 : memref<!tpu.dma_semaphore, #tpu.memory_space<semaphore_mem>>) src(%dma_wait3A_350 : memref<20000x64xf32, #tpu.memory_space<hbm>>) dst(%arg20 : memref<128x64xf32, #tpu.memory_space<vmem>>)
      %add3A_351 = arith.constant 3 : i32
      %add3A_352 = arith.addi %mul3A_294, %add3A_351 : i32
      %dma_start3A_353 = arith.constant 0 : i32
      %dma_start3A_354 = tpu.memref_slice %arg12[%add3A_352, %dma_start3A_353] : memref<156x128xi32, #tpu.memory_space<vmem>> -> memref<1x128xi32, #tpu.memory_space<vmem>>
      %dma_start3A_355 = tpu.memref_squeeze %dma_start3A_354 : memref<1x128xi32, #tpu.memory_space<vmem>> -> memref<128xi32, #tpu.memory_space<vmem>>
      %dma_start3A_356 = arith.constant 0 : i32
      %dma_start3A_357 = arith.constant 0 : i32
      %dma_start3A_358 = tpu.memref_slice %arg21[%dma_start3A_356, %dma_start3A_357] : memref<10000x64xf32, #tpu.memory_space<vmem_shared>> -> memref<10000x64xf32, #tpu.memory_space<vmem_shared>>
      tpu.enqueue_indirect_dma source(%arg20 : memref<128x64xf32, #tpu.memory_space<vmem>>) target(%dma_start3A_358 : memref<10000x64xf32, #tpu.memory_space<vmem_shared>>) offsets(%dma_start3A_355 : memref<128xi32, #tpu.memory_space<vmem>>) semaphore(%arg29 : memref<!tpu.dma_semaphore, #tpu.memory_space<semaphore_mem>>) {add = true}
      %dma_wait3A_359 = arith.constant 0 : i32
      %dma_wait3A_360 = tpu.memref_slice %arg12[%add3A_304, %dma_wait3A_359] : memref<156x128xi32, #tpu.memory_space<vmem>> -> memref<1x128xi32, #tpu.memory_space<vmem>>
      %dma_wait3A_361 = tpu.memref_squeeze %dma_wait3A_360 : memref<1x128xi32, #tpu.memory_space<vmem>> -> memref<128xi32, #tpu.memory_space<vmem>>
      %dma_wait3A_362 = arith.constant 0 : i32
      %dma_wait3A_363 = arith.constant 0 : i32
      %dma_wait3A_364 = tpu.memref_slice %arg21[%dma_wait3A_362, %dma_wait3A_363] : memref<10000x64xf32, #tpu.memory_space<vmem_shared>> -> memref<10000x64xf32, #tpu.memory_space<vmem_shared>>
      tpu.wait_indirect_dma semaphore(%arg26 : memref<!tpu.dma_semaphore, #tpu.memory_space<semaphore_mem>>) src(%arg17 : memref<128x64xf32, #tpu.memory_space<vmem>>) dst(%dma_wait3A_364 : memref<10000x64xf32, #tpu.memory_space<vmem_shared>>)
      %add3A_365 = arith.constant 4 : i32
      %add3A_366 = arith.addi %mul3A_294, %add3A_365 : i32
      %add3A_367 = arith.constant 0 : i32
      %add3A_368 = arith.addi %add3A_366, %add3A_367 : i32
      %mul3A_369 = arith.constant 128 : i32
      %mul3A_370 = arith.muli %add3A_368, %mul3A_369 : i32
      %dma_start3A_371 = tpu.memref_slice %arg10[%mul3A_370] : memref<19968xi32, #tpu.memory_space<vmem>> -> memref<128xi32, #tpu.memory_space<vmem>>
      %dma_start3A_372 = arith.constant 0 : i32
      %dma_start3A_373 = arith.constant 0 : i32
      %dma_start3A_374 = tpu.memref_slice %arg2[%dma_start3A_372, %dma_start3A_373] : memref<20000x64xf32, #tpu.memory_space<hbm>> -> memref<20000x64xf32, #tpu.memory_space<hbm>>
      tpu.enqueue_indirect_dma source(%dma_start3A_374 : memref<20000x64xf32, #tpu.memory_space<hbm>>) target(%arg17 : memref<128x64xf32, #tpu.memory_space<vmem>>) offsets(%dma_start3A_371 : memref<128xi32, #tpu.memory_space<vmem>>) semaphore(%arg22 : memref<!tpu.dma_semaphore, #tpu.memory_space<semaphore_mem>>)
      %dma_wait3A_375 = arith.constant 0 : i32
      %dma_wait3A_376 = tpu.memref_slice %arg12[%add3A_320, %dma_wait3A_375] : memref<156x128xi32, #tpu.memory_space<vmem>> -> memref<1x128xi32, #tpu.memory_space<vmem>>
      %dma_wait3A_377 = tpu.memref_squeeze %dma_wait3A_376 : memref<1x128xi32, #tpu.memory_space<vmem>> -> memref<128xi32, #tpu.memory_space<vmem>>
      %dma_wait3A_378 = arith.constant 0 : i32
      %dma_wait3A_379 = arith.constant 0 : i32
      %dma_wait3A_380 = tpu.memref_slice %arg21[%dma_wait3A_378, %dma_wait3A_379] : memref<10000x64xf32, #tpu.memory_space<vmem_shared>> -> memref<10000x64xf32, #tpu.memory_space<vmem_shared>>
      tpu.wait_indirect_dma semaphore(%arg27 : memref<!tpu.dma_semaphore, #tpu.memory_space<semaphore_mem>>) src(%arg18 : memref<128x64xf32, #tpu.memory_space<vmem>>) dst(%dma_wait3A_380 : memref<10000x64xf32, #tpu.memory_space<vmem_shared>>)
      %add3A_381 = arith.constant 4 : i32
      %add3A_382 = arith.addi %mul3A_294, %add3A_381 : i32
      %add3A_383 = arith.constant 1 : i32
      %add3A_384 = arith.addi %add3A_382, %add3A_383 : i32
      %mul3A_385 = arith.constant 128 : i32
      %mul3A_386 = arith.muli %add3A_384, %mul3A_385 : i32
      %dma_start3A_387 = tpu.memref_slice %arg10[%mul3A_386] : memref<19968xi32, #tpu.memory_space<vmem>> -> memref<128xi32, #tpu.memory_space<vmem>>
      %dma_start3A_388 = arith.constant 0 : i32
      %dma_start3A_389 = arith.constant 0 : i32
      %dma_start3A_390 = tpu.memref_slice %arg2[%dma_start3A_388, %dma_start3A_389] : memref<20000x64xf32, #tpu.memory_space<hbm>> -> memref<20000x64xf32, #tpu.memory_space<hbm>>
      tpu.enqueue_indirect_dma source(%dma_start3A_390 : memref<20000x64xf32, #tpu.memory_space<hbm>>) target(%arg18 : memref<128x64xf32, #tpu.memory_space<vmem>>) offsets(%dma_start3A_387 : memref<128xi32, #tpu.memory_space<vmem>>) semaphore(%arg23 : memref<!tpu.dma_semaphore, #tpu.memory_space<semaphore_mem>>)
      %dma_wait3A_391 = arith.constant 0 : i32
      %dma_wait3A_392 = tpu.memref_slice %arg12[%add3A_336, %dma_wait3A_391] : memref<156x128xi32, #tpu.memory_space<vmem>> -> memref<1x128xi32, #tpu.memory_space<vmem>>
      %dma_wait3A_393 = tpu.memref_squeeze %dma_wait3A_392 : memref<1x128xi32, #tpu.memory_space<vmem>> -> memref<128xi32, #tpu.memory_space<vmem>>
      %dma_wait3A_394 = arith.constant 0 : i32
      %dma_wait3A_395 = arith.constant 0 : i32
      %dma_wait3A_396 = tpu.memref_slice %arg21[%dma_wait3A_394, %dma_wait3A_395] : memref<10000x64xf32, #tpu.memory_space<vmem_shared>> -> memref<10000x64xf32, #tpu.memory_space<vmem_shared>>
      tpu.wait_indirect_dma semaphore(%arg28 : memref<!tpu.dma_semaphore, #tpu.memory_space<semaphore_mem>>) src(%arg19 : memref<128x64xf32, #tpu.memory_space<vmem>>) dst(%dma_wait3A_396 : memref<10000x64xf32, #tpu.memory_space<vmem_shared>>)
      %add3A_397 = arith.constant 4 : i32
      %add3A_398 = arith.addi %mul3A_294, %add3A_397 : i32
      %add3A_399 = arith.constant 2 : i32
      %add3A_400 = arith.addi %add3A_398, %add3A_399 : i32
      %mul3A_401 = arith.constant 128 : i32
      %mul3A_402 = arith.muli %add3A_400, %mul3A_401 : i32
      %dma_start3A_403 = tpu.memref_slice %arg10[%mul3A_402] : memref<19968xi32, #tpu.memory_space<vmem>> -> memref<128xi32, #tpu.memory_space<vmem>>
      %dma_start3A_404 = arith.constant 0 : i32
      %dma_start3A_405 = arith.constant 0 : i32
      %dma_start3A_406 = tpu.memref_slice %arg2[%dma_start3A_404, %dma_start3A_405] : memref<20000x64xf32, #tpu.memory_space<hbm>> -> memref<20000x64xf32, #tpu.memory_space<hbm>>
      tpu.enqueue_indirect_dma source(%dma_start3A_406 : memref<20000x64xf32, #tpu.memory_space<hbm>>) target(%arg19 : memref<128x64xf32, #tpu.memory_space<vmem>>) offsets(%dma_start3A_403 : memref<128xi32, #tpu.memory_space<vmem>>) semaphore(%arg24 : memref<!tpu.dma_semaphore, #tpu.memory_space<semaphore_mem>>)
      %dma_wait3A_407 = arith.constant 0 : i32
      %dma_wait3A_408 = tpu.memref_slice %arg12[%add3A_352, %dma_wait3A_407] : memref<156x128xi32, #tpu.memory_space<vmem>> -> memref<1x128xi32, #tpu.memory_space<vmem>>
      %dma_wait3A_409 = tpu.memref_squeeze %dma_wait3A_408 : memref<1x128xi32, #tpu.memory_space<vmem>> -> memref<128xi32, #tpu.memory_space<vmem>>
      %dma_wait3A_410 = arith.constant 0 : i32
      %dma_wait3A_411 = arith.constant 0 : i32
      %dma_wait3A_412 = tpu.memref_slice %arg21[%dma_wait3A_410, %dma_wait3A_411] : memref<10000x64xf32, #tpu.memory_space<vmem_shared>> -> memref<10000x64xf32, #tpu.memory_space<vmem_shared>>
      tpu.wait_indirect_dma semaphore(%arg29 : memref<!tpu.dma_semaphore, #tpu.memory_space<semaphore_mem>>) src(%arg20 : memref<128x64xf32, #tpu.memory_space<vmem>>) dst(%dma_wait3A_412 : memref<10000x64xf32, #tpu.memory_space<vmem_shared>>)
      %add3A_413 = arith.constant 4 : i32
      %add3A_414 = arith.addi %mul3A_294, %add3A_413 : i32
      %add3A_415 = arith.constant 3 : i32
      %add3A_416 = arith.addi %add3A_414, %add3A_415 : i32
      %mul3A_417 = arith.constant 128 : i32
      %mul3A_418 = arith.muli %add3A_416, %mul3A_417 : i32
      %dma_start3A_419 = tpu.memref_slice %arg10[%mul3A_418] : memref<19968xi32, #tpu.memory_space<vmem>> -> memref<128xi32, #tpu.memory_space<vmem>>
      %dma_start3A_420 = arith.constant 0 : i32
      %dma_start3A_421 = arith.constant 0 : i32
      %dma_start3A_422 = tpu.memref_slice %arg2[%dma_start3A_420, %dma_start3A_421] : memref<20000x64xf32, #tpu.memory_space<hbm>> -> memref<20000x64xf32, #tpu.memory_space<hbm>>
      tpu.enqueue_indirect_dma source(%dma_start3A_422 : memref<20000x64xf32, #tpu.memory_space<hbm>>) target(%arg20 : memref<128x64xf32, #tpu.memory_space<vmem>>) offsets(%dma_start3A_419 : memref<128xi32, #tpu.memory_space<vmem>>) semaphore(%arg25 : memref<!tpu.dma_semaphore, #tpu.memory_space<semaphore_mem>>)
    }
    %scan3A_103 = arith.constant 38 : i32
    %dma_wait3A_104 = arith.constant 19456 : i32
    %dma_wait3A_105 = tpu.memref_slice %arg10[%dma_wait3A_104] : memref<19968xi32, #tpu.memory_space<vmem>> -> memref<128xi32, #tpu.memory_space<vmem>>
    %dma_wait3A_106 = arith.constant 0 : i32
    %dma_wait3A_107 = arith.constant 0 : i32
    %dma_wait3A_108 = tpu.memref_slice %arg2[%dma_wait3A_106, %dma_wait3A_107] : memref<20000x64xf32, #tpu.memory_space<hbm>> -> memref<20000x64xf32, #tpu.memory_space<hbm>>
    tpu.wait_indirect_dma semaphore(%arg22 : memref<!tpu.dma_semaphore, #tpu.memory_space<semaphore_mem>>) src(%dma_wait3A_108 : memref<20000x64xf32, #tpu.memory_space<hbm>>) dst(%arg17 : memref<128x64xf32, #tpu.memory_space<vmem>>)
    %dma_start3A_109 = arith.constant 152 : i32
    %dma_start3A_110 = arith.constant 0 : i32
    %dma_start3A_111 = tpu.memref_slice %arg12[%dma_start3A_109, %dma_start3A_110] : memref<156x128xi32, #tpu.memory_space<vmem>> -> memref<1x128xi32, #tpu.memory_space<vmem>>
    %dma_start3A_112 = tpu.memref_squeeze %dma_start3A_111 : memref<1x128xi32, #tpu.memory_space<vmem>> -> memref<128xi32, #tpu.memory_space<vmem>>
    %dma_start3A_113 = arith.constant 0 : i32
    %dma_start3A_114 = arith.constant 0 : i32
    %dma_start3A_115 = tpu.memref_slice %arg21[%dma_start3A_113, %dma_start3A_114] : memref<10000x64xf32, #tpu.memory_space<vmem_shared>> -> memref<10000x64xf32, #tpu.memory_space<vmem_shared>>
    tpu.enqueue_indirect_dma source(%arg17 : memref<128x64xf32, #tpu.memory_space<vmem>>) target(%dma_start3A_115 : memref<10000x64xf32, #tpu.memory_space<vmem_shared>>) offsets(%dma_start3A_112 : memref<128xi32, #tpu.memory_space<vmem>>) semaphore(%arg26 : memref<!tpu.dma_semaphore, #tpu.memory_space<semaphore_mem>>) {add = true}
    %dma_wait3A_116 = arith.constant 19584 : i32
    %dma_wait3A_117 = tpu.memref_slice %arg10[%dma_wait3A_116] : memref<19968xi32, #tpu.memory_space<vmem>> -> memref<128xi32, #tpu.memory_space<vmem>>
    %dma_wait3A_118 = arith.constant 0 : i32
    %dma_wait3A_119 = arith.constant 0 : i32
    %dma_wait3A_120 = tpu.memref_slice %arg2[%dma_wait3A_118, %dma_wait3A_119] : memref<20000x64xf32, #tpu.memory_space<hbm>> -> memref<20000x64xf32, #tpu.memory_space<hbm>>
    tpu.wait_indirect_dma semaphore(%arg23 : memref<!tpu.dma_semaphore, #tpu.memory_space<semaphore_mem>>) src(%dma_wait3A_120 : memref<20000x64xf32, #tpu.memory_space<hbm>>) dst(%arg18 : memref<128x64xf32, #tpu.memory_space<vmem>>)
    %dma_start3A_121 = arith.constant 153 : i32
    %dma_start3A_122 = arith.constant 0 : i32
    %dma_start3A_123 = tpu.memref_slice %arg12[%dma_start3A_121, %dma_start3A_122] : memref<156x128xi32, #tpu.memory_space<vmem>> -> memref<1x128xi32, #tpu.memory_space<vmem>>
    %dma_start3A_124 = tpu.memref_squeeze %dma_start3A_123 : memref<1x128xi32, #tpu.memory_space<vmem>> -> memref<128xi32, #tpu.memory_space<vmem>>
    %dma_start3A_125 = arith.constant 0 : i32
    %dma_start3A_126 = arith.constant 0 : i32
    %dma_start3A_127 = tpu.memref_slice %arg21[%dma_start3A_125, %dma_start3A_126] : memref<10000x64xf32, #tpu.memory_space<vmem_shared>> -> memref<10000x64xf32, #tpu.memory_space<vmem_shared>>
    tpu.enqueue_indirect_dma source(%arg18 : memref<128x64xf32, #tpu.memory_space<vmem>>) target(%dma_start3A_127 : memref<10000x64xf32, #tpu.memory_space<vmem_shared>>) offsets(%dma_start3A_124 : memref<128xi32, #tpu.memory_space<vmem>>) semaphore(%arg27 : memref<!tpu.dma_semaphore, #tpu.memory_space<semaphore_mem>>) {add = true}
    %dma_wait3A_128 = arith.constant 19712 : i32
    %dma_wait3A_129 = tpu.memref_slice %arg10[%dma_wait3A_128] : memref<19968xi32, #tpu.memory_space<vmem>> -> memref<128xi32, #tpu.memory_space<vmem>>
    %dma_wait3A_130 = arith.constant 0 : i32
    %dma_wait3A_131 = arith.constant 0 : i32
    %dma_wait3A_132 = tpu.memref_slice %arg2[%dma_wait3A_130, %dma_wait3A_131] : memref<20000x64xf32, #tpu.memory_space<hbm>> -> memref<20000x64xf32, #tpu.memory_space<hbm>>
    tpu.wait_indirect_dma semaphore(%arg24 : memref<!tpu.dma_semaphore, #tpu.memory_space<semaphore_mem>>) src(%dma_wait3A_132 : memref<20000x64xf32, #tpu.memory_space<hbm>>) dst(%arg19 : memref<128x64xf32, #tpu.memory_space<vmem>>)
    %dma_start3A_133 = arith.constant 154 : i32
    %dma_start3A_134 = arith.constant 0 : i32
    %dma_start3A_135 = tpu.memref_slice %arg12[%dma_start3A_133, %dma_start3A_134] : memref<156x128xi32, #tpu.memory_space<vmem>> -> memref<1x128xi32, #tpu.memory_space<vmem>>
    %dma_start3A_136 = tpu.memref_squeeze %dma_start3A_135 : memref<1x128xi32, #tpu.memory_space<vmem>> -> memref<128xi32, #tpu.memory_space<vmem>>
    %dma_start3A_137 = arith.constant 0 : i32
    %dma_start3A_138 = arith.constant 0 : i32
    %dma_start3A_139 = tpu.memref_slice %arg21[%dma_start3A_137, %dma_start3A_138] : memref<10000x64xf32, #tpu.memory_space<vmem_shared>> -> memref<10000x64xf32, #tpu.memory_space<vmem_shared>>
    tpu.enqueue_indirect_dma source(%arg19 : memref<128x64xf32, #tpu.memory_space<vmem>>) target(%dma_start3A_139 : memref<10000x64xf32, #tpu.memory_space<vmem_shared>>) offsets(%dma_start3A_136 : memref<128xi32, #tpu.memory_space<vmem>>) semaphore(%arg28 : memref<!tpu.dma_semaphore, #tpu.memory_space<semaphore_mem>>) {add = true}
    %dma_wait3A_140 = arith.constant 19840 : i32
    %dma_wait3A_141 = tpu.memref_slice %arg10[%dma_wait3A_140] : memref<19968xi32, #tpu.memory_space<vmem>> -> memref<128xi32, #tpu.memory_space<vmem>>
    %dma_wait3A_142 = arith.constant 0 : i32
    %dma_wait3A_143 = arith.constant 0 : i32
    %dma_wait3A_144 = tpu.memref_slice %arg2[%dma_wait3A_142, %dma_wait3A_143] : memref<20000x64xf32, #tpu.memory_space<hbm>> -> memref<20000x64xf32, #tpu.memory_space<hbm>>
    tpu.wait_indirect_dma semaphore(%arg25 : memref<!tpu.dma_semaphore, #tpu.memory_space<semaphore_mem>>) src(%dma_wait3A_144 : memref<20000x64xf32, #tpu.memory_space<hbm>>) dst(%arg20 : memref<128x64xf32, #tpu.memory_space<vmem>>)
    %dma_start3A_145 = arith.constant 155 : i32
    %dma_start3A_146 = arith.constant 0 : i32
    %dma_start3A_147 = tpu.memref_slice %arg12[%dma_start3A_145, %dma_start3A_146] : memref<156x128xi32, #tpu.memory_space<vmem>> -> memref<1x128xi32, #tpu.memory_space<vmem>>
    %dma_start3A_148 = tpu.memref_squeeze %dma_start3A_147 : memref<1x128xi32, #tpu.memory_space<vmem>> -> memref<128xi32, #tpu.memory_space<vmem>>
    %dma_start3A_149 = arith.constant 0 : i32
    %dma_start3A_150 = arith.constant 0 : i32
    %dma_start3A_151 = tpu.memref_slice %arg21[%dma_start3A_149, %dma_start3A_150] : memref<10000x64xf32, #tpu.memory_space<vmem_shared>> -> memref<10000x64xf32, #tpu.memory_space<vmem_shared>>
    tpu.enqueue_indirect_dma source(%arg20 : memref<128x64xf32, #tpu.memory_space<vmem>>) target(%dma_start3A_151 : memref<10000x64xf32, #tpu.memory_space<vmem_shared>>) offsets(%dma_start3A_148 : memref<128xi32, #tpu.memory_space<vmem>>) semaphore(%arg29 : memref<!tpu.dma_semaphore, #tpu.memory_space<semaphore_mem>>) {add = true}
    %dma_wait3A_152 = arith.constant 152 : i32
    %dma_wait3A_153 = arith.constant 0 : i32
    %dma_wait3A_154 = tpu.memref_slice %arg12[%dma_wait3A_152, %dma_wait3A_153] : memref<156x128xi32, #tpu.memory_space<vmem>> -> memref<1x128xi32, #tpu.memory_space<vmem>>
    %dma_wait3A_155 = tpu.memref_squeeze %dma_wait3A_154 : memref<1x128xi32, #tpu.memory_space<vmem>> -> memref<128xi32, #tpu.memory_space<vmem>>
    %dma_wait3A_156 = arith.constant 0 : i32
    %dma_wait3A_157 = arith.constant 0 : i32
    %dma_wait3A_158 = tpu.memref_slice %arg21[%dma_wait3A_156, %dma_wait3A_157] : memref<10000x64xf32, #tpu.memory_space<vmem_shared>> -> memref<10000x64xf32, #tpu.memory_space<vmem_shared>>
    tpu.wait_indirect_dma semaphore(%arg26 : memref<!tpu.dma_semaphore, #tpu.memory_space<semaphore_mem>>) src(%arg17 : memref<128x64xf32, #tpu.memory_space<vmem>>) dst(%dma_wait3A_158 : memref<10000x64xf32, #tpu.memory_space<vmem_shared>>)
    %dma_wait3A_159 = arith.constant 153 : i32
    %dma_wait3A_160 = arith.constant 0 : i32
    %dma_wait3A_161 = tpu.memref_slice %arg12[%dma_wait3A_159, %dma_wait3A_160] : memref<156x128xi32, #tpu.memory_space<vmem>> -> memref<1x128xi32, #tpu.memory_space<vmem>>
    %dma_wait3A_162 = tpu.memref_squeeze %dma_wait3A_161 : memref<1x128xi32, #tpu.memory_space<vmem>> -> memref<128xi32, #tpu.memory_space<vmem>>
    %dma_wait3A_163 = arith.constant 0 : i32
    %dma_wait3A_164 = arith.constant 0 : i32
    %dma_wait3A_165 = tpu.memref_slice %arg21[%dma_wait3A_163, %dma_wait3A_164] : memref<10000x64xf32, #tpu.memory_space<vmem_shared>> -> memref<10000x64xf32, #tpu.memory_space<vmem_shared>>
    tpu.wait_indirect_dma semaphore(%arg27 : memref<!tpu.dma_semaphore, #tpu.memory_space<semaphore_mem>>) src(%arg18 : memref<128x64xf32, #tpu.memory_space<vmem>>) dst(%dma_wait3A_165 : memref<10000x64xf32, #tpu.memory_space<vmem_shared>>)
    %dma_wait3A_166 = arith.constant 154 : i32
    %dma_wait3A_167 = arith.constant 0 : i32
    %dma_wait3A_168 = tpu.memref_slice %arg12[%dma_wait3A_166, %dma_wait3A_167] : memref<156x128xi32, #tpu.memory_space<vmem>> -> memref<1x128xi32, #tpu.memory_space<vmem>>
    %dma_wait3A_169 = tpu.memref_squeeze %dma_wait3A_168 : memref<1x128xi32, #tpu.memory_space<vmem>> -> memref<128xi32, #tpu.memory_space<vmem>>
    %dma_wait3A_170 = arith.constant 0 : i32
    %dma_wait3A_171 = arith.constant 0 : i32
    %dma_wait3A_172 = tpu.memref_slice %arg21[%dma_wait3A_170, %dma_wait3A_171] : memref<10000x64xf32, #tpu.memory_space<vmem_shared>> -> memref<10000x64xf32, #tpu.memory_space<vmem_shared>>
    tpu.wait_indirect_dma semaphore(%arg28 : memref<!tpu.dma_semaphore, #tpu.memory_space<semaphore_mem>>) src(%arg19 : memref<128x64xf32, #tpu.memory_space<vmem>>) dst(%dma_wait3A_172 : memref<10000x64xf32, #tpu.memory_space<vmem_shared>>)
    %dma_wait3A_173 = arith.constant 155 : i32
    %dma_wait3A_174 = arith.constant 0 : i32
    %dma_wait3A_175 = tpu.memref_slice %arg12[%dma_wait3A_173, %dma_wait3A_174] : memref<156x128xi32, #tpu.memory_space<vmem>> -> memref<1x128xi32, #tpu.memory_space<vmem>>
    %dma_wait3A_176 = tpu.memref_squeeze %dma_wait3A_175 : memref<1x128xi32, #tpu.memory_space<vmem>> -> memref<128xi32, #tpu.memory_space<vmem>>
    %dma_wait3A_177 = arith.constant 0 : i32
    %dma_wait3A_178 = arith.constant 0 : i32
    %dma_wait3A_179 = tpu.memref_slice %arg21[%dma_wait3A_177, %dma_wait3A_178] : memref<10000x64xf32, #tpu.memory_space<vmem_shared>> -> memref<10000x64xf32, #tpu.memory_space<vmem_shared>>
    tpu.wait_indirect_dma semaphore(%arg29 : memref<!tpu.dma_semaphore, #tpu.memory_space<semaphore_mem>>) src(%arg20 : memref<128x64xf32, #tpu.memory_space<vmem>>) dst(%dma_wait3A_179 : memref<10000x64xf32, #tpu.memory_space<vmem_shared>>)
    %dma_start3A_180 = arith.constant 0 : i32
    %dma_start3A_181 = arith.constant 0 : i32
    %dma_start3A_182 = tpu.memref_slice %arg17[%dma_start3A_180, %dma_start3A_181] : memref<128x64xf32, #tpu.memory_space<vmem>> -> memref<32x64xf32, #tpu.memory_space<vmem>>
    %dma_start3A_183 = arith.constant 0 : i32
    %dma_start3A_184 = arith.constant 0 : i32
    %dma_start3A_185 = tpu.memref_slice %arg2[%dma_start3A_183, %dma_start3A_184] : memref<20000x64xf32, #tpu.memory_space<hbm>> -> memref<20000x64xf32, #tpu.memory_space<hbm>>
    tpu.enqueue_indirect_dma source(%dma_start3A_185 : memref<20000x64xf32, #tpu.memory_space<hbm>>) target(%dma_start3A_182 : memref<32x64xf32, #tpu.memory_space<vmem>>) offsets(%arg11 : memref<32xi32, #tpu.memory_space<vmem>>) semaphore(%arg22 : memref<!tpu.dma_semaphore, #tpu.memory_space<semaphore_mem>>)
    %dma_wait3A_186 = arith.constant 0 : i32
    %dma_wait3A_187 = arith.constant 0 : i32
    %dma_wait3A_188 = tpu.memref_slice %arg17[%dma_wait3A_186, %dma_wait3A_187] : memref<128x64xf32, #tpu.memory_space<vmem>> -> memref<32x64xf32, #tpu.memory_space<vmem>>
    %dma_wait3A_189 = arith.constant 0 : i32
    %dma_wait3A_190 = arith.constant 0 : i32
    %dma_wait3A_191 = tpu.memref_slice %arg2[%dma_wait3A_189, %dma_wait3A_190] : memref<20000x64xf32, #tpu.memory_space<hbm>> -> memref<20000x64xf32, #tpu.memory_space<hbm>>
    tpu.wait_indirect_dma semaphore(%arg22 : memref<!tpu.dma_semaphore, #tpu.memory_space<semaphore_mem>>) src(%dma_wait3A_191 : memref<20000x64xf32, #tpu.memory_space<hbm>>) dst(%dma_wait3A_188 : memref<32x64xf32, #tpu.memory_space<vmem>>)
    %dma_start3A_192 = arith.constant 0 : i32
    %dma_start3A_193 = arith.constant 0 : i32
    %dma_start3A_194 = arith.constant 0 : i32
    %dma_start3A_195 = tpu.memref_slice %arg17[%dma_start3A_193, %dma_start3A_194] : memref<128x64xf32, #tpu.memory_space<vmem>> -> memref<32x64xf32, #tpu.memory_space<vmem>>
    %dma_start3A_196 = arith.constant 0 : i32
    %dma_start3A_197 = tpu.memref_slice %arg13[%dma_start3A_192, %dma_start3A_196] : memref<1x32xi32, #tpu.memory_space<vmem>> -> memref<1x32xi32, #tpu.memory_space<vmem>>
    %dma_start3A_198 = tpu.memref_squeeze %dma_start3A_197 : memref<1x32xi32, #tpu.memory_space<vmem>> -> memref<32xi32, #tpu.memory_space<vmem>>
    %dma_start3A_199 = arith.constant 0 : i32
    %dma_start3A_200 = arith.constant 0 : i32
    %dma_start3A_201 = tpu.memref_slice %arg21[%dma_start3A_199, %dma_start3A_200] : memref<10000x64xf32, #tpu.memory_space<vmem_shared>> -> memref<10000x64xf32, #tpu.memory_space<vmem_shared>>
    tpu.enqueue_indirect_dma source(%dma_start3A_195 : memref<32x64xf32, #tpu.memory_space<vmem>>) target(%dma_start3A_201 : memref<10000x64xf32, #tpu.memory_space<vmem_shared>>) offsets(%dma_start3A_198 : memref<32xi32, #tpu.memory_space<vmem>>) semaphore(%arg26 : memref<!tpu.dma_semaphore, #tpu.memory_space<semaphore_mem>>) {add = true}
    %dma_wait3A_202 = arith.constant 0 : i32
    %dma_wait3A_203 = arith.constant 0 : i32
    %dma_wait3A_204 = arith.constant 0 : i32
    %dma_wait3A_205 = tpu.memref_slice %arg17[%dma_wait3A_203, %dma_wait3A_204] : memref<128x64xf32, #tpu.memory_space<vmem>> -> memref<32x64xf32, #tpu.memory_space<vmem>>
    %dma_wait3A_206 = arith.constant 0 : i32
    %dma_wait3A_207 = tpu.memref_slice %arg13[%dma_wait3A_202, %dma_wait3A_206] : memref<1x32xi32, #tpu.memory_space<vmem>> -> memref<1x32xi32, #tpu.memory_space<vmem>>
    %dma_wait3A_208 = tpu.memref_squeeze %dma_wait3A_207 : memref<1x32xi32, #tpu.memory_space<vmem>> -> memref<32xi32, #tpu.memory_space<vmem>>
    %dma_wait3A_209 = arith.constant 0 : i32
    %dma_wait3A_210 = arith.constant 0 : i32
    %dma_wait3A_211 = tpu.memref_slice %arg21[%dma_wait3A_209, %dma_wait3A_210] : memref<10000x64xf32, #tpu.memory_space<vmem_shared>> -> memref<10000x64xf32, #tpu.memory_space<vmem_shared>>
    tpu.wait_indirect_dma semaphore(%arg26 : memref<!tpu.dma_semaphore, #tpu.memory_space<semaphore_mem>>) src(%dma_wait3A_205 : memref<32x64xf32, #tpu.memory_space<vmem>>) dst(%dma_wait3A_211 : memref<10000x64xf32, #tpu.memory_space<vmem_shared>>)
    %barrier3A_212 = arith.constant 0 : index
    tpu.barrier barrier_id(%barrier3A_212)
    %add3A = arith.constant 0 : i32
    %add3A_213 = arith.addi %mul3A_0, %add3A : i32
    "tpu.region"() ({
      %run_scoped3A = tpu.sem_alloc : memref<!tpu.dma_semaphore, #tpu.memory_space<semaphore_mem>>
      %dma_start3A_292 = arith.constant 0 : i32
      %dma_start3A_293 = tpu.memref_slice %arg21[%add3A_213, %dma_start3A_292] : memref<10000x64xf32, #tpu.memory_space<vmem_shared>> -> memref<125x64xf32, #tpu.memory_space<vmem_shared>>
      %dma_start3A_294 = arith.constant 0 : i32
      %dma_start3A_295 = tpu.memref_slice %arg21[%add3A_213, %dma_start3A_294] : memref<10000x64xf32, #tpu.memory_space<vmem_shared>> -> memref<125x64xf32, #tpu.memory_space<vmem_shared>>
      tpu.enqueue_dma source(%dma_start3A_295 : memref<125x64xf32, #tpu.memory_space<vmem_shared>>) target(%arg15 : memref<125x64xf32, #tpu.memory_space<vmem>>) target_semaphore(%run_scoped3A : memref<!tpu.dma_semaphore, #tpu.memory_space<semaphore_mem>>)
      %dma_wait3A_296 = arith.constant 0 : i32
      %dma_wait3A_297 = tpu.memref_slice %arg21[%add3A_213, %dma_wait3A_296] : memref<10000x64xf32, #tpu.memory_space<vmem_shared>> -> memref<125x64xf32, #tpu.memory_space<vmem_shared>>
      %dma_wait3A_298 = arith.constant 0 : i32
      %dma_wait3A_299 = tpu.memref_slice %arg21[%add3A_213, %dma_wait3A_298] : memref<10000x64xf32, #tpu.memory_space<vmem_shared>> -> memref<125x64xf32, #tpu.memory_space<vmem_shared>>
      tpu.wait_dma2 semaphore(%run_scoped3A : memref<!tpu.dma_semaphore, #tpu.memory_space<semaphore_mem>>) src(%dma_wait3A_299 : memref<125x64xf32, #tpu.memory_space<vmem_shared>>) dst(%arg15 : memref<125x64xf32, #tpu.memory_space<vmem>>)
      tpu.yield
    }) : () -> ()
    %dma_start3A_214 = arith.constant 0 : i32
    %dma_start3A_215 = arith.constant 0 : i32
    %dma_start3A_216 = tpu.memref_slice %arg14[%dma_start3A_214, %dma_start3A_215] : memref<5x125xi32, #tpu.memory_space<vmem>> -> memref<1x125xi32, #tpu.memory_space<vmem>>
    %dma_start3A_217 = tpu.memref_squeeze %dma_start3A_216 : memref<1x125xi32, #tpu.memory_space<vmem>> -> memref<125xi32, #tpu.memory_space<vmem>>
    %dma_start3A_218 = arith.constant 0 : i32
    %dma_start3A_219 = arith.constant 0 : i32
    %dma_start3A_220 = tpu.memref_slice %arg9[%dma_start3A_218, %dma_start3A_219] : memref<20000x64xf32, #tpu.memory_space<hbm>> -> memref<20000x64xf32, #tpu.memory_space<hbm>>
    tpu.enqueue_indirect_dma source(%arg15 : memref<125x64xf32, #tpu.memory_space<vmem>>) target(%dma_start3A_220 : memref<20000x64xf32, #tpu.memory_space<hbm>>) offsets(%dma_start3A_217 : memref<125xi32, #tpu.memory_space<vmem>>) semaphore(%arg26 : memref<!tpu.dma_semaphore, #tpu.memory_space<semaphore_mem>>)
    %add3A_221 = arith.constant 125 : i32
    %add3A_222 = arith.addi %mul3A_0, %add3A_221 : i32
    "tpu.region"() ({
      %run_scoped3A = tpu.sem_alloc : memref<!tpu.dma_semaphore, #tpu.memory_space<semaphore_mem>>
      %dma_start3A_292 = arith.constant 0 : i32
      %dma_start3A_293 = tpu.memref_slice %arg21[%add3A_222, %dma_start3A_292] : memref<10000x64xf32, #tpu.memory_space<vmem_shared>> -> memref<125x64xf32, #tpu.memory_space<vmem_shared>>
      %dma_start3A_294 = arith.constant 0 : i32
      %dma_start3A_295 = tpu.memref_slice %arg21[%add3A_222, %dma_start3A_294] : memref<10000x64xf32, #tpu.memory_space<vmem_shared>> -> memref<125x64xf32, #tpu.memory_space<vmem_shared>>
      tpu.enqueue_dma source(%dma_start3A_295 : memref<125x64xf32, #tpu.memory_space<vmem_shared>>) target(%arg16 : memref<125x64xf32, #tpu.memory_space<vmem>>) target_semaphore(%run_scoped3A : memref<!tpu.dma_semaphore, #tpu.memory_space<semaphore_mem>>)
      %dma_wait3A_296 = arith.constant 0 : i32
      %dma_wait3A_297 = tpu.memref_slice %arg21[%add3A_222, %dma_wait3A_296] : memref<10000x64xf32, #tpu.memory_space<vmem_shared>> -> memref<125x64xf32, #tpu.memory_space<vmem_shared>>
      %dma_wait3A_298 = arith.constant 0 : i32
      %dma_wait3A_299 = tpu.memref_slice %arg21[%add3A_222, %dma_wait3A_298] : memref<10000x64xf32, #tpu.memory_space<vmem_shared>> -> memref<125x64xf32, #tpu.memory_space<vmem_shared>>
      tpu.wait_dma2 semaphore(%run_scoped3A : memref<!tpu.dma_semaphore, #tpu.memory_space<semaphore_mem>>) src(%dma_wait3A_299 : memref<125x64xf32, #tpu.memory_space<vmem_shared>>) dst(%arg16 : memref<125x64xf32, #tpu.memory_space<vmem>>)
      tpu.yield
    }) : () -> ()
    %dma_start3A_223 = arith.constant 1 : i32
    %dma_start3A_224 = arith.constant 0 : i32
    %dma_start3A_225 = tpu.memref_slice %arg14[%dma_start3A_223, %dma_start3A_224] : memref<5x125xi32, #tpu.memory_space<vmem>> -> memref<1x125xi32, #tpu.memory_space<vmem>>
    %dma_start3A_226 = tpu.memref_squeeze %dma_start3A_225 : memref<1x125xi32, #tpu.memory_space<vmem>> -> memref<125xi32, #tpu.memory_space<vmem>>
    %dma_start3A_227 = arith.constant 0 : i32
    %dma_start3A_228 = arith.constant 0 : i32
    %dma_start3A_229 = tpu.memref_slice %arg9[%dma_start3A_227, %dma_start3A_228] : memref<20000x64xf32, #tpu.memory_space<hbm>> -> memref<20000x64xf32, #tpu.memory_space<hbm>>
    tpu.enqueue_indirect_dma source(%arg16 : memref<125x64xf32, #tpu.memory_space<vmem>>) target(%dma_start3A_229 : memref<20000x64xf32, #tpu.memory_space<hbm>>) offsets(%dma_start3A_226 : memref<125xi32, #tpu.memory_space<vmem>>) semaphore(%arg27 : memref<!tpu.dma_semaphore, #tpu.memory_space<semaphore_mem>>)
    %dma_wait3A_230 = arith.constant 0 : i32
    %dma_wait3A_231 = arith.constant 0 : i32
    %dma_wait3A_232 = tpu.memref_slice %arg14[%dma_wait3A_230, %dma_wait3A_231] : memref<5x125xi32, #tpu.memory_space<vmem>> -> memref<1x125xi32, #tpu.memory_space<vmem>>
    %dma_wait3A_233 = tpu.memref_squeeze %dma_wait3A_232 : memref<1x125xi32, #tpu.memory_space<vmem>> -> memref<125xi32, #tpu.memory_space<vmem>>
    %dma_wait3A_234 = arith.constant 0 : i32
    %dma_wait3A_235 = arith.constant 0 : i32
    %dma_wait3A_236 = tpu.memref_slice %arg9[%dma_wait3A_234, %dma_wait3A_235] : memref<20000x64xf32, #tpu.memory_space<hbm>> -> memref<20000x64xf32, #tpu.memory_space<hbm>>
    tpu.wait_indirect_dma semaphore(%arg26 : memref<!tpu.dma_semaphore, #tpu.memory_space<semaphore_mem>>) src(%arg15 : memref<125x64xf32, #tpu.memory_space<vmem>>) dst(%dma_wait3A_236 : memref<20000x64xf32, #tpu.memory_space<hbm>>)
    %add3A_237 = arith.constant 250 : i32
    %add3A_238 = arith.addi %mul3A_0, %add3A_237 : i32
    "tpu.region"() ({
      %run_scoped3A = tpu.sem_alloc : memref<!tpu.dma_semaphore, #tpu.memory_space<semaphore_mem>>
      %dma_start3A_292 = arith.constant 0 : i32
      %dma_start3A_293 = tpu.memref_slice %arg21[%add3A_238, %dma_start3A_292] : memref<10000x64xf32, #tpu.memory_space<vmem_shared>> -> memref<125x64xf32, #tpu.memory_space<vmem_shared>>
      %dma_start3A_294 = arith.constant 0 : i32
      %dma_start3A_295 = tpu.memref_slice %arg21[%add3A_238, %dma_start3A_294] : memref<10000x64xf32, #tpu.memory_space<vmem_shared>> -> memref<125x64xf32, #tpu.memory_space<vmem_shared>>
      tpu.enqueue_dma source(%dma_start3A_295 : memref<125x64xf32, #tpu.memory_space<vmem_shared>>) target(%arg15 : memref<125x64xf32, #tpu.memory_space<vmem>>) target_semaphore(%run_scoped3A : memref<!tpu.dma_semaphore, #tpu.memory_space<semaphore_mem>>)
      %dma_wait3A_296 = arith.constant 0 : i32
      %dma_wait3A_297 = tpu.memref_slice %arg21[%add3A_238, %dma_wait3A_296] : memref<10000x64xf32, #tpu.memory_space<vmem_shared>> -> memref<125x64xf32, #tpu.memory_space<vmem_shared>>
      %dma_wait3A_298 = arith.constant 0 : i32
      %dma_wait3A_299 = tpu.memref_slice %arg21[%add3A_238, %dma_wait3A_298] : memref<10000x64xf32, #tpu.memory_space<vmem_shared>> -> memref<125x64xf32, #tpu.memory_space<vmem_shared>>
      tpu.wait_dma2 semaphore(%run_scoped3A : memref<!tpu.dma_semaphore, #tpu.memory_space<semaphore_mem>>) src(%dma_wait3A_299 : memref<125x64xf32, #tpu.memory_space<vmem_shared>>) dst(%arg15 : memref<125x64xf32, #tpu.memory_space<vmem>>)
      tpu.yield
    }) : () -> ()
    %dma_start3A_239 = arith.constant 2 : i32
    %dma_start3A_240 = arith.constant 0 : i32
    %dma_start3A_241 = tpu.memref_slice %arg14[%dma_start3A_239, %dma_start3A_240] : memref<5x125xi32, #tpu.memory_space<vmem>> -> memref<1x125xi32, #tpu.memory_space<vmem>>
    %dma_start3A_242 = tpu.memref_squeeze %dma_start3A_241 : memref<1x125xi32, #tpu.memory_space<vmem>> -> memref<125xi32, #tpu.memory_space<vmem>>
    %dma_start3A_243 = arith.constant 0 : i32
    %dma_start3A_244 = arith.constant 0 : i32
    %dma_start3A_245 = tpu.memref_slice %arg9[%dma_start3A_243, %dma_start3A_244] : memref<20000x64xf32, #tpu.memory_space<hbm>> -> memref<20000x64xf32, #tpu.memory_space<hbm>>
    tpu.enqueue_indirect_dma source(%arg15 : memref<125x64xf32, #tpu.memory_space<vmem>>) target(%dma_start3A_245 : memref<20000x64xf32, #tpu.memory_space<hbm>>) offsets(%dma_start3A_242 : memref<125xi32, #tpu.memory_space<vmem>>) semaphore(%arg26 : memref<!tpu.dma_semaphore, #tpu.memory_space<semaphore_mem>>)
    %dma_wait3A_246 = arith.constant 1 : i32
    %dma_wait3A_247 = arith.constant 0 : i32
    %dma_wait3A_248 = tpu.memref_slice %arg14[%dma_wait3A_246, %dma_wait3A_247] : memref<5x125xi32, #tpu.memory_space<vmem>> -> memref<1x125xi32, #tpu.memory_space<vmem>>
    %dma_wait3A_249 = tpu.memref_squeeze %dma_wait3A_248 : memref<1x125xi32, #tpu.memory_space<vmem>> -> memref<125xi32, #tpu.memory_space<vmem>>
    %dma_wait3A_250 = arith.constant 0 : i32
    %dma_wait3A_251 = arith.constant 0 : i32
    %dma_wait3A_252 = tpu.memref_slice %arg9[%dma_wait3A_250, %dma_wait3A_251] : memref<20000x64xf32, #tpu.memory_space<hbm>> -> memref<20000x64xf32, #tpu.memory_space<hbm>>
    tpu.wait_indirect_dma semaphore(%arg27 : memref<!tpu.dma_semaphore, #tpu.memory_space<semaphore_mem>>) src(%arg16 : memref<125x64xf32, #tpu.memory_space<vmem>>) dst(%dma_wait3A_252 : memref<20000x64xf32, #tpu.memory_space<hbm>>)
    %add3A_253 = arith.constant 375 : i32
    %add3A_254 = arith.addi %mul3A_0, %add3A_253 : i32
    "tpu.region"() ({
      %run_scoped3A = tpu.sem_alloc : memref<!tpu.dma_semaphore, #tpu.memory_space<semaphore_mem>>
      %dma_start3A_292 = arith.constant 0 : i32
      %dma_start3A_293 = tpu.memref_slice %arg21[%add3A_254, %dma_start3A_292] : memref<10000x64xf32, #tpu.memory_space<vmem_shared>> -> memref<125x64xf32, #tpu.memory_space<vmem_shared>>
      %dma_start3A_294 = arith.constant 0 : i32
      %dma_start3A_295 = tpu.memref_slice %arg21[%add3A_254, %dma_start3A_294] : memref<10000x64xf32, #tpu.memory_space<vmem_shared>> -> memref<125x64xf32, #tpu.memory_space<vmem_shared>>
      tpu.enqueue_dma source(%dma_start3A_295 : memref<125x64xf32, #tpu.memory_space<vmem_shared>>) target(%arg16 : memref<125x64xf32, #tpu.memory_space<vmem>>) target_semaphore(%run_scoped3A : memref<!tpu.dma_semaphore, #tpu.memory_space<semaphore_mem>>)
      %dma_wait3A_296 = arith.constant 0 : i32
      %dma_wait3A_297 = tpu.memref_slice %arg21[%add3A_254, %dma_wait3A_296] : memref<10000x64xf32, #tpu.memory_space<vmem_shared>> -> memref<125x64xf32, #tpu.memory_space<vmem_shared>>
      %dma_wait3A_298 = arith.constant 0 : i32
      %dma_wait3A_299 = tpu.memref_slice %arg21[%add3A_254, %dma_wait3A_298] : memref<10000x64xf32, #tpu.memory_space<vmem_shared>> -> memref<125x64xf32, #tpu.memory_space<vmem_shared>>
      tpu.wait_dma2 semaphore(%run_scoped3A : memref<!tpu.dma_semaphore, #tpu.memory_space<semaphore_mem>>) src(%dma_wait3A_299 : memref<125x64xf32, #tpu.memory_space<vmem_shared>>) dst(%arg16 : memref<125x64xf32, #tpu.memory_space<vmem>>)
      tpu.yield
    }) : () -> ()
    %dma_start3A_255 = arith.constant 3 : i32
    %dma_start3A_256 = arith.constant 0 : i32
    %dma_start3A_257 = tpu.memref_slice %arg14[%dma_start3A_255, %dma_start3A_256] : memref<5x125xi32, #tpu.memory_space<vmem>> -> memref<1x125xi32, #tpu.memory_space<vmem>>
    %dma_start3A_258 = tpu.memref_squeeze %dma_start3A_257 : memref<1x125xi32, #tpu.memory_space<vmem>> -> memref<125xi32, #tpu.memory_space<vmem>>
    %dma_start3A_259 = arith.constant 0 : i32
    %dma_start3A_260 = arith.constant 0 : i32
    %dma_start3A_261 = tpu.memref_slice %arg9[%dma_start3A_259, %dma_start3A_260] : memref<20000x64xf32, #tpu.memory_space<hbm>> -> memref<20000x64xf32, #tpu.memory_space<hbm>>
    tpu.enqueue_indirect_dma source(%arg16 : memref<125x64xf32, #tpu.memory_space<vmem>>) target(%dma_start3A_261 : memref<20000x64xf32, #tpu.memory_space<hbm>>) offsets(%dma_start3A_258 : memref<125xi32, #tpu.memory_space<vmem>>) semaphore(%arg27 : memref<!tpu.dma_semaphore, #tpu.memory_space<semaphore_mem>>)
    %dma_wait3A_262 = arith.constant 2 : i32
    %dma_wait3A_263 = arith.constant 0 : i32
    %dma_wait3A_264 = tpu.memref_slice %arg14[%dma_wait3A_262, %dma_wait3A_263] : memref<5x125xi32, #tpu.memory_space<vmem>> -> memref<1x125xi32, #tpu.memory_space<vmem>>
    %dma_wait3A_265 = tpu.memref_squeeze %dma_wait3A_264 : memref<1x125xi32, #tpu.memory_space<vmem>> -> memref<125xi32, #tpu.memory_space<vmem>>
    %dma_wait3A_266 = arith.constant 0 : i32
    %dma_wait3A_267 = arith.constant 0 : i32
    %dma_wait3A_268 = tpu.memref_slice %arg9[%dma_wait3A_266, %dma_wait3A_267] : memref<20000x64xf32, #tpu.memory_space<hbm>> -> memref<20000x64xf32, #tpu.memory_space<hbm>>
    tpu.wait_indirect_dma semaphore(%arg26 : memref<!tpu.dma_semaphore, #tpu.memory_space<semaphore_mem>>) src(%arg15 : memref<125x64xf32, #tpu.memory_space<vmem>>) dst(%dma_wait3A_268 : memref<20000x64xf32, #tpu.memory_space<hbm>>)
    %add3A_269 = arith.constant 500 : i32
    %add3A_270 = arith.addi %mul3A_0, %add3A_269 : i32
    "tpu.region"() ({
      %run_scoped3A = tpu.sem_alloc : memref<!tpu.dma_semaphore, #tpu.memory_space<semaphore_mem>>
      %dma_start3A_292 = arith.constant 0 : i32
      %dma_start3A_293 = tpu.memref_slice %arg21[%add3A_270, %dma_start3A_292] : memref<10000x64xf32, #tpu.memory_space<vmem_shared>> -> memref<125x64xf32, #tpu.memory_space<vmem_shared>>
      %dma_start3A_294 = arith.constant 0 : i32
      %dma_start3A_295 = tpu.memref_slice %arg21[%add3A_270, %dma_start3A_294] : memref<10000x64xf32, #tpu.memory_space<vmem_shared>> -> memref<125x64xf32, #tpu.memory_space<vmem_shared>>
      tpu.enqueue_dma source(%dma_start3A_295 : memref<125x64xf32, #tpu.memory_space<vmem_shared>>) target(%arg15 : memref<125x64xf32, #tpu.memory_space<vmem>>) target_semaphore(%run_scoped3A : memref<!tpu.dma_semaphore, #tpu.memory_space<semaphore_mem>>)
      %dma_wait3A_296 = arith.constant 0 : i32
      %dma_wait3A_297 = tpu.memref_slice %arg21[%add3A_270, %dma_wait3A_296] : memref<10000x64xf32, #tpu.memory_space<vmem_shared>> -> memref<125x64xf32, #tpu.memory_space<vmem_shared>>
      %dma_wait3A_298 = arith.constant 0 : i32
      %dma_wait3A_299 = tpu.memref_slice %arg21[%add3A_270, %dma_wait3A_298] : memref<10000x64xf32, #tpu.memory_space<vmem_shared>> -> memref<125x64xf32, #tpu.memory_space<vmem_shared>>
      tpu.wait_dma2 semaphore(%run_scoped3A : memref<!tpu.dma_semaphore, #tpu.memory_space<semaphore_mem>>) src(%dma_wait3A_299 : memref<125x64xf32, #tpu.memory_space<vmem_shared>>) dst(%arg15 : memref<125x64xf32, #tpu.memory_space<vmem>>)
      tpu.yield
    }) : () -> ()
    %dma_start3A_271 = arith.constant 4 : i32
    %dma_start3A_272 = arith.constant 0 : i32
    %dma_start3A_273 = tpu.memref_slice %arg14[%dma_start3A_271, %dma_start3A_272] : memref<5x125xi32, #tpu.memory_space<vmem>> -> memref<1x125xi32, #tpu.memory_space<vmem>>
    %dma_start3A_274 = tpu.memref_squeeze %dma_start3A_273 : memref<1x125xi32, #tpu.memory_space<vmem>> -> memref<125xi32, #tpu.memory_space<vmem>>
    %dma_start3A_275 = arith.constant 0 : i32
    %dma_start3A_276 = arith.constant 0 : i32
    %dma_start3A_277 = tpu.memref_slice %arg9[%dma_start3A_275, %dma_start3A_276] : memref<20000x64xf32, #tpu.memory_space<hbm>> -> memref<20000x64xf32, #tpu.memory_space<hbm>>
    tpu.enqueue_indirect_dma source(%arg15 : memref<125x64xf32, #tpu.memory_space<vmem>>) target(%dma_start3A_277 : memref<20000x64xf32, #tpu.memory_space<hbm>>) offsets(%dma_start3A_274 : memref<125xi32, #tpu.memory_space<vmem>>) semaphore(%arg26 : memref<!tpu.dma_semaphore, #tpu.memory_space<semaphore_mem>>)
    %dma_wait3A_278 = arith.constant 4 : i32
    %dma_wait3A_279 = arith.constant 0 : i32
    %dma_wait3A_280 = tpu.memref_slice %arg14[%dma_wait3A_278, %dma_wait3A_279] : memref<5x125xi32, #tpu.memory_space<vmem>> -> memref<1x125xi32, #tpu.memory_space<vmem>>
    %dma_wait3A_281 = tpu.memref_squeeze %dma_wait3A_280 : memref<1x125xi32, #tpu.memory_space<vmem>> -> memref<125xi32, #tpu.memory_space<vmem>>
    %dma_wait3A_282 = arith.constant 0 : i32
    %dma_wait3A_283 = arith.constant 0 : i32
    %dma_wait3A_284 = tpu.memref_slice %arg9[%dma_wait3A_282, %dma_wait3A_283] : memref<20000x64xf32, #tpu.memory_space<hbm>> -> memref<20000x64xf32, #tpu.memory_space<hbm>>
    tpu.wait_indirect_dma semaphore(%arg26 : memref<!tpu.dma_semaphore, #tpu.memory_space<semaphore_mem>>) src(%arg15 : memref<125x64xf32, #tpu.memory_space<vmem>>) dst(%dma_wait3A_284 : memref<20000x64xf32, #tpu.memory_space<hbm>>)
    %dma_wait3A_285 = arith.constant 3 : i32
    %dma_wait3A_286 = arith.constant 0 : i32
    %dma_wait3A_287 = tpu.memref_slice %arg14[%dma_wait3A_285, %dma_wait3A_286] : memref<5x125xi32, #tpu.memory_space<vmem>> -> memref<1x125xi32, #tpu.memory_space<vmem>>
    %dma_wait3A_288 = tpu.memref_squeeze %dma_wait3A_287 : memref<1x125xi32, #tpu.memory_space<vmem>> -> memref<125xi32, #tpu.memory_space<vmem>>
    %dma_wait3A_289 = arith.constant 0 : i32
    %dma_wait3A_290 = arith.constant 0 : i32
    %dma_wait3A_291 = tpu.memref_slice %arg9[%dma_wait3A_289, %dma_wait3A_290] : memref<20000x64xf32, #tpu.memory_space<hbm>> -> memref<20000x64xf32, #tpu.memory_space<hbm>>
    tpu.wait_indirect_dma semaphore(%arg27 : memref<!tpu.dma_semaphore, #tpu.memory_space<semaphore_mem>>) src(%arg16 : memref<125x64xf32, #tpu.memory_space<vmem>>) dst(%dma_wait3A_291 : memref<20000x64xf32, #tpu.memory_space<hbm>>)
    return
  }
}

#map = affine_map<(d0, d1) -> (0, 0)>
#map1 = affine_map<(d0, d1) -> (0, 0, 0)>
#map2 = affine_map<(d0, d1) -> (0, 0, 0, 0)>
module attributes {stable_mosaic.version = 14 : i64} {
  func.func @k(%arg0: i32, %arg1: i32, %arg2: memref<20000x64xf32, #tpu.memory_space<hbm>>, %arg3: memref<2x16x19968xi32, #tpu.memory_space<hbm>>, %arg4: memref<2x16x32xi32, #tpu.memory_space<hbm>>, %arg5: memref<16x156x128xi32, #tpu.memory_space<hbm>>, %arg6: memref<16x1x32xi32, #tpu.memory_space<hbm>>, %arg7: memref<10000x64xf32, #tpu.memory_space<hbm>>, %arg8: memref<2x16x5x125xi32, #tpu.memory_space<hbm>>, %arg9: memref<20000x64xf32, #tpu.memory_space<hbm>>, %arg10: memref<19968xi32, #tpu.memory_space<vmem>>, %arg11: memref<32xi32, #tpu.memory_space<vmem>>, %arg12: memref<156x128xi32, #tpu.memory_space<vmem>>, %arg13: memref<1x32xi32, #tpu.memory_space<vmem>>, %arg14: memref<5x125xi32, #tpu.memory_space<vmem>>, %arg15: memref<125x64xf32, #tpu.memory_space<vmem>>, %arg16: memref<125x64xf32, #tpu.memory_space<vmem>>, %arg17: memref<128x64xf32, #tpu.memory_space<vmem>>, %arg18: memref<128x64xf32, #tpu.memory_space<vmem>>, %arg19: memref<128x64xf32, #tpu.memory_space<vmem>>, %arg20: memref<128x64xf32, #tpu.memory_space<vmem>>, %arg21: memref<10000x64xf32, #tpu.memory_space<vmem_shared>>, %arg22: memref<!tpu.dma_semaphore, #tpu.memory_space<semaphore_mem>>, %arg23: memref<!tpu.dma_semaphore, #tpu.memory_space<semaphore_mem>>, %arg24: memref<!tpu.dma_semaphore, #tpu.memory_space<semaphore_mem>>, %arg25: memref<!tpu.dma_semaphore, #tpu.memory_space<semaphore_mem>>, %arg26: memref<!tpu.dma_semaphore, #tpu.memory_space<semaphore_mem>>, %arg27: memref<!tpu.dma_semaphore, #tpu.memory_space<semaphore_mem>>, %arg28: memref<!tpu.dma_semaphore, #tpu.memory_space<semaphore_mem>>, %arg29: memref<!tpu.dma_semaphore, #tpu.memory_space<semaphore_mem>>) attributes {dimension_semantics = [#tpu.dimension_semantics<core_parallel>, #tpu.dimension_semantics<subcore_parallel>], iteration_bounds = array<i64: 2, 16>, scalar_prefetch = 0 : i64, scratch_operands = 20 : i64, tpu.core_type = #tpu.core_type<sc_vector_subcore>, window_params = [{transform_indices = #map}, {transform_indices = #map1}, {transform_indices = #map1}, {transform_indices = #map1}, {transform_indices = #map1}, {transform_indices = #map}, {transform_indices = #map2}, {transform_indices = #map}]} {
    %mul3A = arith.constant 625 : i32
    %mul3A_0 = arith.muli %arg1, %mul3A : i32
    %dma_start3A = arith.constant 0 : i32
    %dma_start3A_1 = tpu.memref_slice %arg21[%mul3A_0, %dma_start3A] : memref<10000x64xf32, #tpu.memory_space<vmem_shared>> -> memref<625x64xf32, #tpu.memory_space<vmem_shared>>
    %dma_start3A_2 = arith.constant 0 : i32
    %dma_start3A_3 = tpu.memref_slice %arg7[%mul3A_0, %dma_start3A_2] : memref<10000x64xf32, #tpu.memory_space<hbm>> -> memref<625x64xf32, #tpu.memory_space<hbm>>
    tpu.enqueue_dma source(%dma_start3A_3 : memref<625x64xf32, #tpu.memory_space<hbm>>) target(%dma_start3A_1 : memref<625x64xf32, #tpu.memory_space<vmem_shared>>) target_semaphore(%arg22 : memref<!tpu.dma_semaphore, #tpu.memory_space<semaphore_mem>>)
    %dma_start3A_4 = arith.constant 0 : i32
    %dma_start3A_5 = tpu.memref_slice %arg3[%arg0, %arg1, %dma_start3A_4] : memref<2x16x19968xi32, #tpu.memory_space<hbm>> -> memref<1x1x19968xi32, #tpu.memory_space<hbm>>
    %dma_start3A_6 = tpu.memref_squeeze %dma_start3A_5 : memref<1x1x19968xi32, #tpu.memory_space<hbm>> -> memref<19968xi32, #tpu.memory_space<hbm>>
    %dma_start3A_7 = arith.constant 0 : i32
    %dma_start3A_8 = tpu.memref_slice %arg3[%arg0, %arg1, %dma_start3A_7] : memref<2x16x19968xi32, #tpu.memory_space<hbm>> -> memref<1x1x19968xi32, #tpu.memory_space<hbm>>
    %dma_start3A_9 = tpu.memref_squeeze %dma_start3A_8 : memref<1x1x19968xi32, #tpu.memory_space<hbm>> -> memref<19968xi32, #tpu.memory_space<hbm>>
    tpu.enqueue_dma source(%dma_start3A_9 : memref<19968xi32, #tpu.memory_space<hbm>>) target(%arg10 : memref<19968xi32, #tpu.memory_space<vmem>>) target_semaphore(%arg23 : memref<!tpu.dma_semaphore, #tpu.memory_space<semaphore_mem>>)
    %dma_start3A_10 = arith.constant 0 : i32
    %dma_start3A_11 = tpu.memref_slice %arg4[%arg0, %arg1, %dma_start3A_10] : memref<2x16x32xi32, #tpu.memory_space<hbm>> -> memref<1x1x32xi32, #tpu.memory_space<hbm>>
    %dma_start3A_12 = tpu.memref_squeeze %dma_start3A_11 : memref<1x1x32xi32, #tpu.memory_space<hbm>> -> memref<32xi32, #tpu.memory_space<hbm>>
    %dma_start3A_13 = arith.constant 0 : i32
    %dma_start3A_14 = tpu.memref_slice %arg4[%arg0, %arg1, %dma_start3A_13] : memref<2x16x32xi32, #tpu.memory_space<hbm>> -> memref<1x1x32xi32, #tpu.memory_space<hbm>>
    %dma_start3A_15 = tpu.memref_squeeze %dma_start3A_14 : memref<1x1x32xi32, #tpu.memory_space<hbm>> -> memref<32xi32, #tpu.memory_space<hbm>>
    tpu.enqueue_dma source(%dma_start3A_15 : memref<32xi32, #tpu.memory_space<hbm>>) target(%arg11 : memref<32xi32, #tpu.memory_space<vmem>>) target_semaphore(%arg24 : memref<!tpu.dma_semaphore, #tpu.memory_space<semaphore_mem>>)
    %dma_start3A_16 = arith.constant 0 : i32
    %dma_start3A_17 = arith.constant 0 : i32
    %dma_start3A_18 = tpu.memref_slice %arg5[%arg1, %dma_start3A_16, %dma_start3A_17] : memref<16x156x128xi32, #tpu.memory_space<hbm>> -> memref<1x156x128xi32, #tpu.memory_space<hbm>>
    %dma_start3A_19 = tpu.memref_squeeze %dma_start3A_18 : memref<1x156x128xi32, #tpu.memory_space<hbm>> -> memref<156x128xi32, #tpu.memory_space<hbm>>
    %dma_start3A_20 = arith.constant 0 : i32
    %dma_start3A_21 = arith.constant 0 : i32
    %dma_start3A_22 = tpu.memref_slice %arg5[%arg1, %dma_start3A_20, %dma_start3A_21] : memref<16x156x128xi32, #tpu.memory_space<hbm>> -> memref<1x156x128xi32, #tpu.memory_space<hbm>>
    %dma_start3A_23 = tpu.memref_squeeze %dma_start3A_22 : memref<1x156x128xi32, #tpu.memory_space<hbm>> -> memref<156x128xi32, #tpu.memory_space<hbm>>
    tpu.enqueue_dma source(%dma_start3A_23 : memref<156x128xi32, #tpu.memory_space<hbm>>) target(%arg12 : memref<156x128xi32, #tpu.memory_space<vmem>>) target_semaphore(%arg25 : memref<!tpu.dma_semaphore, #tpu.memory_space<semaphore_mem>>)
    %dma_start3A_24 = arith.constant 0 : i32
    %dma_start3A_25 = arith.constant 0 : i32
    %dma_start3A_26 = tpu.memref_slice %arg6[%arg1, %dma_start3A_24, %dma_start3A_25] : memref<16x1x32xi32, #tpu.memory_space<hbm>> -> memref<1x1x32xi32, #tpu.memory_space<hbm>>
    %dma_start3A_27 = tpu.memref_squeeze %dma_start3A_26 : memref<1x1x32xi32, #tpu.memory_space<hbm>> -> memref<1x32xi32, #tpu.memory_space<hbm>>
    %dma_start3A_28 = arith.constant 0 : i32
    %dma_start3A_29 = arith.constant 0 : i32
    %dma_start3A_30 = tpu.memref_slice %arg6[%arg1, %dma_start3A_28, %dma_start3A_29] : memref<16x1x32xi32, #tpu.memory_space<hbm>> -> memref<1x1x32xi32, #tpu.memory_space<hbm>>
    %dma_start3A_31 = tpu.memref_squeeze %dma_start3A_30 : memref<1x1x32xi32, #tpu.memory_space<hbm>> -> memref<1x32xi32, #tpu.memory_space<hbm>>
    tpu.enqueue_dma source(%dma_start3A_31 : memref<1x32xi32, #tpu.memory_space<hbm>>) target(%arg13 : memref<1x32xi32, #tpu.memory_space<vmem>>) target_semaphore(%arg26 : memref<!tpu.dma_semaphore, #tpu.memory_space<semaphore_mem>>)
    %dma_start3A_32 = arith.constant 0 : i32
    %dma_start3A_33 = arith.constant 0 : i32
    %dma_start3A_34 = tpu.memref_slice %arg8[%arg0, %arg1, %dma_start3A_32, %dma_start3A_33] : memref<2x16x5x125xi32, #tpu.memory_space<hbm>> -> memref<1x1x5x125xi32, #tpu.memory_space<hbm>>
    %dma_start3A_35 = tpu.memref_squeeze %dma_start3A_34 : memref<1x1x5x125xi32, #tpu.memory_space<hbm>> -> memref<5x125xi32, #tpu.memory_space<hbm>>
    %dma_start3A_36 = arith.constant 0 : i32
    %dma_start3A_37 = arith.constant 0 : i32
    %dma_start3A_38 = tpu.memref_slice %arg8[%arg0, %arg1, %dma_start3A_36, %dma_start3A_37] : memref<2x16x5x125xi32, #tpu.memory_space<hbm>> -> memref<1x1x5x125xi32, #tpu.memory_space<hbm>>
    %dma_start3A_39 = tpu.memref_squeeze %dma_start3A_38 : memref<1x1x5x125xi32, #tpu.memory_space<hbm>> -> memref<5x125xi32, #tpu.memory_space<hbm>>
    tpu.enqueue_dma source(%dma_start3A_39 : memref<5x125xi32, #tpu.memory_space<hbm>>) target(%arg14 : memref<5x125xi32, #tpu.memory_space<vmem>>) target_semaphore(%arg27 : memref<!tpu.dma_semaphore, #tpu.memory_space<semaphore_mem>>)
    %dma_wait3A = arith.constant 0 : i32
    %dma_wait3A_40 = tpu.memref_slice %arg21[%mul3A_0, %dma_wait3A] : memref<10000x64xf32, #tpu.memory_space<vmem_shared>> -> memref<625x64xf32, #tpu.memory_space<vmem_shared>>
    %dma_wait3A_41 = arith.constant 0 : i32
    %dma_wait3A_42 = tpu.memref_slice %arg7[%mul3A_0, %dma_wait3A_41] : memref<10000x64xf32, #tpu.memory_space<hbm>> -> memref<625x64xf32, #tpu.memory_space<hbm>>
    tpu.wait_dma2 semaphore(%arg22 : memref<!tpu.dma_semaphore, #tpu.memory_space<semaphore_mem>>) src(%dma_wait3A_42 : memref<625x64xf32, #tpu.memory_space<hbm>>) dst(%dma_wait3A_40 : memref<625x64xf32, #tpu.memory_space<vmem_shared>>)
    %dma_wait3A_43 = arith.constant 0 : i32
    %dma_wait3A_44 = tpu.memref_slice %arg3[%arg0, %arg1, %dma_wait3A_43] : memref<2x16x19968xi32, #tpu.memory_space<hbm>> -> memref<1x1x19968xi32, #tpu.memory_space<hbm>>
    %dma_wait3A_45 = tpu.memref_squeeze %dma_wait3A_44 : memref<1x1x19968xi32, #tpu.memory_space<hbm>> -> memref<19968xi32, #tpu.memory_space<hbm>>
    %dma_wait3A_46 = arith.constant 0 : i32
    %dma_wait3A_47 = tpu.memref_slice %arg3[%arg0, %arg1, %dma_wait3A_46] : memref<2x16x19968xi32, #tpu.memory_space<hbm>> -> memref<1x1x19968xi32, #tpu.memory_space<hbm>>
    %dma_wait3A_48 = tpu.memref_squeeze %dma_wait3A_47 : memref<1x1x19968xi32, #tpu.memory_space<hbm>> -> memref<19968xi32, #tpu.memory_space<hbm>>
    tpu.wait_dma2 semaphore(%arg23 : memref<!tpu.dma_semaphore, #tpu.memory_space<semaphore_mem>>) src(%dma_wait3A_48 : memref<19968xi32, #tpu.memory_space<hbm>>) dst(%arg10 : memref<19968xi32, #tpu.memory_space<vmem>>)
    %dma_wait3A_49 = arith.constant 0 : i32
    %dma_wait3A_50 = tpu.memref_slice %arg4[%arg0, %arg1, %dma_wait3A_49] : memref<2x16x32xi32, #tpu.memory_space<hbm>> -> memref<1x1x32xi32, #tpu.memory_space<hbm>>
    %dma_wait3A_51 = tpu.memref_squeeze %dma_wait3A_50 : memref<1x1x32xi32, #tpu.memory_space<hbm>> -> memref<32xi32, #tpu.memory_space<hbm>>
    %dma_wait3A_52 = arith.constant 0 : i32
    %dma_wait3A_53 = tpu.memref_slice %arg4[%arg0, %arg1, %dma_wait3A_52] : memref<2x16x32xi32, #tpu.memory_space<hbm>> -> memref<1x1x32xi32, #tpu.memory_space<hbm>>
    %dma_wait3A_54 = tpu.memref_squeeze %dma_wait3A_53 : memref<1x1x32xi32, #tpu.memory_space<hbm>> -> memref<32xi32, #tpu.memory_space<hbm>>
    tpu.wait_dma2 semaphore(%arg24 : memref<!tpu.dma_semaphore, #tpu.memory_space<semaphore_mem>>) src(%dma_wait3A_54 : memref<32xi32, #tpu.memory_space<hbm>>) dst(%arg11 : memref<32xi32, #tpu.memory_space<vmem>>)
    %dma_wait3A_55 = arith.constant 0 : i32
    %dma_wait3A_56 = arith.constant 0 : i32
    %dma_wait3A_57 = tpu.memref_slice %arg5[%arg1, %dma_wait3A_55, %dma_wait3A_56] : memref<16x156x128xi32, #tpu.memory_space<hbm>> -> memref<1x156x128xi32, #tpu.memory_space<hbm>>
    %dma_wait3A_58 = tpu.memref_squeeze %dma_wait3A_57 : memref<1x156x128xi32, #tpu.memory_space<hbm>> -> memref<156x128xi32, #tpu.memory_space<hbm>>
    %dma_wait3A_59 = arith.constant 0 : i32
    %dma_wait3A_60 = arith.constant 0 : i32
    %dma_wait3A_61 = tpu.memref_slice %arg5[%arg1, %dma_wait3A_59, %dma_wait3A_60] : memref<16x156x128xi32, #tpu.memory_space<hbm>> -> memref<1x156x128xi32, #tpu.memory_space<hbm>>
    %dma_wait3A_62 = tpu.memref_squeeze %dma_wait3A_61 : memref<1x156x128xi32, #tpu.memory_space<hbm>> -> memref<156x128xi32, #tpu.memory_space<hbm>>
    tpu.wait_dma2 semaphore(%arg25 : memref<!tpu.dma_semaphore, #tpu.memory_space<semaphore_mem>>) src(%dma_wait3A_62 : memref<156x128xi32, #tpu.memory_space<hbm>>) dst(%arg12 : memref<156x128xi32, #tpu.memory_space<vmem>>)
    %dma_wait3A_63 = arith.constant 0 : i32
    %dma_wait3A_64 = arith.constant 0 : i32
    %dma_wait3A_65 = tpu.memref_slice %arg6[%arg1, %dma_wait3A_63, %dma_wait3A_64] : memref<16x1x32xi32, #tpu.memory_space<hbm>> -> memref<1x1x32xi32, #tpu.memory_space<hbm>>
    %dma_wait3A_66 = tpu.memref_squeeze %dma_wait3A_65 : memref<1x1x32xi32, #tpu.memory_space<hbm>> -> memref<1x32xi32, #tpu.memory_space<hbm>>
    %dma_wait3A_67 = arith.constant 0 : i32
    %dma_wait3A_68 = arith.constant 0 : i32
    %dma_wait3A_69 = tpu.memref_slice %arg6[%arg1, %dma_wait3A_67, %dma_wait3A_68] : memref<16x1x32xi32, #tpu.memory_space<hbm>> -> memref<1x1x32xi32, #tpu.memory_space<hbm>>
    %dma_wait3A_70 = tpu.memref_squeeze %dma_wait3A_69 : memref<1x1x32xi32, #tpu.memory_space<hbm>> -> memref<1x32xi32, #tpu.memory_space<hbm>>
    tpu.wait_dma2 semaphore(%arg26 : memref<!tpu.dma_semaphore, #tpu.memory_space<semaphore_mem>>) src(%dma_wait3A_70 : memref<1x32xi32, #tpu.memory_space<hbm>>) dst(%arg13 : memref<1x32xi32, #tpu.memory_space<vmem>>)
    %dma_wait3A_71 = arith.constant 0 : i32
    %dma_wait3A_72 = arith.constant 0 : i32
    %dma_wait3A_73 = tpu.memref_slice %arg8[%arg0, %arg1, %dma_wait3A_71, %dma_wait3A_72] : memref<2x16x5x125xi32, #tpu.memory_space<hbm>> -> memref<1x1x5x125xi32, #tpu.memory_space<hbm>>
    %dma_wait3A_74 = tpu.memref_squeeze %dma_wait3A_73 : memref<1x1x5x125xi32, #tpu.memory_space<hbm>> -> memref<5x125xi32, #tpu.memory_space<hbm>>
    %dma_wait3A_75 = arith.constant 0 : i32
    %dma_wait3A_76 = arith.constant 0 : i32
    %dma_wait3A_77 = tpu.memref_slice %arg8[%arg0, %arg1, %dma_wait3A_75, %dma_wait3A_76] : memref<2x16x5x125xi32, #tpu.memory_space<hbm>> -> memref<1x1x5x125xi32, #tpu.memory_space<hbm>>
    %dma_wait3A_78 = tpu.memref_squeeze %dma_wait3A_77 : memref<1x1x5x125xi32, #tpu.memory_space<hbm>> -> memref<5x125xi32, #tpu.memory_space<hbm>>
    tpu.wait_dma2 semaphore(%arg27 : memref<!tpu.dma_semaphore, #tpu.memory_space<semaphore_mem>>) src(%dma_wait3A_78 : memref<5x125xi32, #tpu.memory_space<hbm>>) dst(%arg14 : memref<5x125xi32, #tpu.memory_space<vmem>>)
    %barrier3A = arith.constant 0 : index
    tpu.barrier barrier_id(%barrier3A)
    %dma_start3A_79 = arith.constant 0 : i32
    %dma_start3A_80 = tpu.memref_slice %arg10[%dma_start3A_79] : memref<19968xi32, #tpu.memory_space<vmem>> -> memref<128xi32, #tpu.memory_space<vmem>>
    %dma_start3A_81 = arith.constant 0 : i32
    %dma_start3A_82 = arith.constant 0 : i32
    %dma_start3A_83 = tpu.memref_slice %arg2[%dma_start3A_81, %dma_start3A_82] : memref<20000x64xf32, #tpu.memory_space<hbm>> -> memref<20000x64xf32, #tpu.memory_space<hbm>>
    tpu.enqueue_indirect_dma source(%dma_start3A_83 : memref<20000x64xf32, #tpu.memory_space<hbm>>) target(%arg17 : memref<128x64xf32, #tpu.memory_space<vmem>>) offsets(%dma_start3A_80 : memref<128xi32, #tpu.memory_space<vmem>>) semaphore(%arg22 : memref<!tpu.dma_semaphore, #tpu.memory_space<semaphore_mem>>)
    %dma_start3A_84 = arith.constant 128 : i32
    %dma_start3A_85 = tpu.memref_slice %arg10[%dma_start3A_84] : memref<19968xi32, #tpu.memory_space<vmem>> -> memref<128xi32, #tpu.memory_space<vmem>>
    %dma_start3A_86 = arith.constant 0 : i32
    %dma_start3A_87 = arith.constant 0 : i32
    %dma_start3A_88 = tpu.memref_slice %arg2[%dma_start3A_86, %dma_start3A_87] : memref<20000x64xf32, #tpu.memory_space<hbm>> -> memref<20000x64xf32, #tpu.memory_space<hbm>>
    tpu.enqueue_indirect_dma source(%dma_start3A_88 : memref<20000x64xf32, #tpu.memory_space<hbm>>) target(%arg18 : memref<128x64xf32, #tpu.memory_space<vmem>>) offsets(%dma_start3A_85 : memref<128xi32, #tpu.memory_space<vmem>>) semaphore(%arg23 : memref<!tpu.dma_semaphore, #tpu.memory_space<semaphore_mem>>)
    %dma_start3A_89 = arith.constant 256 : i32
    %dma_start3A_90 = tpu.memref_slice %arg10[%dma_start3A_89] : memref<19968xi32, #tpu.memory_space<vmem>> -> memref<128xi32, #tpu.memory_space<vmem>>
    %dma_start3A_91 = arith.constant 0 : i32
    %dma_start3A_92 = arith.constant 0 : i32
    %dma_start3A_93 = tpu.memref_slice %arg2[%dma_start3A_91, %dma_start3A_92] : memref<20000x64xf32, #tpu.memory_space<hbm>> -> memref<20000x64xf32, #tpu.memory_space<hbm>>
    tpu.enqueue_indirect_dma source(%dma_start3A_93 : memref<20000x64xf32, #tpu.memory_space<hbm>>) target(%arg19 : memref<128x64xf32, #tpu.memory_space<vmem>>) offsets(%dma_start3A_90 : memref<128xi32, #tpu.memory_space<vmem>>) semaphore(%arg24 : memref<!tpu.dma_semaphore, #tpu.memory_space<semaphore_mem>>)
    %dma_start3A_94 = arith.constant 384 : i32
    %dma_start3A_95 = tpu.memref_slice %arg10[%dma_start3A_94] : memref<19968xi32, #tpu.memory_space<vmem>> -> memref<128xi32, #tpu.memory_space<vmem>>
    %dma_start3A_96 = arith.constant 0 : i32
    %dma_start3A_97 = arith.constant 0 : i32
    %dma_start3A_98 = tpu.memref_slice %arg2[%dma_start3A_96, %dma_start3A_97] : memref<20000x64xf32, #tpu.memory_space<hbm>> -> memref<20000x64xf32, #tpu.memory_space<hbm>>
    tpu.enqueue_indirect_dma source(%dma_start3A_98 : memref<20000x64xf32, #tpu.memory_space<hbm>>) target(%arg20 : memref<128x64xf32, #tpu.memory_space<vmem>>) offsets(%dma_start3A_95 : memref<128xi32, #tpu.memory_space<vmem>>) semaphore(%arg25 : memref<!tpu.dma_semaphore, #tpu.memory_space<semaphore_mem>>)
    %scan3A = arith.constant 0 : i32
    %scan3A_99 = arith.constant 0 : i32
    %scan3A_100 = arith.constant 38 : i32
    %scan3A_101 = arith.addi %scan3A_99, %scan3A_100 : i32
    %scan3A_102 = arith.constant 1 : i32
    scf.for %scan3A_292 = %scan3A_99 to %scan3A_101 step %scan3A_102  : i32 {
      %mul3A_293 = arith.constant 4 : i32
      %mul3A_294 = arith.muli %scan3A_292, %mul3A_293 : i32
      %add3A_295 = arith.constant 0 : i32
      %add3A_296 = arith.addi %mul3A_294, %add3A_295 : i32
      %mul3A_297 = arith.constant 128 : i32
      %mul3A_298 = arith.muli %add3A_296, %mul3A_297 : i32
      %dma_wait3A_299 = tpu.memref_slice %arg10[%mul3A_298] : memref<19968xi32, #tpu.memory_space<vmem>> -> memref<128xi32, #tpu.memory_space<vmem>>
      %dma_wait3A_300 = arith.constant 0 : i32
      %dma_wait3A_301 = arith.constant 0 : i32
      %dma_wait3A_302 = tpu.memref_slice %arg2[%dma_wait3A_300, %dma_wait3A_301] : memref<20000x64xf32, #tpu.memory_space<hbm>> -> memref<20000x64xf32, #tpu.memory_space<hbm>>
      tpu.wait_indirect_dma semaphore(%arg22 : memref<!tpu.dma_semaphore, #tpu.memory_space<semaphore_mem>>) src(%dma_wait3A_302 : memref<20000x64xf32, #tpu.memory_space<hbm>>) dst(%arg17 : memref<128x64xf32, #tpu.memory_space<vmem>>)
      %add3A_303 = arith.constant 0 : i32
      %add3A_304 = arith.addi %mul3A_294, %add3A_303 : i32
      %dma_start3A_305 = arith.constant 0 : i32
      %dma_start3A_306 = tpu.memref_slice %arg12[%add3A_304, %dma_start3A_305] : memref<156x128xi32, #tpu.memory_space<vmem>> -> memref<1x128xi32, #tpu.memory_space<vmem>>
      %dma_start3A_307 = tpu.memref_squeeze %dma_start3A_306 : memref<1x128xi32, #tpu.memory_space<vmem>> -> memref<128xi32, #tpu.memory_space<vmem>>
      %dma_start3A_308 = arith.constant 0 : i32
      %dma_start3A_309 = arith.constant 0 : i32
      %dma_start3A_310 = tpu.memref_slice %arg21[%dma_start3A_308, %dma_start3A_309] : memref<10000x64xf32, #tpu.memory_space<vmem_shared>> -> memref<10000x64xf32, #tpu.memory_space<vmem_shared>>
      tpu.enqueue_indirect_dma source(%arg17 : memref<128x64xf32, #tpu.memory_space<vmem>>) target(%dma_start3A_310 : memref<10000x64xf32, #tpu.memory_space<vmem_shared>>) offsets(%dma_start3A_307 : memref<128xi32, #tpu.memory_space<vmem>>) semaphore(%arg26 : memref<!tpu.dma_semaphore, #tpu.memory_space<semaphore_mem>>) {add = true}
      %add3A_311 = arith.constant 1 : i32
      %add3A_312 = arith.addi %mul3A_294, %add3A_311 : i32
      %mul3A_313 = arith.constant 128 : i32
      %mul3A_314 = arith.muli %add3A_312, %mul3A_313 : i32
      %dma_wait3A_315 = tpu.memref_slice %arg10[%mul3A_314] : memref<19968xi32, #tpu.memory_space<vmem>> -> memref<128xi32, #tpu.memory_space<vmem>>
      %dma_wait3A_316 = arith.constant 0 : i32
      %dma_wait3A_317 = arith.constant 0 : i32
      %dma_wait3A_318 = tpu.memref_slice %arg2[%dma_wait3A_316, %dma_wait3A_317] : memref<20000x64xf32, #tpu.memory_space<hbm>> -> memref<20000x64xf32, #tpu.memory_space<hbm>>
      tpu.wait_indirect_dma semaphore(%arg23 : memref<!tpu.dma_semaphore, #tpu.memory_space<semaphore_mem>>) src(%dma_wait3A_318 : memref<20000x64xf32, #tpu.memory_space<hbm>>) dst(%arg18 : memref<128x64xf32, #tpu.memory_space<vmem>>)
      %add3A_319 = arith.constant 1 : i32
      %add3A_320 = arith.addi %mul3A_294, %add3A_319 : i32
      %dma_start3A_321 = arith.constant 0 : i32
      %dma_start3A_322 = tpu.memref_slice %arg12[%add3A_320, %dma_start3A_321] : memref<156x128xi32, #tpu.memory_space<vmem>> -> memref<1x128xi32, #tpu.memory_space<vmem>>
      %dma_start3A_323 = tpu.memref_squeeze %dma_start3A_322 : memref<1x128xi32, #tpu.memory_space<vmem>> -> memref<128xi32, #tpu.memory_space<vmem>>
      %dma_start3A_324 = arith.constant 0 : i32
      %dma_start3A_325 = arith.constant 0 : i32
      %dma_start3A_326 = tpu.memref_slice %arg21[%dma_start3A_324, %dma_start3A_325] : memref<10000x64xf32, #tpu.memory_space<vmem_shared>> -> memref<10000x64xf32, #tpu.memory_space<vmem_shared>>
      tpu.enqueue_indirect_dma source(%arg18 : memref<128x64xf32, #tpu.memory_space<vmem>>) target(%dma_start3A_326 : memref<10000x64xf32, #tpu.memory_space<vmem_shared>>) offsets(%dma_start3A_323 : memref<128xi32, #tpu.memory_space<vmem>>) semaphore(%arg27 : memref<!tpu.dma_semaphore, #tpu.memory_space<semaphore_mem>>) {add = true}
      %add3A_327 = arith.constant 2 : i32
      %add3A_328 = arith.addi %mul3A_294, %add3A_327 : i32
      %mul3A_329 = arith.constant 128 : i32
      %mul3A_330 = arith.muli %add3A_328, %mul3A_329 : i32
      %dma_wait3A_331 = tpu.memref_slice %arg10[%mul3A_330] : memref<19968xi32, #tpu.memory_space<vmem>> -> memref<128xi32, #tpu.memory_space<vmem>>
      %dma_wait3A_332 = arith.constant 0 : i32
      %dma_wait3A_333 = arith.constant 0 : i32
      %dma_wait3A_334 = tpu.memref_slice %arg2[%dma_wait3A_332, %dma_wait3A_333] : memref<20000x64xf32, #tpu.memory_space<hbm>> -> memref<20000x64xf32, #tpu.memory_space<hbm>>
      tpu.wait_indirect_dma semaphore(%arg24 : memref<!tpu.dma_semaphore, #tpu.memory_space<semaphore_mem>>) src(%dma_wait3A_334 : memref<20000x64xf32, #tpu.memory_space<hbm>>) dst(%arg19 : memref<128x64xf32, #tpu.memory_space<vmem>>)
      %add3A_335 = arith.constant 2 : i32
      %add3A_336 = arith.addi %mul3A_294, %add3A_335 : i32
      %dma_start3A_337 = arith.constant 0 : i32
      %dma_start3A_338 = tpu.memref_slice %arg12[%add3A_336, %dma_start3A_337] : memref<156x128xi32, #tpu.memory_space<vmem>> -> memref<1x128xi32, #tpu.memory_space<vmem>>
      %dma_start3A_339 = tpu.memref_squeeze %dma_start3A_338 : memref<1x128xi32, #tpu.memory_space<vmem>> -> memref<128xi32, #tpu.memory_space<vmem>>
      %dma_start3A_340 = arith.constant 0 : i32
      %dma_start3A_341 = arith.constant 0 : i32
      %dma_start3A_342 = tpu.memref_slice %arg21[%dma_start3A_340, %dma_start3A_341] : memref<10000x64xf32, #tpu.memory_space<vmem_shared>> -> memref<10000x64xf32, #tpu.memory_space<vmem_shared>>
      tpu.enqueue_indirect_dma source(%arg19 : memref<128x64xf32, #tpu.memory_space<vmem>>) target(%dma_start3A_342 : memref<10000x64xf32, #tpu.memory_space<vmem_shared>>) offsets(%dma_start3A_339 : memref<128xi32, #tpu.memory_space<vmem>>) semaphore(%arg28 : memref<!tpu.dma_semaphore, #tpu.memory_space<semaphore_mem>>) {add = true}
      %add3A_343 = arith.constant 3 : i32
      %add3A_344 = arith.addi %mul3A_294, %add3A_343 : i32
      %mul3A_345 = arith.constant 128 : i32
      %mul3A_346 = arith.muli %add3A_344, %mul3A_345 : i32
      %dma_wait3A_347 = tpu.memref_slice %arg10[%mul3A_346] : memref<19968xi32, #tpu.memory_space<vmem>> -> memref<128xi32, #tpu.memory_space<vmem>>
      %dma_wait3A_348 = arith.constant 0 : i32
      %dma_wait3A_349 = arith.constant 0 : i32
      %dma_wait3A_350 = tpu.memref_slice %arg2[%dma_wait3A_348, %dma_wait3A_349] : memref<20000x64xf32, #tpu.memory_space<hbm>> -> memref<20000x64xf32, #tpu.memory_space<hbm>>
      tpu.wait_indirect_dma semaphore(%arg25 : memref<!tpu.dma_semaphore, #tpu.memory_space<semaphore_mem>>) src(%dma_wait3A_350 : memref<20000x64xf32, #tpu.memory_space<hbm>>) dst(%arg20 : memref<128x64xf32, #tpu.memory_space<vmem>>)
      %add3A_351 = arith.constant 3 : i32
      %add3A_352 = arith.addi %mul3A_294, %add3A_351 : i32
      %dma_start3A_353 = arith.constant 0 : i32
      %dma_start3A_354 = tpu.memref_slice %arg12[%add3A_352, %dma_start3A_353] : memref<156x128xi32, #tpu.memory_space<vmem>> -> memref<1x128xi32, #tpu.memory_space<vmem>>
      %dma_start3A_355 = tpu.memref_squeeze %dma_start3A_354 : memref<1x128xi32, #tpu.memory_space<vmem>> -> memref<128xi32, #tpu.memory_space<vmem>>
      %dma_start3A_356 = arith.constant 0 : i32
      %dma_start3A_357 = arith.constant 0 : i32
      %dma_start3A_358 = tpu.memref_slice %arg21[%dma_start3A_356, %dma_start3A_357] : memref<10000x64xf32, #tpu.memory_space<vmem_shared>> -> memref<10000x64xf32, #tpu.memory_space<vmem_shared>>
      tpu.enqueue_indirect_dma source(%arg20 : memref<128x64xf32, #tpu.memory_space<vmem>>) target(%dma_start3A_358 : memref<10000x64xf32, #tpu.memory_space<vmem_shared>>) offsets(%dma_start3A_355 : memref<128xi32, #tpu.memory_space<vmem>>) semaphore(%arg29 : memref<!tpu.dma_semaphore, #tpu.memory_space<semaphore_mem>>) {add = true}
      %dma_wait3A_359 = arith.constant 0 : i32
      %dma_wait3A_360 = tpu.memref_slice %arg12[%add3A_304, %dma_wait3A_359] : memref<156x128xi32, #tpu.memory_space<vmem>> -> memref<1x128xi32, #tpu.memory_space<vmem>>
      %dma_wait3A_361 = tpu.memref_squeeze %dma_wait3A_360 : memref<1x128xi32, #tpu.memory_space<vmem>> -> memref<128xi32, #tpu.memory_space<vmem>>
      %dma_wait3A_362 = arith.constant 0 : i32
      %dma_wait3A_363 = arith.constant 0 : i32
      %dma_wait3A_364 = tpu.memref_slice %arg21[%dma_wait3A_362, %dma_wait3A_363] : memref<10000x64xf32, #tpu.memory_space<vmem_shared>> -> memref<10000x64xf32, #tpu.memory_space<vmem_shared>>
      tpu.wait_indirect_dma semaphore(%arg26 : memref<!tpu.dma_semaphore, #tpu.memory_space<semaphore_mem>>) src(%arg17 : memref<128x64xf32, #tpu.memory_space<vmem>>) dst(%dma_wait3A_364 : memref<10000x64xf32, #tpu.memory_space<vmem_shared>>)
      %add3A_365 = arith.constant 4 : i32
      %add3A_366 = arith.addi %mul3A_294, %add3A_365 : i32
      %add3A_367 = arith.constant 0 : i32
      %add3A_368 = arith.addi %add3A_366, %add3A_367 : i32
      %mul3A_369 = arith.constant 128 : i32
      %mul3A_370 = arith.muli %add3A_368, %mul3A_369 : i32
      %dma_start3A_371 = tpu.memref_slice %arg10[%mul3A_370] : memref<19968xi32, #tpu.memory_space<vmem>> -> memref<128xi32, #tpu.memory_space<vmem>>
      %dma_start3A_372 = arith.constant 0 : i32
      %dma_start3A_373 = arith.constant 0 : i32
      %dma_start3A_374 = tpu.memref_slice %arg2[%dma_start3A_372, %dma_start3A_373] : memref<20000x64xf32, #tpu.memory_space<hbm>> -> memref<20000x64xf32, #tpu.memory_space<hbm>>
      tpu.enqueue_indirect_dma source(%dma_start3A_374 : memref<20000x64xf32, #tpu.memory_space<hbm>>) target(%arg17 : memref<128x64xf32, #tpu.memory_space<vmem>>) offsets(%dma_start3A_371 : memref<128xi32, #tpu.memory_space<vmem>>) semaphore(%arg22 : memref<!tpu.dma_semaphore, #tpu.memory_space<semaphore_mem>>)
      %dma_wait3A_375 = arith.constant 0 : i32
      %dma_wait3A_376 = tpu.memref_slice %arg12[%add3A_320, %dma_wait3A_375] : memref<156x128xi32, #tpu.memory_space<vmem>> -> memref<1x128xi32, #tpu.memory_space<vmem>>
      %dma_wait3A_377 = tpu.memref_squeeze %dma_wait3A_376 : memref<1x128xi32, #tpu.memory_space<vmem>> -> memref<128xi32, #tpu.memory_space<vmem>>
      %dma_wait3A_378 = arith.constant 0 : i32
      %dma_wait3A_379 = arith.constant 0 : i32
      %dma_wait3A_380 = tpu.memref_slice %arg21[%dma_wait3A_378, %dma_wait3A_379] : memref<10000x64xf32, #tpu.memory_space<vmem_shared>> -> memref<10000x64xf32, #tpu.memory_space<vmem_shared>>
      tpu.wait_indirect_dma semaphore(%arg27 : memref<!tpu.dma_semaphore, #tpu.memory_space<semaphore_mem>>) src(%arg18 : memref<128x64xf32, #tpu.memory_space<vmem>>) dst(%dma_wait3A_380 : memref<10000x64xf32, #tpu.memory_space<vmem_shared>>)
      %add3A_381 = arith.constant 4 : i32
      %add3A_382 = arith.addi %mul3A_294, %add3A_381 : i32
      %add3A_383 = arith.constant 1 : i32
      %add3A_384 = arith.addi %add3A_382, %add3A_383 : i32
      %mul3A_385 = arith.constant 128 : i32
      %mul3A_386 = arith.muli %add3A_384, %mul3A_385 : i32
      %dma_start3A_387 = tpu.memref_slice %arg10[%mul3A_386] : memref<19968xi32, #tpu.memory_space<vmem>> -> memref<128xi32, #tpu.memory_space<vmem>>
      %dma_start3A_388 = arith.constant 0 : i32
      %dma_start3A_389 = arith.constant 0 : i32
      %dma_start3A_390 = tpu.memref_slice %arg2[%dma_start3A_388, %dma_start3A_389] : memref<20000x64xf32, #tpu.memory_space<hbm>> -> memref<20000x64xf32, #tpu.memory_space<hbm>>
      tpu.enqueue_indirect_dma source(%dma_start3A_390 : memref<20000x64xf32, #tpu.memory_space<hbm>>) target(%arg18 : memref<128x64xf32, #tpu.memory_space<vmem>>) offsets(%dma_start3A_387 : memref<128xi32, #tpu.memory_space<vmem>>) semaphore(%arg23 : memref<!tpu.dma_semaphore, #tpu.memory_space<semaphore_mem>>)
      %dma_wait3A_391 = arith.constant 0 : i32
      %dma_wait3A_392 = tpu.memref_slice %arg12[%add3A_336, %dma_wait3A_391] : memref<156x128xi32, #tpu.memory_space<vmem>> -> memref<1x128xi32, #tpu.memory_space<vmem>>
      %dma_wait3A_393 = tpu.memref_squeeze %dma_wait3A_392 : memref<1x128xi32, #tpu.memory_space<vmem>> -> memref<128xi32, #tpu.memory_space<vmem>>
      %dma_wait3A_394 = arith.constant 0 : i32
      %dma_wait3A_395 = arith.constant 0 : i32
      %dma_wait3A_396 = tpu.memref_slice %arg21[%dma_wait3A_394, %dma_wait3A_395] : memref<10000x64xf32, #tpu.memory_space<vmem_shared>> -> memref<10000x64xf32, #tpu.memory_space<vmem_shared>>
      tpu.wait_indirect_dma semaphore(%arg28 : memref<!tpu.dma_semaphore, #tpu.memory_space<semaphore_mem>>) src(%arg19 : memref<128x64xf32, #tpu.memory_space<vmem>>) dst(%dma_wait3A_396 : memref<10000x64xf32, #tpu.memory_space<vmem_shared>>)
      %add3A_397 = arith.constant 4 : i32
      %add3A_398 = arith.addi %mul3A_294, %add3A_397 : i32
      %add3A_399 = arith.constant 2 : i32
      %add3A_400 = arith.addi %add3A_398, %add3A_399 : i32
      %mul3A_401 = arith.constant 128 : i32
      %mul3A_402 = arith.muli %add3A_400, %mul3A_401 : i32
      %dma_start3A_403 = tpu.memref_slice %arg10[%mul3A_402] : memref<19968xi32, #tpu.memory_space<vmem>> -> memref<128xi32, #tpu.memory_space<vmem>>
      %dma_start3A_404 = arith.constant 0 : i32
      %dma_start3A_405 = arith.constant 0 : i32
      %dma_start3A_406 = tpu.memref_slice %arg2[%dma_start3A_404, %dma_start3A_405] : memref<20000x64xf32, #tpu.memory_space<hbm>> -> memref<20000x64xf32, #tpu.memory_space<hbm>>
      tpu.enqueue_indirect_dma source(%dma_start3A_406 : memref<20000x64xf32, #tpu.memory_space<hbm>>) target(%arg19 : memref<128x64xf32, #tpu.memory_space<vmem>>) offsets(%dma_start3A_403 : memref<128xi32, #tpu.memory_space<vmem>>) semaphore(%arg24 : memref<!tpu.dma_semaphore, #tpu.memory_space<semaphore_mem>>)
      %dma_wait3A_407 = arith.constant 0 : i32
      %dma_wait3A_408 = tpu.memref_slice %arg12[%add3A_352, %dma_wait3A_407] : memref<156x128xi32, #tpu.memory_space<vmem>> -> memref<1x128xi32, #tpu.memory_space<vmem>>
      %dma_wait3A_409 = tpu.memref_squeeze %dma_wait3A_408 : memref<1x128xi32, #tpu.memory_space<vmem>> -> memref<128xi32, #tpu.memory_space<vmem>>
      %dma_wait3A_410 = arith.constant 0 : i32
      %dma_wait3A_411 = arith.constant 0 : i32
      %dma_wait3A_412 = tpu.memref_slice %arg21[%dma_wait3A_410, %dma_wait3A_411] : memref<10000x64xf32, #tpu.memory_space<vmem_shared>> -> memref<10000x64xf32, #tpu.memory_space<vmem_shared>>
      tpu.wait_indirect_dma semaphore(%arg29 : memref<!tpu.dma_semaphore, #tpu.memory_space<semaphore_mem>>) src(%arg20 : memref<128x64xf32, #tpu.memory_space<vmem>>) dst(%dma_wait3A_412 : memref<10000x64xf32, #tpu.memory_space<vmem_shared>>)
      %add3A_413 = arith.constant 4 : i32
      %add3A_414 = arith.addi %mul3A_294, %add3A_413 : i32
      %add3A_415 = arith.constant 3 : i32
      %add3A_416 = arith.addi %add3A_414, %add3A_415 : i32
      %mul3A_417 = arith.constant 128 : i32
      %mul3A_418 = arith.muli %add3A_416, %mul3A_417 : i32
      %dma_start3A_419 = tpu.memref_slice %arg10[%mul3A_418] : memref<19968xi32, #tpu.memory_space<vmem>> -> memref<128xi32, #tpu.memory_space<vmem>>
      %dma_start3A_420 = arith.constant 0 : i32
      %dma_start3A_421 = arith.constant 0 : i32
      %dma_start3A_422 = tpu.memref_slice %arg2[%dma_start3A_420, %dma_start3A_421] : memref<20000x64xf32, #tpu.memory_space<hbm>> -> memref<20000x64xf32, #tpu.memory_space<hbm>>
      tpu.enqueue_indirect_dma source(%dma_start3A_422 : memref<20000x64xf32, #tpu.memory_space<hbm>>) target(%arg20 : memref<128x64xf32, #tpu.memory_space<vmem>>) offsets(%dma_start3A_419 : memref<128xi32, #tpu.memory_space<vmem>>) semaphore(%arg25 : memref<!tpu.dma_semaphore, #tpu.memory_space<semaphore_mem>>)
    }
    %scan3A_103 = arith.constant 38 : i32
    %dma_wait3A_104 = arith.constant 19456 : i32
    %dma_wait3A_105 = tpu.memref_slice %arg10[%dma_wait3A_104] : memref<19968xi32, #tpu.memory_space<vmem>> -> memref<128xi32, #tpu.memory_space<vmem>>
    %dma_wait3A_106 = arith.constant 0 : i32
    %dma_wait3A_107 = arith.constant 0 : i32
    %dma_wait3A_108 = tpu.memref_slice %arg2[%dma_wait3A_106, %dma_wait3A_107] : memref<20000x64xf32, #tpu.memory_space<hbm>> -> memref<20000x64xf32, #tpu.memory_space<hbm>>
    tpu.wait_indirect_dma semaphore(%arg22 : memref<!tpu.dma_semaphore, #tpu.memory_space<semaphore_mem>>) src(%dma_wait3A_108 : memref<20000x64xf32, #tpu.memory_space<hbm>>) dst(%arg17 : memref<128x64xf32, #tpu.memory_space<vmem>>)
    %dma_start3A_109 = arith.constant 152 : i32
    %dma_start3A_110 = arith.constant 0 : i32
    %dma_start3A_111 = tpu.memref_slice %arg12[%dma_start3A_109, %dma_start3A_110] : memref<156x128xi32, #tpu.memory_space<vmem>> -> memref<1x128xi32, #tpu.memory_space<vmem>>
    %dma_start3A_112 = tpu.memref_squeeze %dma_start3A_111 : memref<1x128xi32, #tpu.memory_space<vmem>> -> memref<128xi32, #tpu.memory_space<vmem>>
    %dma_start3A_113 = arith.constant 0 : i32
    %dma_start3A_114 = arith.constant 0 : i32
    %dma_start3A_115 = tpu.memref_slice %arg21[%dma_start3A_113, %dma_start3A_114] : memref<10000x64xf32, #tpu.memory_space<vmem_shared>> -> memref<10000x64xf32, #tpu.memory_space<vmem_shared>>
    tpu.enqueue_indirect_dma source(%arg17 : memref<128x64xf32, #tpu.memory_space<vmem>>) target(%dma_start3A_115 : memref<10000x64xf32, #tpu.memory_space<vmem_shared>>) offsets(%dma_start3A_112 : memref<128xi32, #tpu.memory_space<vmem>>) semaphore(%arg26 : memref<!tpu.dma_semaphore, #tpu.memory_space<semaphore_mem>>) {add = true}
    %dma_wait3A_116 = arith.constant 19584 : i32
    %dma_wait3A_117 = tpu.memref_slice %arg10[%dma_wait3A_116] : memref<19968xi32, #tpu.memory_space<vmem>> -> memref<128xi32, #tpu.memory_space<vmem>>
    %dma_wait3A_118 = arith.constant 0 : i32
    %dma_wait3A_119 = arith.constant 0 : i32
    %dma_wait3A_120 = tpu.memref_slice %arg2[%dma_wait3A_118, %dma_wait3A_119] : memref<20000x64xf32, #tpu.memory_space<hbm>> -> memref<20000x64xf32, #tpu.memory_space<hbm>>
    tpu.wait_indirect_dma semaphore(%arg23 : memref<!tpu.dma_semaphore, #tpu.memory_space<semaphore_mem>>) src(%dma_wait3A_120 : memref<20000x64xf32, #tpu.memory_space<hbm>>) dst(%arg18 : memref<128x64xf32, #tpu.memory_space<vmem>>)
    %dma_start3A_121 = arith.constant 153 : i32
    %dma_start3A_122 = arith.constant 0 : i32
    %dma_start3A_123 = tpu.memref_slice %arg12[%dma_start3A_121, %dma_start3A_122] : memref<156x128xi32, #tpu.memory_space<vmem>> -> memref<1x128xi32, #tpu.memory_space<vmem>>
    %dma_start3A_124 = tpu.memref_squeeze %dma_start3A_123 : memref<1x128xi32, #tpu.memory_space<vmem>> -> memref<128xi32, #tpu.memory_space<vmem>>
    %dma_start3A_125 = arith.constant 0 : i32
    %dma_start3A_126 = arith.constant 0 : i32
    %dma_start3A_127 = tpu.memref_slice %arg21[%dma_start3A_125, %dma_start3A_126] : memref<10000x64xf32, #tpu.memory_space<vmem_shared>> -> memref<10000x64xf32, #tpu.memory_space<vmem_shared>>
    tpu.enqueue_indirect_dma source(%arg18 : memref<128x64xf32, #tpu.memory_space<vmem>>) target(%dma_start3A_127 : memref<10000x64xf32, #tpu.memory_space<vmem_shared>>) offsets(%dma_start3A_124 : memref<128xi32, #tpu.memory_space<vmem>>) semaphore(%arg27 : memref<!tpu.dma_semaphore, #tpu.memory_space<semaphore_mem>>) {add = true}
    %dma_wait3A_128 = arith.constant 19712 : i32
    %dma_wait3A_129 = tpu.memref_slice %arg10[%dma_wait3A_128] : memref<19968xi32, #tpu.memory_space<vmem>> -> memref<128xi32, #tpu.memory_space<vmem>>
    %dma_wait3A_130 = arith.constant 0 : i32
    %dma_wait3A_131 = arith.constant 0 : i32
    %dma_wait3A_132 = tpu.memref_slice %arg2[%dma_wait3A_130, %dma_wait3A_131] : memref<20000x64xf32, #tpu.memory_space<hbm>> -> memref<20000x64xf32, #tpu.memory_space<hbm>>
    tpu.wait_indirect_dma semaphore(%arg24 : memref<!tpu.dma_semaphore, #tpu.memory_space<semaphore_mem>>) src(%dma_wait3A_132 : memref<20000x64xf32, #tpu.memory_space<hbm>>) dst(%arg19 : memref<128x64xf32, #tpu.memory_space<vmem>>)
    %dma_start3A_133 = arith.constant 154 : i32
    %dma_start3A_134 = arith.constant 0 : i32
    %dma_start3A_135 = tpu.memref_slice %arg12[%dma_start3A_133, %dma_start3A_134] : memref<156x128xi32, #tpu.memory_space<vmem>> -> memref<1x128xi32, #tpu.memory_space<vmem>>
    %dma_start3A_136 = tpu.memref_squeeze %dma_start3A_135 : memref<1x128xi32, #tpu.memory_space<vmem>> -> memref<128xi32, #tpu.memory_space<vmem>>
    %dma_start3A_137 = arith.constant 0 : i32
    %dma_start3A_138 = arith.constant 0 : i32
    %dma_start3A_139 = tpu.memref_slice %arg21[%dma_start3A_137, %dma_start3A_138] : memref<10000x64xf32, #tpu.memory_space<vmem_shared>> -> memref<10000x64xf32, #tpu.memory_space<vmem_shared>>
    tpu.enqueue_indirect_dma source(%arg19 : memref<128x64xf32, #tpu.memory_space<vmem>>) target(%dma_start3A_139 : memref<10000x64xf32, #tpu.memory_space<vmem_shared>>) offsets(%dma_start3A_136 : memref<128xi32, #tpu.memory_space<vmem>>) semaphore(%arg28 : memref<!tpu.dma_semaphore, #tpu.memory_space<semaphore_mem>>) {add = true}
    %dma_wait3A_140 = arith.constant 19840 : i32
    %dma_wait3A_141 = tpu.memref_slice %arg10[%dma_wait3A_140] : memref<19968xi32, #tpu.memory_space<vmem>> -> memref<128xi32, #tpu.memory_space<vmem>>
    %dma_wait3A_142 = arith.constant 0 : i32
    %dma_wait3A_143 = arith.constant 0 : i32
    %dma_wait3A_144 = tpu.memref_slice %arg2[%dma_wait3A_142, %dma_wait3A_143] : memref<20000x64xf32, #tpu.memory_space<hbm>> -> memref<20000x64xf32, #tpu.memory_space<hbm>>
    tpu.wait_indirect_dma semaphore(%arg25 : memref<!tpu.dma_semaphore, #tpu.memory_space<semaphore_mem>>) src(%dma_wait3A_144 : memref<20000x64xf32, #tpu.memory_space<hbm>>) dst(%arg20 : memref<128x64xf32, #tpu.memory_space<vmem>>)
    %dma_start3A_145 = arith.constant 155 : i32
    %dma_start3A_146 = arith.constant 0 : i32
    %dma_start3A_147 = tpu.memref_slice %arg12[%dma_start3A_145, %dma_start3A_146] : memref<156x128xi32, #tpu.memory_space<vmem>> -> memref<1x128xi32, #tpu.memory_space<vmem>>
    %dma_start3A_148 = tpu.memref_squeeze %dma_start3A_147 : memref<1x128xi32, #tpu.memory_space<vmem>> -> memref<128xi32, #tpu.memory_space<vmem>>
    %dma_start3A_149 = arith.constant 0 : i32
    %dma_start3A_150 = arith.constant 0 : i32
    %dma_start3A_151 = tpu.memref_slice %arg21[%dma_start3A_149, %dma_start3A_150] : memref<10000x64xf32, #tpu.memory_space<vmem_shared>> -> memref<10000x64xf32, #tpu.memory_space<vmem_shared>>
    tpu.enqueue_indirect_dma source(%arg20 : memref<128x64xf32, #tpu.memory_space<vmem>>) target(%dma_start3A_151 : memref<10000x64xf32, #tpu.memory_space<vmem_shared>>) offsets(%dma_start3A_148 : memref<128xi32, #tpu.memory_space<vmem>>) semaphore(%arg29 : memref<!tpu.dma_semaphore, #tpu.memory_space<semaphore_mem>>) {add = true}
    %dma_wait3A_152 = arith.constant 152 : i32
    %dma_wait3A_153 = arith.constant 0 : i32
    %dma_wait3A_154 = tpu.memref_slice %arg12[%dma_wait3A_152, %dma_wait3A_153] : memref<156x128xi32, #tpu.memory_space<vmem>> -> memref<1x128xi32, #tpu.memory_space<vmem>>
    %dma_wait3A_155 = tpu.memref_squeeze %dma_wait3A_154 : memref<1x128xi32, #tpu.memory_space<vmem>> -> memref<128xi32, #tpu.memory_space<vmem>>
    %dma_wait3A_156 = arith.constant 0 : i32
    %dma_wait3A_157 = arith.constant 0 : i32
    %dma_wait3A_158 = tpu.memref_slice %arg21[%dma_wait3A_156, %dma_wait3A_157] : memref<10000x64xf32, #tpu.memory_space<vmem_shared>> -> memref<10000x64xf32, #tpu.memory_space<vmem_shared>>
    tpu.wait_indirect_dma semaphore(%arg26 : memref<!tpu.dma_semaphore, #tpu.memory_space<semaphore_mem>>) src(%arg17 : memref<128x64xf32, #tpu.memory_space<vmem>>) dst(%dma_wait3A_158 : memref<10000x64xf32, #tpu.memory_space<vmem_shared>>)
    %dma_wait3A_159 = arith.constant 153 : i32
    %dma_wait3A_160 = arith.constant 0 : i32
    %dma_wait3A_161 = tpu.memref_slice %arg12[%dma_wait3A_159, %dma_wait3A_160] : memref<156x128xi32, #tpu.memory_space<vmem>> -> memref<1x128xi32, #tpu.memory_space<vmem>>
    %dma_wait3A_162 = tpu.memref_squeeze %dma_wait3A_161 : memref<1x128xi32, #tpu.memory_space<vmem>> -> memref<128xi32, #tpu.memory_space<vmem>>
    %dma_wait3A_163 = arith.constant 0 : i32
    %dma_wait3A_164 = arith.constant 0 : i32
    %dma_wait3A_165 = tpu.memref_slice %arg21[%dma_wait3A_163, %dma_wait3A_164] : memref<10000x64xf32, #tpu.memory_space<vmem_shared>> -> memref<10000x64xf32, #tpu.memory_space<vmem_shared>>
    tpu.wait_indirect_dma semaphore(%arg27 : memref<!tpu.dma_semaphore, #tpu.memory_space<semaphore_mem>>) src(%arg18 : memref<128x64xf32, #tpu.memory_space<vmem>>) dst(%dma_wait3A_165 : memref<10000x64xf32, #tpu.memory_space<vmem_shared>>)
    %dma_wait3A_166 = arith.constant 154 : i32
    %dma_wait3A_167 = arith.constant 0 : i32
    %dma_wait3A_168 = tpu.memref_slice %arg12[%dma_wait3A_166, %dma_wait3A_167] : memref<156x128xi32, #tpu.memory_space<vmem>> -> memref<1x128xi32, #tpu.memory_space<vmem>>
    %dma_wait3A_169 = tpu.memref_squeeze %dma_wait3A_168 : memref<1x128xi32, #tpu.memory_space<vmem>> -> memref<128xi32, #tpu.memory_space<vmem>>
    %dma_wait3A_170 = arith.constant 0 : i32
    %dma_wait3A_171 = arith.constant 0 : i32
    %dma_wait3A_172 = tpu.memref_slice %arg21[%dma_wait3A_170, %dma_wait3A_171] : memref<10000x64xf32, #tpu.memory_space<vmem_shared>> -> memref<10000x64xf32, #tpu.memory_space<vmem_shared>>
    tpu.wait_indirect_dma semaphore(%arg28 : memref<!tpu.dma_semaphore, #tpu.memory_space<semaphore_mem>>) src(%arg19 : memref<128x64xf32, #tpu.memory_space<vmem>>) dst(%dma_wait3A_172 : memref<10000x64xf32, #tpu.memory_space<vmem_shared>>)
    %dma_wait3A_173 = arith.constant 155 : i32
    %dma_wait3A_174 = arith.constant 0 : i32
    %dma_wait3A_175 = tpu.memref_slice %arg12[%dma_wait3A_173, %dma_wait3A_174] : memref<156x128xi32, #tpu.memory_space<vmem>> -> memref<1x128xi32, #tpu.memory_space<vmem>>
    %dma_wait3A_176 = tpu.memref_squeeze %dma_wait3A_175 : memref<1x128xi32, #tpu.memory_space<vmem>> -> memref<128xi32, #tpu.memory_space<vmem>>
    %dma_wait3A_177 = arith.constant 0 : i32
    %dma_wait3A_178 = arith.constant 0 : i32
    %dma_wait3A_179 = tpu.memref_slice %arg21[%dma_wait3A_177, %dma_wait3A_178] : memref<10000x64xf32, #tpu.memory_space<vmem_shared>> -> memref<10000x64xf32, #tpu.memory_space<vmem_shared>>
    tpu.wait_indirect_dma semaphore(%arg29 : memref<!tpu.dma_semaphore, #tpu.memory_space<semaphore_mem>>) src(%arg20 : memref<128x64xf32, #tpu.memory_space<vmem>>) dst(%dma_wait3A_179 : memref<10000x64xf32, #tpu.memory_space<vmem_shared>>)
    %dma_start3A_180 = arith.constant 0 : i32
    %dma_start3A_181 = arith.constant 0 : i32
    %dma_start3A_182 = tpu.memref_slice %arg17[%dma_start3A_180, %dma_start3A_181] : memref<128x64xf32, #tpu.memory_space<vmem>> -> memref<32x64xf32, #tpu.memory_space<vmem>>
    %dma_start3A_183 = arith.constant 0 : i32
    %dma_start3A_184 = arith.constant 0 : i32
    %dma_start3A_185 = tpu.memref_slice %arg2[%dma_start3A_183, %dma_start3A_184] : memref<20000x64xf32, #tpu.memory_space<hbm>> -> memref<20000x64xf32, #tpu.memory_space<hbm>>
    tpu.enqueue_indirect_dma source(%dma_start3A_185 : memref<20000x64xf32, #tpu.memory_space<hbm>>) target(%dma_start3A_182 : memref<32x64xf32, #tpu.memory_space<vmem>>) offsets(%arg11 : memref<32xi32, #tpu.memory_space<vmem>>) semaphore(%arg22 : memref<!tpu.dma_semaphore, #tpu.memory_space<semaphore_mem>>)
    %dma_wait3A_186 = arith.constant 0 : i32
    %dma_wait3A_187 = arith.constant 0 : i32
    %dma_wait3A_188 = tpu.memref_slice %arg17[%dma_wait3A_186, %dma_wait3A_187] : memref<128x64xf32, #tpu.memory_space<vmem>> -> memref<32x64xf32, #tpu.memory_space<vmem>>
    %dma_wait3A_189 = arith.constant 0 : i32
    %dma_wait3A_190 = arith.constant 0 : i32
    %dma_wait3A_191 = tpu.memref_slice %arg2[%dma_wait3A_189, %dma_wait3A_190] : memref<20000x64xf32, #tpu.memory_space<hbm>> -> memref<20000x64xf32, #tpu.memory_space<hbm>>
    tpu.wait_indirect_dma semaphore(%arg22 : memref<!tpu.dma_semaphore, #tpu.memory_space<semaphore_mem>>) src(%dma_wait3A_191 : memref<20000x64xf32, #tpu.memory_space<hbm>>) dst(%dma_wait3A_188 : memref<32x64xf32, #tpu.memory_space<vmem>>)
    %dma_start3A_192 = arith.constant 0 : i32
    %dma_start3A_193 = arith.constant 0 : i32
    %dma_start3A_194 = arith.constant 0 : i32
    %dma_start3A_195 = tpu.memref_slice %arg17[%dma_start3A_193, %dma_start3A_194] : memref<128x64xf32, #tpu.memory_space<vmem>> -> memref<32x64xf32, #tpu.memory_space<vmem>>
    %dma_start3A_196 = arith.constant 0 : i32
    %dma_start3A_197 = tpu.memref_slice %arg13[%dma_start3A_192, %dma_start3A_196] : memref<1x32xi32, #tpu.memory_space<vmem>> -> memref<1x32xi32, #tpu.memory_space<vmem>>
    %dma_start3A_198 = tpu.memref_squeeze %dma_start3A_197 : memref<1x32xi32, #tpu.memory_space<vmem>> -> memref<32xi32, #tpu.memory_space<vmem>>
    %dma_start3A_199 = arith.constant 0 : i32
    %dma_start3A_200 = arith.constant 0 : i32
    %dma_start3A_201 = tpu.memref_slice %arg21[%dma_start3A_199, %dma_start3A_200] : memref<10000x64xf32, #tpu.memory_space<vmem_shared>> -> memref<10000x64xf32, #tpu.memory_space<vmem_shared>>
    tpu.enqueue_indirect_dma source(%dma_start3A_195 : memref<32x64xf32, #tpu.memory_space<vmem>>) target(%dma_start3A_201 : memref<10000x64xf32, #tpu.memory_space<vmem_shared>>) offsets(%dma_start3A_198 : memref<32xi32, #tpu.memory_space<vmem>>) semaphore(%arg26 : memref<!tpu.dma_semaphore, #tpu.memory_space<semaphore_mem>>) {add = true}
    %dma_wait3A_202 = arith.constant 0 : i32
    %dma_wait3A_203 = arith.constant 0 : i32
    %dma_wait3A_204 = arith.constant 0 : i32
    %dma_wait3A_205 = tpu.memref_slice %arg17[%dma_wait3A_203, %dma_wait3A_204] : memref<128x64xf32, #tpu.memory_space<vmem>> -> memref<32x64xf32, #tpu.memory_space<vmem>>
    %dma_wait3A_206 = arith.constant 0 : i32
    %dma_wait3A_207 = tpu.memref_slice %arg13[%dma_wait3A_202, %dma_wait3A_206] : memref<1x32xi32, #tpu.memory_space<vmem>> -> memref<1x32xi32, #tpu.memory_space<vmem>>
    %dma_wait3A_208 = tpu.memref_squeeze %dma_wait3A_207 : memref<1x32xi32, #tpu.memory_space<vmem>> -> memref<32xi32, #tpu.memory_space<vmem>>
    %dma_wait3A_209 = arith.constant 0 : i32
    %dma_wait3A_210 = arith.constant 0 : i32
    %dma_wait3A_211 = tpu.memref_slice %arg21[%dma_wait3A_209, %dma_wait3A_210] : memref<10000x64xf32, #tpu.memory_space<vmem_shared>> -> memref<10000x64xf32, #tpu.memory_space<vmem_shared>>
    tpu.wait_indirect_dma semaphore(%arg26 : memref<!tpu.dma_semaphore, #tpu.memory_space<semaphore_mem>>) src(%dma_wait3A_205 : memref<32x64xf32, #tpu.memory_space<vmem>>) dst(%dma_wait3A_211 : memref<10000x64xf32, #tpu.memory_space<vmem_shared>>)
    %barrier3A_212 = arith.constant 0 : index
    tpu.barrier barrier_id(%barrier3A_212)
    %add3A = arith.constant 0 : i32
    %add3A_213 = arith.addi %mul3A_0, %add3A : i32
    "tpu.region"() ({
      %run_scoped3A = tpu.sem_alloc : memref<!tpu.dma_semaphore, #tpu.memory_space<semaphore_mem>>
      %dma_start3A_292 = arith.constant 0 : i32
      %dma_start3A_293 = tpu.memref_slice %arg21[%add3A_213, %dma_start3A_292] : memref<10000x64xf32, #tpu.memory_space<vmem_shared>> -> memref<125x64xf32, #tpu.memory_space<vmem_shared>>
      %dma_start3A_294 = arith.constant 0 : i32
      %dma_start3A_295 = tpu.memref_slice %arg21[%add3A_213, %dma_start3A_294] : memref<10000x64xf32, #tpu.memory_space<vmem_shared>> -> memref<125x64xf32, #tpu.memory_space<vmem_shared>>
      tpu.enqueue_dma source(%dma_start3A_295 : memref<125x64xf32, #tpu.memory_space<vmem_shared>>) target(%arg15 : memref<125x64xf32, #tpu.memory_space<vmem>>) target_semaphore(%run_scoped3A : memref<!tpu.dma_semaphore, #tpu.memory_space<semaphore_mem>>)
      %dma_wait3A_296 = arith.constant 0 : i32
      %dma_wait3A_297 = tpu.memref_slice %arg21[%add3A_213, %dma_wait3A_296] : memref<10000x64xf32, #tpu.memory_space<vmem_shared>> -> memref<125x64xf32, #tpu.memory_space<vmem_shared>>
      %dma_wait3A_298 = arith.constant 0 : i32
      %dma_wait3A_299 = tpu.memref_slice %arg21[%add3A_213, %dma_wait3A_298] : memref<10000x64xf32, #tpu.memory_space<vmem_shared>> -> memref<125x64xf32, #tpu.memory_space<vmem_shared>>
      tpu.wait_dma2 semaphore(%run_scoped3A : memref<!tpu.dma_semaphore, #tpu.memory_space<semaphore_mem>>) src(%dma_wait3A_299 : memref<125x64xf32, #tpu.memory_space<vmem_shared>>) dst(%arg15 : memref<125x64xf32, #tpu.memory_space<vmem>>)
      tpu.yield
    }) : () -> ()
    %dma_start3A_214 = arith.constant 0 : i32
    %dma_start3A_215 = arith.constant 0 : i32
    %dma_start3A_216 = tpu.memref_slice %arg14[%dma_start3A_214, %dma_start3A_215] : memref<5x125xi32, #tpu.memory_space<vmem>> -> memref<1x125xi32, #tpu.memory_space<vmem>>
    %dma_start3A_217 = tpu.memref_squeeze %dma_start3A_216 : memref<1x125xi32, #tpu.memory_space<vmem>> -> memref<125xi32, #tpu.memory_space<vmem>>
    %dma_start3A_218 = arith.constant 0 : i32
    %dma_start3A_219 = arith.constant 0 : i32
    %dma_start3A_220 = tpu.memref_slice %arg9[%dma_start3A_218, %dma_start3A_219] : memref<20000x64xf32, #tpu.memory_space<hbm>> -> memref<20000x64xf32, #tpu.memory_space<hbm>>
    tpu.enqueue_indirect_dma source(%arg15 : memref<125x64xf32, #tpu.memory_space<vmem>>) target(%dma_start3A_220 : memref<20000x64xf32, #tpu.memory_space<hbm>>) offsets(%dma_start3A_217 : memref<125xi32, #tpu.memory_space<vmem>>) semaphore(%arg26 : memref<!tpu.dma_semaphore, #tpu.memory_space<semaphore_mem>>)
    %add3A_221 = arith.constant 125 : i32
    %add3A_222 = arith.addi %mul3A_0, %add3A_221 : i32
    "tpu.region"() ({
      %run_scoped3A = tpu.sem_alloc : memref<!tpu.dma_semaphore, #tpu.memory_space<semaphore_mem>>
      %dma_start3A_292 = arith.constant 0 : i32
      %dma_start3A_293 = tpu.memref_slice %arg21[%add3A_222, %dma_start3A_292] : memref<10000x64xf32, #tpu.memory_space<vmem_shared>> -> memref<125x64xf32, #tpu.memory_space<vmem_shared>>
      %dma_start3A_294 = arith.constant 0 : i32
      %dma_start3A_295 = tpu.memref_slice %arg21[%add3A_222, %dma_start3A_294] : memref<10000x64xf32, #tpu.memory_space<vmem_shared>> -> memref<125x64xf32, #tpu.memory_space<vmem_shared>>
      tpu.enqueue_dma source(%dma_start3A_295 : memref<125x64xf32, #tpu.memory_space<vmem_shared>>) target(%arg16 : memref<125x64xf32, #tpu.memory_space<vmem>>) target_semaphore(%run_scoped3A : memref<!tpu.dma_semaphore, #tpu.memory_space<semaphore_mem>>)
      %dma_wait3A_296 = arith.constant 0 : i32
      %dma_wait3A_297 = tpu.memref_slice %arg21[%add3A_222, %dma_wait3A_296] : memref<10000x64xf32, #tpu.memory_space<vmem_shared>> -> memref<125x64xf32, #tpu.memory_space<vmem_shared>>
      %dma_wait3A_298 = arith.constant 0 : i32
      %dma_wait3A_299 = tpu.memref_slice %arg21[%add3A_222, %dma_wait3A_298] : memref<10000x64xf32, #tpu.memory_space<vmem_shared>> -> memref<125x64xf32, #tpu.memory_space<vmem_shared>>
      tpu.wait_dma2 semaphore(%run_scoped3A : memref<!tpu.dma_semaphore, #tpu.memory_space<semaphore_mem>>) src(%dma_wait3A_299 : memref<125x64xf32, #tpu.memory_space<vmem_shared>>) dst(%arg16 : memref<125x64xf32, #tpu.memory_space<vmem>>)
      tpu.yield
    }) : () -> ()
    %dma_start3A_223 = arith.constant 1 : i32
    %dma_start3A_224 = arith.constant 0 : i32
    %dma_start3A_225 = tpu.memref_slice %arg14[%dma_start3A_223, %dma_start3A_224] : memref<5x125xi32, #tpu.memory_space<vmem>> -> memref<1x125xi32, #tpu.memory_space<vmem>>
    %dma_start3A_226 = tpu.memref_squeeze %dma_start3A_225 : memref<1x125xi32, #tpu.memory_space<vmem>> -> memref<125xi32, #tpu.memory_space<vmem>>
    %dma_start3A_227 = arith.constant 0 : i32
    %dma_start3A_228 = arith.constant 0 : i32
    %dma_start3A_229 = tpu.memref_slice %arg9[%dma_start3A_227, %dma_start3A_228] : memref<20000x64xf32, #tpu.memory_space<hbm>> -> memref<20000x64xf32, #tpu.memory_space<hbm>>
    tpu.enqueue_indirect_dma source(%arg16 : memref<125x64xf32, #tpu.memory_space<vmem>>) target(%dma_start3A_229 : memref<20000x64xf32, #tpu.memory_space<hbm>>) offsets(%dma_start3A_226 : memref<125xi32, #tpu.memory_space<vmem>>) semaphore(%arg27 : memref<!tpu.dma_semaphore, #tpu.memory_space<semaphore_mem>>)
    %dma_wait3A_230 = arith.constant 0 : i32
    %dma_wait3A_231 = arith.constant 0 : i32
    %dma_wait3A_232 = tpu.memref_slice %arg14[%dma_wait3A_230, %dma_wait3A_231] : memref<5x125xi32, #tpu.memory_space<vmem>> -> memref<1x125xi32, #tpu.memory_space<vmem>>
    %dma_wait3A_233 = tpu.memref_squeeze %dma_wait3A_232 : memref<1x125xi32, #tpu.memory_space<vmem>> -> memref<125xi32, #tpu.memory_space<vmem>>
    %dma_wait3A_234 = arith.constant 0 : i32
    %dma_wait3A_235 = arith.constant 0 : i32
    %dma_wait3A_236 = tpu.memref_slice %arg9[%dma_wait3A_234, %dma_wait3A_235] : memref<20000x64xf32, #tpu.memory_space<hbm>> -> memref<20000x64xf32, #tpu.memory_space<hbm>>
    tpu.wait_indirect_dma semaphore(%arg26 : memref<!tpu.dma_semaphore, #tpu.memory_space<semaphore_mem>>) src(%arg15 : memref<125x64xf32, #tpu.memory_space<vmem>>) dst(%dma_wait3A_236 : memref<20000x64xf32, #tpu.memory_space<hbm>>)
    %add3A_237 = arith.constant 250 : i32
    %add3A_238 = arith.addi %mul3A_0, %add3A_237 : i32
    "tpu.region"() ({
      %run_scoped3A = tpu.sem_alloc : memref<!tpu.dma_semaphore, #tpu.memory_space<semaphore_mem>>
      %dma_start3A_292 = arith.constant 0 : i32
      %dma_start3A_293 = tpu.memref_slice %arg21[%add3A_238, %dma_start3A_292] : memref<10000x64xf32, #tpu.memory_space<vmem_shared>> -> memref<125x64xf32, #tpu.memory_space<vmem_shared>>
      %dma_start3A_294 = arith.constant 0 : i32
      %dma_start3A_295 = tpu.memref_slice %arg21[%add3A_238, %dma_start3A_294] : memref<10000x64xf32, #tpu.memory_space<vmem_shared>> -> memref<125x64xf32, #tpu.memory_space<vmem_shared>>
      tpu.enqueue_dma source(%dma_start3A_295 : memref<125x64xf32, #tpu.memory_space<vmem_shared>>) target(%arg15 : memref<125x64xf32, #tpu.memory_space<vmem>>) target_semaphore(%run_scoped3A : memref<!tpu.dma_semaphore, #tpu.memory_space<semaphore_mem>>)
      %dma_wait3A_296 = arith.constant 0 : i32
      %dma_wait3A_297 = tpu.memref_slice %arg21[%add3A_238, %dma_wait3A_296] : memref<10000x64xf32, #tpu.memory_space<vmem_shared>> -> memref<125x64xf32, #tpu.memory_space<vmem_shared>>
      %dma_wait3A_298 = arith.constant 0 : i32
      %dma_wait3A_299 = tpu.memref_slice %arg21[%add3A_238, %dma_wait3A_298] : memref<10000x64xf32, #tpu.memory_space<vmem_shared>> -> memref<125x64xf32, #tpu.memory_space<vmem_shared>>
      tpu.wait_dma2 semaphore(%run_scoped3A : memref<!tpu.dma_semaphore, #tpu.memory_space<semaphore_mem>>) src(%dma_wait3A_299 : memref<125x64xf32, #tpu.memory_space<vmem_shared>>) dst(%arg15 : memref<125x64xf32, #tpu.memory_space<vmem>>)
      tpu.yield
    }) : () -> ()
    %dma_start3A_239 = arith.constant 2 : i32
    %dma_start3A_240 = arith.constant 0 : i32
    %dma_start3A_241 = tpu.memref_slice %arg14[%dma_start3A_239, %dma_start3A_240] : memref<5x125xi32, #tpu.memory_space<vmem>> -> memref<1x125xi32, #tpu.memory_space<vmem>>
    %dma_start3A_242 = tpu.memref_squeeze %dma_start3A_241 : memref<1x125xi32, #tpu.memory_space<vmem>> -> memref<125xi32, #tpu.memory_space<vmem>>
    %dma_start3A_243 = arith.constant 0 : i32
    %dma_start3A_244 = arith.constant 0 : i32
    %dma_start3A_245 = tpu.memref_slice %arg9[%dma_start3A_243, %dma_start3A_244] : memref<20000x64xf32, #tpu.memory_space<hbm>> -> memref<20000x64xf32, #tpu.memory_space<hbm>>
    tpu.enqueue_indirect_dma source(%arg15 : memref<125x64xf32, #tpu.memory_space<vmem>>) target(%dma_start3A_245 : memref<20000x64xf32, #tpu.memory_space<hbm>>) offsets(%dma_start3A_242 : memref<125xi32, #tpu.memory_space<vmem>>) semaphore(%arg26 : memref<!tpu.dma_semaphore, #tpu.memory_space<semaphore_mem>>)
    %dma_wait3A_246 = arith.constant 1 : i32
    %dma_wait3A_247 = arith.constant 0 : i32
    %dma_wait3A_248 = tpu.memref_slice %arg14[%dma_wait3A_246, %dma_wait3A_247] : memref<5x125xi32, #tpu.memory_space<vmem>> -> memref<1x125xi32, #tpu.memory_space<vmem>>
    %dma_wait3A_249 = tpu.memref_squeeze %dma_wait3A_248 : memref<1x125xi32, #tpu.memory_space<vmem>> -> memref<125xi32, #tpu.memory_space<vmem>>
    %dma_wait3A_250 = arith.constant 0 : i32
    %dma_wait3A_251 = arith.constant 0 : i32
    %dma_wait3A_252 = tpu.memref_slice %arg9[%dma_wait3A_250, %dma_wait3A_251] : memref<20000x64xf32, #tpu.memory_space<hbm>> -> memref<20000x64xf32, #tpu.memory_space<hbm>>
    tpu.wait_indirect_dma semaphore(%arg27 : memref<!tpu.dma_semaphore, #tpu.memory_space<semaphore_mem>>) src(%arg16 : memref<125x64xf32, #tpu.memory_space<vmem>>) dst(%dma_wait3A_252 : memref<20000x64xf32, #tpu.memory_space<hbm>>)
    %add3A_253 = arith.constant 375 : i32
    %add3A_254 = arith.addi %mul3A_0, %add3A_253 : i32
    "tpu.region"() ({
      %run_scoped3A = tpu.sem_alloc : memref<!tpu.dma_semaphore, #tpu.memory_space<semaphore_mem>>
      %dma_start3A_292 = arith.constant 0 : i32
      %dma_start3A_293 = tpu.memref_slice %arg21[%add3A_254, %dma_start3A_292] : memref<10000x64xf32, #tpu.memory_space<vmem_shared>> -> memref<125x64xf32, #tpu.memory_space<vmem_shared>>
      %dma_start3A_294 = arith.constant 0 : i32
      %dma_start3A_295 = tpu.memref_slice %arg21[%add3A_254, %dma_start3A_294] : memref<10000x64xf32, #tpu.memory_space<vmem_shared>> -> memref<125x64xf32, #tpu.memory_space<vmem_shared>>
      tpu.enqueue_dma source(%dma_start3A_295 : memref<125x64xf32, #tpu.memory_space<vmem_shared>>) target(%arg16 : memref<125x64xf32, #tpu.memory_space<vmem>>) target_semaphore(%run_scoped3A : memref<!tpu.dma_semaphore, #tpu.memory_space<semaphore_mem>>)
      %dma_wait3A_296 = arith.constant 0 : i32
      %dma_wait3A_297 = tpu.memref_slice %arg21[%add3A_254, %dma_wait3A_296] : memref<10000x64xf32, #tpu.memory_space<vmem_shared>> -> memref<125x64xf32, #tpu.memory_space<vmem_shared>>
      %dma_wait3A_298 = arith.constant 0 : i32
      %dma_wait3A_299 = tpu.memref_slice %arg21[%add3A_254, %dma_wait3A_298] : memref<10000x64xf32, #tpu.memory_space<vmem_shared>> -> memref<125x64xf32, #tpu.memory_space<vmem_shared>>
      tpu.wait_dma2 semaphore(%run_scoped3A : memref<!tpu.dma_semaphore, #tpu.memory_space<semaphore_mem>>) src(%dma_wait3A_299 : memref<125x64xf32, #tpu.memory_space<vmem_shared>>) dst(%arg16 : memref<125x64xf32, #tpu.memory_space<vmem>>)
      tpu.yield
    }) : () -> ()
    %dma_start3A_255 = arith.constant 3 : i32
    %dma_start3A_256 = arith.constant 0 : i32
    %dma_start3A_257 = tpu.memref_slice %arg14[%dma_start3A_255, %dma_start3A_256] : memref<5x125xi32, #tpu.memory_space<vmem>> -> memref<1x125xi32, #tpu.memory_space<vmem>>
    %dma_start3A_258 = tpu.memref_squeeze %dma_start3A_257 : memref<1x125xi32, #tpu.memory_space<vmem>> -> memref<125xi32, #tpu.memory_space<vmem>>
    %dma_start3A_259 = arith.constant 0 : i32
    %dma_start3A_260 = arith.constant 0 : i32
    %dma_start3A_261 = tpu.memref_slice %arg9[%dma_start3A_259, %dma_start3A_260] : memref<20000x64xf32, #tpu.memory_space<hbm>> -> memref<20000x64xf32, #tpu.memory_space<hbm>>
    tpu.enqueue_indirect_dma source(%arg16 : memref<125x64xf32, #tpu.memory_space<vmem>>) target(%dma_start3A_261 : memref<20000x64xf32, #tpu.memory_space<hbm>>) offsets(%dma_start3A_258 : memref<125xi32, #tpu.memory_space<vmem>>) semaphore(%arg27 : memref<!tpu.dma_semaphore, #tpu.memory_space<semaphore_mem>>)
    %dma_wait3A_262 = arith.constant 2 : i32
    %dma_wait3A_263 = arith.constant 0 : i32
    %dma_wait3A_264 = tpu.memref_slice %arg14[%dma_wait3A_262, %dma_wait3A_263] : memref<5x125xi32, #tpu.memory_space<vmem>> -> memref<1x125xi32, #tpu.memory_space<vmem>>
    %dma_wait3A_265 = tpu.memref_squeeze %dma_wait3A_264 : memref<1x125xi32, #tpu.memory_space<vmem>> -> memref<125xi32, #tpu.memory_space<vmem>>
    %dma_wait3A_266 = arith.constant 0 : i32
    %dma_wait3A_267 = arith.constant 0 : i32
    %dma_wait3A_268 = tpu.memref_slice %arg9[%dma_wait3A_266, %dma_wait3A_267] : memref<20000x64xf32, #tpu.memory_space<hbm>> -> memref<20000x64xf32, #tpu.memory_space<hbm>>
    tpu.wait_indirect_dma semaphore(%arg26 : memref<!tpu.dma_semaphore, #tpu.memory_space<semaphore_mem>>) src(%arg15 : memref<125x64xf32, #tpu.memory_space<vmem>>) dst(%dma_wait3A_268 : memref<20000x64xf32, #tpu.memory_space<hbm>>)
    %add3A_269 = arith.constant 500 : i32
    %add3A_270 = arith.addi %mul3A_0, %add3A_269 : i32
    "tpu.region"() ({
      %run_scoped3A = tpu.sem_alloc : memref<!tpu.dma_semaphore, #tpu.memory_space<semaphore_mem>>
      %dma_start3A_292 = arith.constant 0 : i32
      %dma_start3A_293 = tpu.memref_slice %arg21[%add3A_270, %dma_start3A_292] : memref<10000x64xf32, #tpu.memory_space<vmem_shared>> -> memref<125x64xf32, #tpu.memory_space<vmem_shared>>
      %dma_start3A_294 = arith.constant 0 : i32
      %dma_start3A_295 = tpu.memref_slice %arg21[%add3A_270, %dma_start3A_294] : memref<10000x64xf32, #tpu.memory_space<vmem_shared>> -> memref<125x64xf32, #tpu.memory_space<vmem_shared>>
      tpu.enqueue_dma source(%dma_start3A_295 : memref<125x64xf32, #tpu.memory_space<vmem_shared>>) target(%arg15 : memref<125x64xf32, #tpu.memory_space<vmem>>) target_semaphore(%run_scoped3A : memref<!tpu.dma_semaphore, #tpu.memory_space<semaphore_mem>>)
      %dma_wait3A_296 = arith.constant 0 : i32
      %dma_wait3A_297 = tpu.memref_slice %arg21[%add3A_270, %dma_wait3A_296] : memref<10000x64xf32, #tpu.memory_space<vmem_shared>> -> memref<125x64xf32, #tpu.memory_space<vmem_shared>>
      %dma_wait3A_298 = arith.constant 0 : i32
      %dma_wait3A_299 = tpu.memref_slice %arg21[%add3A_270, %dma_wait3A_298] : memref<10000x64xf32, #tpu.memory_space<vmem_shared>> -> memref<125x64xf32, #tpu.memory_space<vmem_shared>>
      tpu.wait_dma2 semaphore(%run_scoped3A : memref<!tpu.dma_semaphore, #tpu.memory_space<semaphore_mem>>) src(%dma_wait3A_299 : memref<125x64xf32, #tpu.memory_space<vmem_shared>>) dst(%arg15 : memref<125x64xf32, #tpu.memory_space<vmem>>)
      tpu.yield
    }) : () -> ()
    %dma_start3A_271 = arith.constant 4 : i32
    %dma_start3A_272 = arith.constant 0 : i32
    %dma_start3A_273 = tpu.memref_slice %arg14[%dma_start3A_271, %dma_start3A_272] : memref<5x125xi32, #tpu.memory_space<vmem>> -> memref<1x125xi32, #tpu.memory_space<vmem>>
    %dma_start3A_274 = tpu.memref_squeeze %dma_start3A_273 : memref<1x125xi32, #tpu.memory_space<vmem>> -> memref<125xi32, #tpu.memory_space<vmem>>
    %dma_start3A_275 = arith.constant 0 : i32
    %dma_start3A_276 = arith.constant 0 : i32
    %dma_start3A_277 = tpu.memref_slice %arg9[%dma_start3A_275, %dma_start3A_276] : memref<20000x64xf32, #tpu.memory_space<hbm>> -> memref<20000x64xf32, #tpu.memory_space<hbm>>
    tpu.enqueue_indirect_dma source(%arg15 : memref<125x64xf32, #tpu.memory_space<vmem>>) target(%dma_start3A_277 : memref<20000x64xf32, #tpu.memory_space<hbm>>) offsets(%dma_start3A_274 : memref<125xi32, #tpu.memory_space<vmem>>) semaphore(%arg26 : memref<!tpu.dma_semaphore, #tpu.memory_space<semaphore_mem>>)
    %dma_wait3A_278 = arith.constant 4 : i32
    %dma_wait3A_279 = arith.constant 0 : i32
    %dma_wait3A_280 = tpu.memref_slice %arg14[%dma_wait3A_278, %dma_wait3A_279] : memref<5x125xi32, #tpu.memory_space<vmem>> -> memref<1x125xi32, #tpu.memory_space<vmem>>
    %dma_wait3A_281 = tpu.memref_squeeze %dma_wait3A_280 : memref<1x125xi32, #tpu.memory_space<vmem>> -> memref<125xi32, #tpu.memory_space<vmem>>
    %dma_wait3A_282 = arith.constant 0 : i32
    %dma_wait3A_283 = arith.constant 0 : i32
    %dma_wait3A_284 = tpu.memref_slice %arg9[%dma_wait3A_282, %dma_wait3A_283] : memref<20000x64xf32, #tpu.memory_space<hbm>> -> memref<20000x64xf32, #tpu.memory_space<hbm>>
    tpu.wait_indirect_dma semaphore(%arg26 : memref<!tpu.dma_semaphore, #tpu.memory_space<semaphore_mem>>) src(%arg15 : memref<125x64xf32, #tpu.memory_space<vmem>>) dst(%dma_wait3A_284 : memref<20000x64xf32, #tpu.memory_space<hbm>>)
    %dma_wait3A_285 = arith.constant 3 : i32
    %dma_wait3A_286 = arith.constant 0 : i32
    %dma_wait3A_287 = tpu.memref_slice %arg14[%dma_wait3A_285, %dma_wait3A_286] : memref<5x125xi32, #tpu.memory_space<vmem>> -> memref<1x125xi32, #tpu.memory_space<vmem>>
    %dma_wait3A_288 = tpu.memref_squeeze %dma_wait3A_287 : memref<1x125xi32, #tpu.memory_space<vmem>> -> memref<125xi32, #tpu.memory_space<vmem>>
    %dma_wait3A_289 = arith.constant 0 : i32
    %dma_wait3A_290 = arith.constant 0 : i32
    %dma_wait3A_291 = tpu.memref_slice %arg9[%dma_wait3A_289, %dma_wait3A_290] : memref<20000x64xf32, #tpu.memory_space<hbm>> -> memref<20000x64xf32, #tpu.memory_space<hbm>>
    tpu.wait_indirect_dma semaphore(%arg27 : memref<!tpu.dma_semaphore, #tpu.memory_space<semaphore_mem>>) src(%arg16 : memref<125x64xf32, #tpu.memory_space<vmem>>) dst(%dma_wait3A_291 : memref<20000x64xf32, #tpu.memory_space<hbm>>)
    return
  }
}

#map = affine_map<(d0, d1) -> (0, 0, 0, 0)>
#map1 = affine_map<(d0, d1) -> (0)>
#map2 = affine_map<(d0, d1) -> (0, 0)>
module attributes {stable_mosaic.version = 14 : i64} {
  func.func @k(%arg0: i32, %arg1: i32, %arg2: memref<2x16x125x80xi32, #tpu.memory_space<hbm>>, %arg3: memref<10240xf32, #tpu.memory_space<hbm>>, %arg4: memref<80xf32, #tpu.memory_space<hbm>>, %arg5: memref<2x10240xf32, #tpu.memory_space<hbm>>, %arg6: memref<125x80xi32, #tpu.memory_space<vmem>>, %arg7: memref<80xf32, #tpu.memory_space<vmem>>, %arg8: memref<10240xf32, #tpu.memory_space<vmem_shared>>, %arg9: memref<!tpu.dma_semaphore, #tpu.memory_space<semaphore_mem>>, %arg10: memref<!tpu.dma_semaphore, #tpu.memory_space<semaphore_mem>>, %arg11: memref<!tpu.dma_semaphore, #tpu.memory_space<semaphore_mem>>, %arg12: memref<!tpu.dma_semaphore, #tpu.memory_space<semaphore_mem>>, %arg13: memref<!tpu.dma_semaphore, #tpu.memory_space<semaphore_mem>>) attributes {dimension_semantics = [#tpu.dimension_semantics<core_parallel>, #tpu.dimension_semantics<subcore_parallel>], iteration_bounds = array<i64: 2, 16>, scalar_prefetch = 0 : i64, scratch_operands = 8 : i64, tpu.core_type = #tpu.core_type<sc_vector_subcore>, window_params = [{transform_indices = #map}, {transform_indices = #map1}, {transform_indices = #map1}, {transform_indices = #map2}]} {
    %mul3A = arith.constant 640 : i32
    %mul3A_0 = arith.muli %arg1, %mul3A : i32
    %dma_start3A = tpu.memref_slice %arg8[%mul3A_0] : memref<10240xf32, #tpu.memory_space<vmem_shared>> -> memref<640xf32, #tpu.memory_space<vmem_shared>>
    %dma_start3A_1 = tpu.memref_slice %arg3[%mul3A_0] : memref<10240xf32, #tpu.memory_space<hbm>> -> memref<640xf32, #tpu.memory_space<hbm>>
    tpu.enqueue_dma source(%dma_start3A_1 : memref<640xf32, #tpu.memory_space<hbm>>) target(%dma_start3A : memref<640xf32, #tpu.memory_space<vmem_shared>>) target_semaphore(%arg9 : memref<!tpu.dma_semaphore, #tpu.memory_space<semaphore_mem>>)
    tpu.enqueue_dma source(%arg4 : memref<80xf32, #tpu.memory_space<hbm>>) target(%arg7 : memref<80xf32, #tpu.memory_space<vmem>>) target_semaphore(%arg10 : memref<!tpu.dma_semaphore, #tpu.memory_space<semaphore_mem>>)
    %dma_start3A_2 = arith.constant 0 : i32
    %dma_start3A_3 = arith.constant 0 : i32
    %dma_start3A_4 = tpu.memref_slice %arg2[%arg0, %arg1, %dma_start3A_2, %dma_start3A_3] : memref<2x16x125x80xi32, #tpu.memory_space<hbm>> -> memref<1x1x125x80xi32, #tpu.memory_space<hbm>>
    %dma_start3A_5 = tpu.memref_squeeze %dma_start3A_4 : memref<1x1x125x80xi32, #tpu.memory_space<hbm>> -> memref<125x80xi32, #tpu.memory_space<hbm>>
    %dma_start3A_6 = arith.constant 0 : i32
    %dma_start3A_7 = arith.constant 0 : i32
    %dma_start3A_8 = tpu.memref_slice %arg2[%arg0, %arg1, %dma_start3A_6, %dma_start3A_7] : memref<2x16x125x80xi32, #tpu.memory_space<hbm>> -> memref<1x1x125x80xi32, #tpu.memory_space<hbm>>
    %dma_start3A_9 = tpu.memref_squeeze %dma_start3A_8 : memref<1x1x125x80xi32, #tpu.memory_space<hbm>> -> memref<125x80xi32, #tpu.memory_space<hbm>>
    tpu.enqueue_dma source(%dma_start3A_9 : memref<125x80xi32, #tpu.memory_space<hbm>>) target(%arg6 : memref<125x80xi32, #tpu.memory_space<vmem>>) target_semaphore(%arg11 : memref<!tpu.dma_semaphore, #tpu.memory_space<semaphore_mem>>)
    %dma_wait3A = tpu.memref_slice %arg8[%mul3A_0] : memref<10240xf32, #tpu.memory_space<vmem_shared>> -> memref<640xf32, #tpu.memory_space<vmem_shared>>
    %dma_wait3A_10 = tpu.memref_slice %arg3[%mul3A_0] : memref<10240xf32, #tpu.memory_space<hbm>> -> memref<640xf32, #tpu.memory_space<hbm>>
    tpu.wait_dma2 semaphore(%arg9 : memref<!tpu.dma_semaphore, #tpu.memory_space<semaphore_mem>>) src(%dma_wait3A_10 : memref<640xf32, #tpu.memory_space<hbm>>) dst(%dma_wait3A : memref<640xf32, #tpu.memory_space<vmem_shared>>)
    tpu.wait_dma2 semaphore(%arg10 : memref<!tpu.dma_semaphore, #tpu.memory_space<semaphore_mem>>) src(%arg4 : memref<80xf32, #tpu.memory_space<hbm>>) dst(%arg7 : memref<80xf32, #tpu.memory_space<vmem>>)
    %dma_wait3A_11 = arith.constant 0 : i32
    %dma_wait3A_12 = arith.constant 0 : i32
    %dma_wait3A_13 = tpu.memref_slice %arg2[%arg0, %arg1, %dma_wait3A_11, %dma_wait3A_12] : memref<2x16x125x80xi32, #tpu.memory_space<hbm>> -> memref<1x1x125x80xi32, #tpu.memory_space<hbm>>
    %dma_wait3A_14 = tpu.memref_squeeze %dma_wait3A_13 : memref<1x1x125x80xi32, #tpu.memory_space<hbm>> -> memref<125x80xi32, #tpu.memory_space<hbm>>
    %dma_wait3A_15 = arith.constant 0 : i32
    %dma_wait3A_16 = arith.constant 0 : i32
    %dma_wait3A_17 = tpu.memref_slice %arg2[%arg0, %arg1, %dma_wait3A_15, %dma_wait3A_16] : memref<2x16x125x80xi32, #tpu.memory_space<hbm>> -> memref<1x1x125x80xi32, #tpu.memory_space<hbm>>
    %dma_wait3A_18 = tpu.memref_squeeze %dma_wait3A_17 : memref<1x1x125x80xi32, #tpu.memory_space<hbm>> -> memref<125x80xi32, #tpu.memory_space<hbm>>
    tpu.wait_dma2 semaphore(%arg11 : memref<!tpu.dma_semaphore, #tpu.memory_space<semaphore_mem>>) src(%dma_wait3A_18 : memref<125x80xi32, #tpu.memory_space<hbm>>) dst(%arg6 : memref<125x80xi32, #tpu.memory_space<vmem>>)
    %barrier3A = arith.constant 0 : index
    tpu.barrier barrier_id(%barrier3A)
    %scan3A = arith.constant 0 : i32
    %scan3A_19 = arith.constant 0 : i32
    %scan3A_20 = arith.constant 25 : i32
    %scan3A_21 = arith.addi %scan3A_19, %scan3A_20 : i32
    %scan3A_22 = arith.constant 1 : i32
    scf.for %scan3A_25 = %scan3A_19 to %scan3A_21 step %scan3A_22  : i32 {
      %mul3A_26 = arith.constant 5 : i32
      %mul3A_27 = arith.muli %scan3A_25, %mul3A_26 : i32
      %add3A = arith.constant 0 : i32
      %add3A_28 = arith.addi %mul3A_27, %add3A : i32
      %dma_start3A_29 = arith.constant 0 : i32
      %dma_start3A_30 = tpu.memref_slice %arg6[%add3A_28, %dma_start3A_29] : memref<125x80xi32, #tpu.memory_space<vmem>> -> memref<1x80xi32, #tpu.memory_space<vmem>>
      %dma_start3A_31 = tpu.memref_squeeze %dma_start3A_30 : memref<1x80xi32, #tpu.memory_space<vmem>> -> memref<80xi32, #tpu.memory_space<vmem>>
      %dma_start3A_32 = arith.constant 0 : i32
      %dma_start3A_33 = tpu.memref_slice %arg8[%dma_start3A_32] : memref<10240xf32, #tpu.memory_space<vmem_shared>> -> memref<10240xf32, #tpu.memory_space<vmem_shared>>
      tpu.enqueue_indirect_dma source(%arg7 : memref<80xf32, #tpu.memory_space<vmem>>) target(%dma_start3A_33 : memref<10240xf32, #tpu.memory_space<vmem_shared>>) offsets(%dma_start3A_31 : memref<80xi32, #tpu.memory_space<vmem>>) semaphore(%arg9 : memref<!tpu.dma_semaphore, #tpu.memory_space<semaphore_mem>>) {add = true}
      %add3A_34 = arith.constant 1 : i32
      %add3A_35 = arith.addi %mul3A_27, %add3A_34 : i32
      %dma_start3A_36 = arith.constant 0 : i32
      %dma_start3A_37 = tpu.memref_slice %arg6[%add3A_35, %dma_start3A_36] : memref<125x80xi32, #tpu.memory_space<vmem>> -> memref<1x80xi32, #tpu.memory_space<vmem>>
      %dma_start3A_38 = tpu.memref_squeeze %dma_start3A_37 : memref<1x80xi32, #tpu.memory_space<vmem>> -> memref<80xi32, #tpu.memory_space<vmem>>
      %dma_start3A_39 = arith.constant 0 : i32
      %dma_start3A_40 = tpu.memref_slice %arg8[%dma_start3A_39] : memref<10240xf32, #tpu.memory_space<vmem_shared>> -> memref<10240xf32, #tpu.memory_space<vmem_shared>>
      tpu.enqueue_indirect_dma source(%arg7 : memref<80xf32, #tpu.memory_space<vmem>>) target(%dma_start3A_40 : memref<10240xf32, #tpu.memory_space<vmem_shared>>) offsets(%dma_start3A_38 : memref<80xi32, #tpu.memory_space<vmem>>) semaphore(%arg10 : memref<!tpu.dma_semaphore, #tpu.memory_space<semaphore_mem>>) {add = true}
      %add3A_41 = arith.constant 2 : i32
      %add3A_42 = arith.addi %mul3A_27, %add3A_41 : i32
      %dma_start3A_43 = arith.constant 0 : i32
      %dma_start3A_44 = tpu.memref_slice %arg6[%add3A_42, %dma_start3A_43] : memref<125x80xi32, #tpu.memory_space<vmem>> -> memref<1x80xi32, #tpu.memory_space<vmem>>
      %dma_start3A_45 = tpu.memref_squeeze %dma_start3A_44 : memref<1x80xi32, #tpu.memory_space<vmem>> -> memref<80xi32, #tpu.memory_space<vmem>>
      %dma_start3A_46 = arith.constant 0 : i32
      %dma_start3A_47 = tpu.memref_slice %arg8[%dma_start3A_46] : memref<10240xf32, #tpu.memory_space<vmem_shared>> -> memref<10240xf32, #tpu.memory_space<vmem_shared>>
      tpu.enqueue_indirect_dma source(%arg7 : memref<80xf32, #tpu.memory_space<vmem>>) target(%dma_start3A_47 : memref<10240xf32, #tpu.memory_space<vmem_shared>>) offsets(%dma_start3A_45 : memref<80xi32, #tpu.memory_space<vmem>>) semaphore(%arg11 : memref<!tpu.dma_semaphore, #tpu.memory_space<semaphore_mem>>) {add = true}
      %add3A_48 = arith.constant 3 : i32
      %add3A_49 = arith.addi %mul3A_27, %add3A_48 : i32
      %dma_start3A_50 = arith.constant 0 : i32
      %dma_start3A_51 = tpu.memref_slice %arg6[%add3A_49, %dma_start3A_50] : memref<125x80xi32, #tpu.memory_space<vmem>> -> memref<1x80xi32, #tpu.memory_space<vmem>>
      %dma_start3A_52 = tpu.memref_squeeze %dma_start3A_51 : memref<1x80xi32, #tpu.memory_space<vmem>> -> memref<80xi32, #tpu.memory_space<vmem>>
      %dma_start3A_53 = arith.constant 0 : i32
      %dma_start3A_54 = tpu.memref_slice %arg8[%dma_start3A_53] : memref<10240xf32, #tpu.memory_space<vmem_shared>> -> memref<10240xf32, #tpu.memory_space<vmem_shared>>
      tpu.enqueue_indirect_dma source(%arg7 : memref<80xf32, #tpu.memory_space<vmem>>) target(%dma_start3A_54 : memref<10240xf32, #tpu.memory_space<vmem_shared>>) offsets(%dma_start3A_52 : memref<80xi32, #tpu.memory_space<vmem>>) semaphore(%arg12 : memref<!tpu.dma_semaphore, #tpu.memory_space<semaphore_mem>>) {add = true}
      %add3A_55 = arith.constant 4 : i32
      %add3A_56 = arith.addi %mul3A_27, %add3A_55 : i32
      %dma_start3A_57 = arith.constant 0 : i32
      %dma_start3A_58 = tpu.memref_slice %arg6[%add3A_56, %dma_start3A_57] : memref<125x80xi32, #tpu.memory_space<vmem>> -> memref<1x80xi32, #tpu.memory_space<vmem>>
      %dma_start3A_59 = tpu.memref_squeeze %dma_start3A_58 : memref<1x80xi32, #tpu.memory_space<vmem>> -> memref<80xi32, #tpu.memory_space<vmem>>
      %dma_start3A_60 = arith.constant 0 : i32
      %dma_start3A_61 = tpu.memref_slice %arg8[%dma_start3A_60] : memref<10240xf32, #tpu.memory_space<vmem_shared>> -> memref<10240xf32, #tpu.memory_space<vmem_shared>>
      tpu.enqueue_indirect_dma source(%arg7 : memref<80xf32, #tpu.memory_space<vmem>>) target(%dma_start3A_61 : memref<10240xf32, #tpu.memory_space<vmem_shared>>) offsets(%dma_start3A_59 : memref<80xi32, #tpu.memory_space<vmem>>) semaphore(%arg13 : memref<!tpu.dma_semaphore, #tpu.memory_space<semaphore_mem>>) {add = true}
      %dma_wait3A_62 = arith.constant 0 : i32
      %dma_wait3A_63 = tpu.memref_slice %arg6[%add3A_28, %dma_wait3A_62] : memref<125x80xi32, #tpu.memory_space<vmem>> -> memref<1x80xi32, #tpu.memory_space<vmem>>
      %dma_wait3A_64 = tpu.memref_squeeze %dma_wait3A_63 : memref<1x80xi32, #tpu.memory_space<vmem>> -> memref<80xi32, #tpu.memory_space<vmem>>
      %dma_wait3A_65 = arith.constant 0 : i32
      %dma_wait3A_66 = tpu.memref_slice %arg8[%dma_wait3A_65] : memref<10240xf32, #tpu.memory_space<vmem_shared>> -> memref<10240xf32, #tpu.memory_space<vmem_shared>>
      tpu.wait_indirect_dma semaphore(%arg9 : memref<!tpu.dma_semaphore, #tpu.memory_space<semaphore_mem>>) src(%arg7 : memref<80xf32, #tpu.memory_space<vmem>>) dst(%dma_wait3A_66 : memref<10240xf32, #tpu.memory_space<vmem_shared>>)
      %dma_wait3A_67 = arith.constant 0 : i32
      %dma_wait3A_68 = tpu.memref_slice %arg6[%add3A_35, %dma_wait3A_67] : memref<125x80xi32, #tpu.memory_space<vmem>> -> memref<1x80xi32, #tpu.memory_space<vmem>>
      %dma_wait3A_69 = tpu.memref_squeeze %dma_wait3A_68 : memref<1x80xi32, #tpu.memory_space<vmem>> -> memref<80xi32, #tpu.memory_space<vmem>>
      %dma_wait3A_70 = arith.constant 0 : i32
      %dma_wait3A_71 = tpu.memref_slice %arg8[%dma_wait3A_70] : memref<10240xf32, #tpu.memory_space<vmem_shared>> -> memref<10240xf32, #tpu.memory_space<vmem_shared>>
      tpu.wait_indirect_dma semaphore(%arg10 : memref<!tpu.dma_semaphore, #tpu.memory_space<semaphore_mem>>) src(%arg7 : memref<80xf32, #tpu.memory_space<vmem>>) dst(%dma_wait3A_71 : memref<10240xf32, #tpu.memory_space<vmem_shared>>)
      %dma_wait3A_72 = arith.constant 0 : i32
      %dma_wait3A_73 = tpu.memref_slice %arg6[%add3A_42, %dma_wait3A_72] : memref<125x80xi32, #tpu.memory_space<vmem>> -> memref<1x80xi32, #tpu.memory_space<vmem>>
      %dma_wait3A_74 = tpu.memref_squeeze %dma_wait3A_73 : memref<1x80xi32, #tpu.memory_space<vmem>> -> memref<80xi32, #tpu.memory_space<vmem>>
      %dma_wait3A_75 = arith.constant 0 : i32
      %dma_wait3A_76 = tpu.memref_slice %arg8[%dma_wait3A_75] : memref<10240xf32, #tpu.memory_space<vmem_shared>> -> memref<10240xf32, #tpu.memory_space<vmem_shared>>
      tpu.wait_indirect_dma semaphore(%arg11 : memref<!tpu.dma_semaphore, #tpu.memory_space<semaphore_mem>>) src(%arg7 : memref<80xf32, #tpu.memory_space<vmem>>) dst(%dma_wait3A_76 : memref<10240xf32, #tpu.memory_space<vmem_shared>>)
      %dma_wait3A_77 = arith.constant 0 : i32
      %dma_wait3A_78 = tpu.memref_slice %arg6[%add3A_49, %dma_wait3A_77] : memref<125x80xi32, #tpu.memory_space<vmem>> -> memref<1x80xi32, #tpu.memory_space<vmem>>
      %dma_wait3A_79 = tpu.memref_squeeze %dma_wait3A_78 : memref<1x80xi32, #tpu.memory_space<vmem>> -> memref<80xi32, #tpu.memory_space<vmem>>
      %dma_wait3A_80 = arith.constant 0 : i32
      %dma_wait3A_81 = tpu.memref_slice %arg8[%dma_wait3A_80] : memref<10240xf32, #tpu.memory_space<vmem_shared>> -> memref<10240xf32, #tpu.memory_space<vmem_shared>>
      tpu.wait_indirect_dma semaphore(%arg12 : memref<!tpu.dma_semaphore, #tpu.memory_space<semaphore_mem>>) src(%arg7 : memref<80xf32, #tpu.memory_space<vmem>>) dst(%dma_wait3A_81 : memref<10240xf32, #tpu.memory_space<vmem_shared>>)
      %dma_wait3A_82 = arith.constant 0 : i32
      %dma_wait3A_83 = tpu.memref_slice %arg6[%add3A_56, %dma_wait3A_82] : memref<125x80xi32, #tpu.memory_space<vmem>> -> memref<1x80xi32, #tpu.memory_space<vmem>>
      %dma_wait3A_84 = tpu.memref_squeeze %dma_wait3A_83 : memref<1x80xi32, #tpu.memory_space<vmem>> -> memref<80xi32, #tpu.memory_space<vmem>>
      %dma_wait3A_85 = arith.constant 0 : i32
      %dma_wait3A_86 = tpu.memref_slice %arg8[%dma_wait3A_85] : memref<10240xf32, #tpu.memory_space<vmem_shared>> -> memref<10240xf32, #tpu.memory_space<vmem_shared>>
      tpu.wait_indirect_dma semaphore(%arg13 : memref<!tpu.dma_semaphore, #tpu.memory_space<semaphore_mem>>) src(%arg7 : memref<80xf32, #tpu.memory_space<vmem>>) dst(%dma_wait3A_86 : memref<10240xf32, #tpu.memory_space<vmem_shared>>)
    }
    %scan3A_23 = arith.constant 25 : i32
    %barrier3A_24 = arith.constant 0 : index
    tpu.barrier barrier_id(%barrier3A_24)
    "tpu.region"() ({
      %run_scoped3A = tpu.sem_alloc : memref<!tpu.dma_semaphore, #tpu.memory_space<semaphore_mem>>
      %dma_start3A_25 = tpu.memref_slice %arg5[%arg0, %mul3A_0] : memref<2x10240xf32, #tpu.memory_space<hbm>> -> memref<1x640xf32, #tpu.memory_space<hbm>>
      %dma_start3A_26 = tpu.memref_squeeze %dma_start3A_25 : memref<1x640xf32, #tpu.memory_space<hbm>> -> memref<640xf32, #tpu.memory_space<hbm>>
      %dma_start3A_27 = tpu.memref_slice %arg8[%mul3A_0] : memref<10240xf32, #tpu.memory_space<vmem_shared>> -> memref<640xf32, #tpu.memory_space<vmem_shared>>
      tpu.enqueue_dma source(%dma_start3A_27 : memref<640xf32, #tpu.memory_space<vmem_shared>>) target(%dma_start3A_26 : memref<640xf32, #tpu.memory_space<hbm>>) target_semaphore(%run_scoped3A : memref<!tpu.dma_semaphore, #tpu.memory_space<semaphore_mem>>)
      %dma_wait3A_28 = tpu.memref_slice %arg5[%arg0, %mul3A_0] : memref<2x10240xf32, #tpu.memory_space<hbm>> -> memref<1x640xf32, #tpu.memory_space<hbm>>
      %dma_wait3A_29 = tpu.memref_squeeze %dma_wait3A_28 : memref<1x640xf32, #tpu.memory_space<hbm>> -> memref<640xf32, #tpu.memory_space<hbm>>
      %dma_wait3A_30 = tpu.memref_slice %arg8[%mul3A_0] : memref<10240xf32, #tpu.memory_space<vmem_shared>> -> memref<640xf32, #tpu.memory_space<vmem_shared>>
      tpu.wait_dma2 semaphore(%run_scoped3A : memref<!tpu.dma_semaphore, #tpu.memory_space<semaphore_mem>>) src(%dma_wait3A_30 : memref<640xf32, #tpu.memory_space<vmem_shared>>) dst(%dma_wait3A_29 : memref<640xf32, #tpu.memory_space<hbm>>)
      tpu.yield
    }) : () -> ()
    return
  }
}

module attributes {stable_mosaic.version = 14 : i64} {
  func.func @body(%arg0: i32, %arg1: memref<1000x128xf32, #tpu.memory_space<vmem>>, %arg2: memref<128x128xf32, #tpu.memory_space<vmem>>, %arg3: memref<1000x2xf32, #tpu.memory_space<vmem>>, %arg4: memref<1000x128xf32, #tpu.memory_space<vmem>>) attributes {dimension_semantics = [#tpu.dimension_semantics<arbitrary>], iteration_bounds = array<i64: 10>, scalar_prefetch = 0 : i64, scratch_operands = 0 : i64, tpu.core_type = #tpu.core_type<tc>, window_params = [{transform_indices = @transform_0, window_bounds = array<i64: 1000, 128>}, {pipeline_mode = #tpu.pipeline_mode<synchronous>, transform_indices = @transform_1, window_bounds = array<i64: 128, 128>}, {transform_indices = @transform_2, window_bounds = array<i64: 1000, 2>}, {transform_indices = @transform_3, window_bounds = array<i64: 1000, 128>}]} {
    %get3A = arith.constant 0 : index
    %get3A_0 = arith.constant 0 : index
    %get3A_1 = vector.load %arg3[%get3A, %get3A_0] : memref<1000x2xf32, #tpu.memory_space<vmem>>, vector<1000x2xf32>
    %slice3A = vector.extract_strided_slice %get3A_1 {offsets = [0, 0], sizes = [1000, 1], strides = [1, 1]} : vector<1000x2xf32> to vector<1000x1xf32>
    %squeeze3A = vector.shape_cast %slice3A : vector<1000x1xf32> to vector<1000xf32>
    %slice3A_2 = vector.extract_strided_slice %get3A_1 {offsets = [0, 1], sizes = [1000, 1], strides = [1, 1]} : vector<1000x2xf32> to vector<1000x1xf32>
    %squeeze3A_3 = vector.shape_cast %slice3A_2 : vector<1000x1xf32> to vector<1000xf32>
    %add3A = arith.addf %squeeze3A, %squeeze3A_3 : vector<1000xf32>
    %add3A_4 = arith.constant 1.000000e+00 : f32
    %add3A_5 = vector.broadcast %add3A_4 : f32 to vector<1000xf32>
    %add3A_6 = arith.addf %add3A, %add3A_5 : vector<1000xf32>
    %rsqrt3A = math.rsqrt %add3A_6 : vector<1000xf32>
    %get3A_7 = arith.constant 0 : index
    %get3A_8 = arith.constant 0 : index
    %get3A_9 = vector.load %arg1[%get3A_7, %get3A_8] : memref<1000x128xf32, #tpu.memory_space<vmem>>, vector<1000x128xf32>
    %get3A_10 = arith.constant 0 : index
    %get3A_11 = arith.constant 0 : index
    %get3A_12 = vector.load %arg2[%get3A_10, %get3A_11] : memref<128x128xf32, #tpu.memory_space<vmem>>, vector<128x128xf32>
    %dot_general3A = arith.constant dense<0.000000e+00> : vector<1000x128xf32>
    %dot_general3A_13 = tpu.matmul %get3A_9, %get3A_12, %dot_general3A {dimension_numbers = #tpu.dot_dimension_numbers<[1], [0], [0], [1], [0, 0, 1, 1], [], []>, transpose_lhs_hint = false} : vector<1000x128xf32>, vector<128x128xf32>, vector<1000x128xf32> -> vector<1000x128xf32>
    %broadcast_in_dim3A = vector.shape_cast %rsqrt3A : vector<1000xf32> to vector<1000x1xf32>
    %mul3A = vector.broadcast %broadcast_in_dim3A : vector<1000x1xf32> to vector<1000x128xf32>
    %mul3A_14 = arith.mulf %dot_general3A_13, %mul3A : vector<1000x128xf32>
    %swap3A = arith.constant 0 : index
    %swap3A_15 = arith.constant 0 : index
    %swap3A_16 = vector.load %arg4[%swap3A, %swap3A_15] : memref<1000x128xf32, #tpu.memory_space<vmem>>, vector<1000x128xf32>
    tpu.vector_store %arg4[%swap3A, %swap3A_15], %mul3A_14 {strides = array<i32>} : memref<1000x128xf32, #tpu.memory_space<vmem>>, vector<1000x128xf32>,
    return
  }
  func.func @transform_0(%arg0: i32) -> (i32, i32) {
    %c0_i32 = arith.constant 0 : i32
    %c0_i32_0 = arith.constant 0 : i32
    return %arg0, %c0_i32 : i32, i32
  }
  func.func @transform_1(%arg0: i32) -> (i32, i32) {
    %c0_i32 = arith.constant 0 : i32
    %c0_i32_0 = arith.constant 0 : i32
    %c0_i32_1 = arith.constant 0 : i32
    return %c0_i32, %c0_i32_0 : i32, i32
  }
  func.func @transform_2(%arg0: i32) -> (i32, i32) {
    %c0_i32 = arith.constant 0 : i32
    %c0_i32_0 = arith.constant 0 : i32
    return %arg0, %c0_i32 : i32, i32
  }
  func.func @transform_3(%arg0: i32) -> (i32, i32) {
    %c0_i32 = arith.constant 0 : i32
    %c0_i32_0 = arith.constant 0 : i32
    return %arg0, %c0_i32 : i32, i32
  }
}

module attributes {stable_mosaic.version = 14 : i64} {
  func.func @body(%arg0: i32, %arg1: memref<1000x128xf32, #tpu.memory_space<vmem>>, %arg2: memref<1000x128xf32, #tpu.memory_space<vmem>>, %arg3: memref<1000x2xf32, #tpu.memory_space<vmem>>, %arg4: memref<1x128xf32, #tpu.memory_space<vmem>>, %arg5: memref<128x128xf32, #tpu.memory_space<vmem>>, %arg6: memref<1000x128xf32, #tpu.memory_space<vmem>>) attributes {dimension_semantics = [#tpu.dimension_semantics<arbitrary>], iteration_bounds = array<i64: 10>, scalar_prefetch = 0 : i64, scratch_operands = 0 : i64, tpu.core_type = #tpu.core_type<tc>, window_params = [{transform_indices = @transform_0, window_bounds = array<i64: 1000, 128>}, {transform_indices = @transform_1, window_bounds = array<i64: 1000, 128>}, {transform_indices = @transform_2, window_bounds = array<i64: 1000, 2>}, {pipeline_mode = #tpu.pipeline_mode<synchronous>, transform_indices = @transform_3, window_bounds = array<i64: 1, 128>}, {pipeline_mode = #tpu.pipeline_mode<synchronous>, transform_indices = @transform_4, window_bounds = array<i64: 128, 128>}, {transform_indices = @transform_5, window_bounds = array<i64: 1000, 128>}]} {
    %get3A = arith.constant 0 : index
    %get3A_0 = arith.constant 0 : index
    %get3A_1 = vector.load %arg3[%get3A, %get3A_0] : memref<1000x2xf32, #tpu.memory_space<vmem>>, vector<1000x2xf32>
    %slice3A = vector.extract_strided_slice %get3A_1 {offsets = [0, 0], sizes = [1000, 1], strides = [1, 1]} : vector<1000x2xf32> to vector<1000x1xf32>
    %squeeze3A = vector.shape_cast %slice3A : vector<1000x1xf32> to vector<1000xf32>
    %slice3A_2 = vector.extract_strided_slice %get3A_1 {offsets = [0, 1], sizes = [1000, 1], strides = [1, 1]} : vector<1000x2xf32> to vector<1000x1xf32>
    %squeeze3A_3 = vector.shape_cast %slice3A_2 : vector<1000x1xf32> to vector<1000xf32>
    %add3A = arith.addf %squeeze3A, %squeeze3A_3 : vector<1000xf32>
    %add3A_4 = arith.constant 1.000000e+00 : f32
    %add3A_5 = vector.broadcast %add3A_4 : f32 to vector<1000xf32>
    %add3A_6 = arith.addf %add3A, %add3A_5 : vector<1000xf32>
    %rsqrt3A = math.rsqrt %add3A_6 : vector<1000xf32>
    %get3A_7 = arith.constant 0 : index
    %get3A_8 = arith.constant 0 : index
    %get3A_9 = vector.load %arg1[%get3A_7, %get3A_8] : memref<1000x128xf32, #tpu.memory_space<vmem>>, vector<1000x128xf32>
    %get3A_10 = arith.constant 0 : index
    %get3A_11 = arith.constant 0 : index
    %get3A_12 = vector.load %arg2[%get3A_10, %get3A_11] : memref<1000x128xf32, #tpu.memory_space<vmem>>, vector<1000x128xf32>
    %add3A_13 = arith.addf %get3A_9, %get3A_12 : vector<1000x128xf32>
    %broadcast_in_dim3A = vector.shape_cast %rsqrt3A : vector<1000xf32> to vector<1000x1xf32>
    %mul3A = vector.broadcast %broadcast_in_dim3A : vector<1000x1xf32> to vector<1000x128xf32>
    %mul3A_14 = arith.mulf %add3A_13, %mul3A : vector<1000x128xf32>
    %get3A_15 = arith.constant 0 : index
    %get3A_16 = arith.constant 0 : index
    %get3A_17 = vector.load %arg4[%get3A_15, %get3A_16] : memref<1x128xf32, #tpu.memory_space<vmem>>, vector<1x128xf32>
    %add3A_18 = vector.broadcast %get3A_17 : vector<1x128xf32> to vector<1000x128xf32>
    %add3A_19 = arith.addf %mul3A_14, %add3A_18 : vector<1000x128xf32>
    %max3A = arith.constant 0.000000e+00 : f32
    %max3A_20 = vector.broadcast %max3A : f32 to vector<1000x128xf32>
    %max3A_21 = arith.maximumf %add3A_19, %max3A_20 : vector<1000x128xf32>
    %get3A_22 = arith.constant 0 : index
    %get3A_23 = arith.constant 0 : index
    %get3A_24 = vector.load %arg5[%get3A_22, %get3A_23] : memref<128x128xf32, #tpu.memory_space<vmem>>, vector<128x128xf32>
    %dot_general3A = arith.constant dense<0.000000e+00> : vector<1000x128xf32>
    %dot_general3A_25 = tpu.matmul %max3A_21, %get3A_24, %dot_general3A {dimension_numbers = #tpu.dot_dimension_numbers<[1], [0], [0], [1], [0, 0, 1, 1], [], []>, transpose_lhs_hint = false} : vector<1000x128xf32>, vector<128x128xf32>, vector<1000x128xf32> -> vector<1000x128xf32>
    %broadcast_in_dim3A_26 = vector.shape_cast %rsqrt3A : vector<1000xf32> to vector<1000x1xf32>
    %mul3A_27 = vector.broadcast %broadcast_in_dim3A_26 : vector<1000x1xf32> to vector<1000x128xf32>
    %mul3A_28 = arith.mulf %dot_general3A_25, %mul3A_27 : vector<1000x128xf32>
    %swap3A = arith.constant 0 : index
    %swap3A_29 = arith.constant 0 : index
    %swap3A_30 = vector.load %arg6[%swap3A, %swap3A_29] : memref<1000x128xf32, #tpu.memory_space<vmem>>, vector<1000x128xf32>
    tpu.vector_store %arg6[%swap3A, %swap3A_29], %mul3A_28 {strides = array<i32>} : memref<1000x128xf32, #tpu.memory_space<vmem>>, vector<1000x128xf32>,
    return
  }
  func.func @transform_0(%arg0: i32) -> (i32, i32) {
    %c0_i32 = arith.constant 0 : i32
    %c0_i32_0 = arith.constant 0 : i32
    return %arg0, %c0_i32 : i32, i32
  }
  func.func @transform_1(%arg0: i32) -> (i32, i32) {
    %c0_i32 = arith.constant 0 : i32
    %c0_i32_0 = arith.constant 0 : i32
    return %arg0, %c0_i32 : i32, i32
  }
  func.func @transform_2(%arg0: i32) -> (i32, i32) {
    %c0_i32 = arith.constant 0 : i32
    %c0_i32_0 = arith.constant 0 : i32
    return %arg0, %c0_i32 : i32, i32
  }
  func.func @transform_3(%arg0: i32) -> (i32, i32) {
    %c0_i32 = arith.constant 0 : i32
    %c0_i32_0 = arith.constant 0 : i32
    %c0_i32_1 = arith.constant 0 : i32
    return %c0_i32, %c0_i32_0 : i32, i32
  }
  func.func @transform_4(%arg0: i32) -> (i32, i32) {
    %c0_i32 = arith.constant 0 : i32
    %c0_i32_0 = arith.constant 0 : i32
    %c0_i32_1 = arith.constant 0 : i32
    return %c0_i32, %c0_i32_0 : i32, i32
  }
  func.func @transform_5(%arg0: i32) -> (i32, i32) {
    %c0_i32 = arith.constant 0 : i32
    %c0_i32_0 = arith.constant 0 : i32
    return %arg0, %c0_i32 : i32, i32
  }
}

module attributes {stable_mosaic.version = 14 : i64} {
  func.func @body(%arg0: i32, %arg1: memref<1000x128xf32, #tpu.memory_space<vmem>>, %arg2: memref<1000x128xf32, #tpu.memory_space<vmem>>, %arg3: memref<1000x2xf32, #tpu.memory_space<vmem>>, %arg4: memref<1x128xf32, #tpu.memory_space<vmem>>, %arg5: memref<1000x128xf32, #tpu.memory_space<vmem>>) attributes {dimension_semantics = [#tpu.dimension_semantics<arbitrary>], iteration_bounds = array<i64: 10>, scalar_prefetch = 0 : i64, scratch_operands = 0 : i64, tpu.core_type = #tpu.core_type<tc>, window_params = [{transform_indices = @transform_0, window_bounds = array<i64: 1000, 128>}, {transform_indices = @transform_1, window_bounds = array<i64: 1000, 128>}, {transform_indices = @transform_2, window_bounds = array<i64: 1000, 2>}, {pipeline_mode = #tpu.pipeline_mode<synchronous>, transform_indices = @transform_3, window_bounds = array<i64: 1, 128>}, {transform_indices = @transform_4, window_bounds = array<i64: 1000, 128>}]} {
    %get3A = arith.constant 0 : index
    %get3A_0 = arith.constant 0 : index
    %get3A_1 = vector.load %arg3[%get3A, %get3A_0] : memref<1000x2xf32, #tpu.memory_space<vmem>>, vector<1000x2xf32>
    %slice3A = vector.extract_strided_slice %get3A_1 {offsets = [0, 0], sizes = [1000, 1], strides = [1, 1]} : vector<1000x2xf32> to vector<1000x1xf32>
    %squeeze3A = vector.shape_cast %slice3A : vector<1000x1xf32> to vector<1000xf32>
    %slice3A_2 = vector.extract_strided_slice %get3A_1 {offsets = [0, 1], sizes = [1000, 1], strides = [1, 1]} : vector<1000x2xf32> to vector<1000x1xf32>
    %squeeze3A_3 = vector.shape_cast %slice3A_2 : vector<1000x1xf32> to vector<1000xf32>
    %add3A = arith.addf %squeeze3A, %squeeze3A_3 : vector<1000xf32>
    %add3A_4 = arith.constant 1.000000e+00 : f32
    %add3A_5 = vector.broadcast %add3A_4 : f32 to vector<1000xf32>
    %add3A_6 = arith.addf %add3A, %add3A_5 : vector<1000xf32>
    %rsqrt3A = math.rsqrt %add3A_6 : vector<1000xf32>
    %get3A_7 = arith.constant 0 : index
    %get3A_8 = arith.constant 0 : index
    %get3A_9 = vector.load %arg1[%get3A_7, %get3A_8] : memref<1000x128xf32, #tpu.memory_space<vmem>>, vector<1000x128xf32>
    %get3A_10 = arith.constant 0 : index
    %get3A_11 = arith.constant 0 : index
    %get3A_12 = vector.load %arg2[%get3A_10, %get3A_11] : memref<1000x128xf32, #tpu.memory_space<vmem>>, vector<1000x128xf32>
    %add3A_13 = arith.addf %get3A_9, %get3A_12 : vector<1000x128xf32>
    %broadcast_in_dim3A = vector.shape_cast %rsqrt3A : vector<1000xf32> to vector<1000x1xf32>
    %mul3A = vector.broadcast %broadcast_in_dim3A : vector<1000x1xf32> to vector<1000x128xf32>
    %mul3A_14 = arith.mulf %add3A_13, %mul3A : vector<1000x128xf32>
    %get3A_15 = arith.constant 0 : index
    %get3A_16 = arith.constant 0 : index
    %get3A_17 = vector.load %arg4[%get3A_15, %get3A_16] : memref<1x128xf32, #tpu.memory_space<vmem>>, vector<1x128xf32>
    %add3A_18 = vector.broadcast %get3A_17 : vector<1x128xf32> to vector<1000x128xf32>
    %add3A_19 = arith.addf %mul3A_14, %add3A_18 : vector<1000x128xf32>
    %swap3A = arith.constant 0 : index
    %swap3A_20 = arith.constant 0 : index
    %swap3A_21 = vector.load %arg5[%swap3A, %swap3A_20] : memref<1000x128xf32, #tpu.memory_space<vmem>>, vector<1000x128xf32>
    tpu.vector_store %arg5[%swap3A, %swap3A_20], %add3A_19 {strides = array<i32>} : memref<1000x128xf32, #tpu.memory_space<vmem>>, vector<1000x128xf32>,
    return
  }
  func.func @transform_0(%arg0: i32) -> (i32, i32) {
    %c0_i32 = arith.constant 0 : i32
    %c0_i32_0 = arith.constant 0 : i32
    return %arg0, %c0_i32 : i32, i32
  }
  func.func @transform_1(%arg0: i32) -> (i32, i32) {
    %c0_i32 = arith.constant 0 : i32
    %c0_i32_0 = arith.constant 0 : i32
    return %arg0, %c0_i32 : i32, i32
  }
  func.func @transform_2(%arg0: i32) -> (i32, i32) {
    %c0_i32 = arith.constant 0 : i32
    %c0_i32_0 = arith.constant 0 : i32
    return %arg0, %c0_i32 : i32, i32
  }
  func.func @transform_3(%arg0: i32) -> (i32, i32) {
    %c0_i32 = arith.constant 0 : i32
    %c0_i32_0 = arith.constant 0 : i32
    %c0_i32_1 = arith.constant 0 : i32
    return %c0_i32, %c0_i32_0 : i32, i32
  }
  func.func @transform_4(%arg0: i32) -> (i32, i32) {
    %c0_i32 = arith.constant 0 : i32
    %c0_i32_0 = arith.constant 0 : i32
    return %arg0, %c0_i32 : i32, i32
  }
}

</mosaic_0001>

<sc_bundles>
// kernel: kernel.11.cloned.1.call-start
scs
__scs_entry_jumppad:
0x0: {  	(pc) =	sbr.rel $0x88, $3  }
0x1: {  	(tag) =	ssettag $0x0;
	lr =	simm.s32 $0x1  }
0x2: {  	[smem:$0x3F9B] =	sst lr;
	_ =	strace $0xD0000000  }
0x3: {  	_ = 	snop  }
0x4: {  	_ = 	snop  }
0x5: {  	_ = 	snop  }
0x6: {  	_ = 	snop  }
0x7: {  	_ = 	snop  }
__scs_overlays_trampoline_lowered:
0x8: {  	[smem:$0x3FAA] =	sst s0  }
0x9: {  	[smem:$0x3FAB] =	sst s1  }
0xa: {  	[smem:$0x3FAC] =	sst s2  }
0xb: {  	[smem:$0x3FAD] =	sst s3  }
0xc: {  	[smem:$0x3FAE] =	sst s4  }
0xd: {  	[smem:$0x3FAF] =	sst s5  }
0xe: {  	[smem:$0x3FB0] =	sst s6  }
0xf: {  	[smem:$0x3FB1] =	sst s7  }
0x10: {  	[smem:$0x3FB2] =	sst s8  }
0x11: {  	[smem:$0x3FB3] =	sst s9;
	s0 =	simm.s32 @!p0 $0x0  }
0x12: {  	s1 =	sld [smem:$0x3F99];
	s0 =	simm.s32 @p0 $0x1  }
0x13: {  	[smem:$0x3FB4] =	sst s0;
	s0 =	simm.s32 @!p1 $0x0  }
0x14: {  	s2 =	sld [smem:$0x3F98];
	s0 =	simm.s32 @p1 $0x1  }
0x15: {  	[smem:$0x3FB5] =	sst s0;
	s0 =	simm.s32 @!p2 $0x0  }
0x16: {  	s3 =	sld [smem:$0x3FDB];
	s0 =	simm.s32 @p2 $0x1  }
0x17: {  	s4 =	simm.s32 $0x1BF5;
	[smem:$0x3FB7] =	sst s0  }
0x18: {  	s0 =	sld [smem:$0x3F9A];
	_ =	swait.ge [sflag:s4], $0x0  }
0x19: {  	s7 =	sld [smem:$0x3F9B]  }
0x1a: {  	s8 =	sadd.s32 $0xFFFFE003, lr  }
0x1b: {  	s9 =	sadd.s32 $0xFFFFFEF7, lr;
	s5 =	simm.s32 $0xFFFFFFFF;
	p2 =	slt.u32 s8, $0xFFFFF086  }
0x1c: {  	p1 =	slt.u32 s9, $0xF7A;
	s5 =	simm.s32 @!p2 $0x0  }
0x1d: {  	s5 =	simm.s32 @p1 $0x1;
	p0 =	seq.s32 s7, s2  }
0x1e: {  	s7 =	smul.u32 @!p0 $0xF7A, s2;
	p2 =	seq.s32 @!p0 s5, $0x0  }
0x1f: {  	s9 =	smul.u32 $0xF7A, s1;
	s8 =	simm.s32 @!p0 $0x1BF5;
	p2 =	por !p2, p0  }
0x20: {  	[sflag:s8] =	ssyncset.s32 @!p0 $0xFFFFF086;
	s6 =	sadd.s32 @!p0 s3, s7;
	s7 =	simm.s32 @!p0 $0x108  }
0x21: {  	s3 =	sadd.s32 s3, s9;
	s6 =	sadd.s32 @!p0 $0x88, s6;
	s7 =	simm.s32 @p2 $0x1082  }
0x22: {  	[simem:s7], [sflag:s8] =	dma.local @!p0 [hbm:s6], $0xF7A  }
0x23: {  	s9 =	sor.u32 $0xD0000000, s2;
	s6 =	simm.s32 $0x108;
	_ =	swait.ge @!p0 [sflag:s8], $0x0  }
0x24: {  	s3 =	sadd.s32 $0x88, s3;
	s6 =	simm.s32 @!p1 $0x1082;
	[sflag:s4] =	ssyncset.s32 $0xFFFFF086  }
0x25: {  	[simem:s6], [sflag:s4] =	dma.local [hbm:s3], $0xF7A  }
0x26: {  	[smem:$0x3F9B] =	sst s1;
	(tag) =	ssettag s2;
	_ =	strace s9  }
0x27: {  	s1 =	sld [smem:$0x3FAB]  }
0x28: {  	s2 =	sld [smem:$0x3FAC]  }
0x29: {  	s4 =	sld [smem:$0x3FAE]  }
0x2a: {  	p0 =	seq.s32 s5, $0x0;
	s5 =	sld [smem:$0x3FAF]  }
0x2b: {  	s6 =	sld [smem:$0x3FB0]  }
0x2c: {  	s7 =	sld [smem:$0x3FB1]  }
0x2d: {  	s3 =	simm.s32 $0x108;
	s8 =	sld [smem:$0x3FB2]  }
0x2e: {  	s3 =	simm.s32 @!p0 $0x1082;
	s9 =	sld [smem:$0x3FB3]  }
0x2f: {  	lr =	sadd.s32 s0, s3;
	s0 =	sld [smem:$0x3FAA]  }
0x30: {  	s3 =	sld [smem:$0x3FAD]  }
0x31: {  	[smem:$0x3FB6] =	sst s10  }
0x32: {  	s10 =	sld [smem:$0x3FB4];
	_ =	sdelay $0x3  }
0x33: {  	p0 =	seq.s32 s10, $0x1;
	s10 =	sld [smem:$0x3FB6];
	_ =	sdelay $0x3  }
0x34: {  	[smem:$0x3FB6] =	sst s10  }
0x35: {  	s10 =	sld [smem:$0x3FB5];
	_ =	sdelay $0x3  }
0x36: {  	p1 =	seq.s32 s10, $0x1;
	s10 =	sld [smem:$0x3FB6];
	_ =	sdelay $0x3  }
0x37: {  	[smem:$0x3FB6] =	sst s10  }
0x38: {  	s10 =	sld [smem:$0x3FB7]  }
0x39: {  	_ = 	snop;
	(pc) =	sbr.ind lr, $3  }
0x3a: {  	_ = 	snop  }
0x3b: {  	_ = 	snop  }
0x3c: {  	p2 =	seq.s32 s10, $0x1;
	s10 =	sld [smem:$0x3FB6]  }
0x3d: {  	_ =	shalt  }
0x3e: {  	_ =	shalt  }
0x3f: {  	_ =	shalt  }
0x40: {  	_ =	shalt  }
0x41: {  	_ =	shalt  }
0x42: {  	_ =	shalt  }
0x43: {  	_ =	shalt  }
0x44: {  	_ =	shalt  }
0x45: {  	_ =	shalt  }
0x46: {  	_ =	shalt  }
0x47: {  	_ =	shalt  }
0x48: {  	_ =	shalt  }
0x49: {  	_ =	shalt  }
0x4a: {  	_ =	shalt  }
0x4b: {  	_ =	shalt  }
0x4c: {  	_ =	shalt  }
0x4d: {  	_ =	shalt  }
0x4e: {  	_ =	shalt  }
0x4f: {  	_ =	shalt  }
0x50: {  	_ =	shalt  }
0x51: {  	_ =	shalt  }
0x52: {  	_ =	shalt  }
0x53: {  	_ =	shalt  }
0x54: {  	_ =	shalt  }
0x55: {  	_ =	shalt  }
0x56: {  	_ =	shalt  }
0x57: {  	_ =	shalt  }
0x58: {  	_ =	shalt  }
0x59: {  	_ =	shalt  }
0x5a: {  	_ =	shalt  }
0x5b: {  	_ =	shalt  }
0x5c: {  	_ =	shalt  }
0x5d: {  	_ =	shalt  }
0x5e: {  	_ =	shalt  }
0x5f: {  	_ =	shalt  }
0x60: {  	_ =	shalt  }
0x61: {  	_ =	shalt  }
0x62: {  	_ =	shalt  }
0x63: {  	_ =	shalt  }
0x64: {  	_ =	shalt  }
0x65: {  	_ =	shalt  }
0x66: {  	_ =	shalt  }
0x67: {  	_ =	shalt  }
0x68: {  	_ =	shalt  }
0x69: {  	_ =	shalt  }
0x6a: {  	_ =	shalt  }
0x6b: {  	_ =	shalt  }
0x6c: {  	_ =	shalt  }
0x6d: {  	_ =	shalt  }
0x6e: {  	_ =	shalt  }
0x6f: {  	_ =	shalt  }
0x70: {  	_ =	shalt  }
0x71: {  	_ =	shalt  }
0x72: {  	_ =	shalt  }
0x73: {  	_ =	shalt  }
0x74: {  	_ =	shalt  }
0x75: {  	_ =	shalt  }
0x76: {  	_ =	shalt  }
0x77: {  	_ =	shalt  }
0x78: {  	_ =	shalt  }
0x79: {  	_ =	shalt  }
0x7a: {  	_ =	shalt  }
0x7b: {  	_ =	shalt  }
0x7c: {  	_ =	shalt  }
0x7d: {  	_ =	shalt  }
0x7e: {  	_ =	shalt  }
0x7f: {  	_ =	shalt  }
0x80: {  	_ =	shalt  }
0x81: {  	_ =	shalt  }
0x82: {  	_ =	shalt  }
0x83: {  	_ =	shalt  }
0x84: {  	_ =	shalt  }
0x85: {  	_ =	shalt  }
0x86: {  	_ =	shalt  }
0x87: {  	_ =	shalt  }
.Lfunc_end0:
.L_simem_size_0:
called_computation.1_lowered:
.L_overlay_start_0:
0x88: {  	s2 =	sld [smem:$0x3FD9]  }
0x89: {  	s3 =	sld [smem:$0x3FFE];
	_ =	sdelay $0x1  }
0x8a: {  	s1 =	srdreg.scid  }
0x8b: {  	s0 =	sand.u32 $0x1, s1  }
0x8c: {  	s17 =	sshll.u32 s0, $0xA;
	s2 =	sadd.s32 s3, s2  }
0x8d: {  	s2 =	sadd.s32 s2, s17  }
0x8e: {  	[smem:$0x3FC2] =	sst s2  }
0x8f: {  	_ = 	snop  }
0x90: {  	s2 =	sld [smem:$0x3FD0];
	(tm) =	ssettm $0x1  }
0x91: {  	s18 =	sld [smem:$0x3FFB];
	_ =	sdelay $0x3  }
0x92: {  	_ =	strace s18  }
0x93: {  	s3 =	sld [smem:$0x3FFC];
	_ =	sdelay $0x3  }
0x94: {  	_ =	strace s3  }
0x95: {  	s3 =	sld [smem:$0x3FFD];
	_ =	sdelay $0x3  }
0x96: {  	_ =	strace s3  }
0x97: {  	_ =	strace $0x8FFFFFFF  }
0x98: {  	s19 =	sld [smem:$0x3FDB];
	_ =	sdelay $0x1  }
0x99: {  	s4 =	simm.s32 $_scs_section_size  }
0x9a: {  	s5 =	simm.s32 $_size__tile_overlayer_lowered;
	s6 =	simm.s32 $_tile_overlayer_lowered  }
0x9b: {  	s22 =	simm.s32 $0x1BFF;
	s21 =	sshll.u32 s6, $0x1;
	s3 =	sadd.s32 s4, s19  }
0x9c: {  	s7 =	simm.s32 $0x0;
	s20 =	sshll.u32 s5, $0x1;
	s5 =	sadd.s32 s21, s3  }
0x9d: {  	[timem:s7], [sflag:s22] =	dma.local [hbm:s5], s20  }
0x9e: {  	_ =	swait.ge [sflag:s22], s20  }
0x9f: {  	s4 =	ssub.s32 $0x0, s20;
	[sflag:s22] =	ssyncset.done $0x0  }
0xa0: {  	[sflag:s22] =	ssyncadd.s32 s4;
	_ =	sdelay $0x1  }
0xa1: {  	s23 =	simm.s32 $0x1B8B  }
0xa2: {  	_ =	swait.ge [sflag:s23], $0x1  }
0xa3: {  	[sflag:s23] =	ssyncset.done $0x0  }
0xa4: {  	s25 =	simm.s32 $0x1B8E;
	s24 =	sld [smem:$0x3FFE];
	[sflag:s23] =	ssyncadd.s32 $0xFFFFFFFF  }
0xa5: {  	s26 =	simm.s32 $execute0_lowered;
	[smem:$0x3FD2] =	sst s25  }
0xa6: {  	s5 =	sshll.u32 s26, $0x1;
	_ =	strace $0x80000049;
	[dreg:$0x1] =	wrdreg $0xFFFFFFFF  }
0xa7: {  	s28 =	simm.s32 $_size_execute0_lowered;
	s3 =	sadd.s32 s3, s5;
	[dreg:$0x0] =	wrdreg $0x0  }
0xa8: {  	s5 =	sshll.u32 s28, $0x1;
	[dreg:$0x2] =	wrdreg s3  }
0xa9: {  	[dreg:$0x3] =	wrdreg s5  }
0xaa: {  	[dreg:$0x4] =	wrdreg $0xC0  }
0xab: {  	_ =	task [dreg:s7], $0x5FFFF  }
0xac: {  	[dreg:$0x1] =	wrdreg $0xFFFFFFFF  }
0xad: {  	[dreg:$0x0] =	wrdreg $0x60  }
0xae: {  	[dreg:$0x2] =	wrdreg s2  }
0xaf: {  	[dreg:$0x3] =	wrdreg s24  }
0xb0: {  	[dreg:$0x4] =	wrdreg $0x15D400  }
0xb1: {  	[dreg:$0x5] =	wrdreg $0x9  }
0xb2: {  	_ =	task.clear_ibuf [dreg:s7], $0x6FFFF;
	_ =	strace $0x90000049  }
0xb3: {  	s29 =	simm.s32 $0x9;
	_ =	strace $0x8000004B  }
0xb4: {  	_ =	swait.ge [sflag:s29], $0x1  }
0xb5: {  	[sflag:s29] =	ssyncadd.s32 $0xFFFFFFFF  }
0xb6: {  	_ =	strace $0x9000004B  }
0xb7: {  	_ =	sfence  }
0xb8: {  	s30 =	sld [smem:$0x0];
	_ =	sdelay $0x2  }
0xb9: {  	s31 =	sshll.u32 s1, $0xD;
	s1 =	sshrl.u32 s1, $0x2  }
0xba: {  	s3 =	sand.u32 $0x4000, s31;
	s1 =	sadd.s32 s1, s30  }
0xbb: {  	s0 =	sor.u32 s3, s0;
	s1 =	sshll.u32 s1, $0x11  }
0xbc: {  	s0 =	sor.u32 s1, s0  }
0xbd: {  	s0 =	sadd.s32 $0x8F2B, s0  }
0xbe: {  	[sflag:s0] =	ssyncadd.remote.s32 $0x1  }
0xbf: {  	_ =	sfence.sel $0xFFFF  }
0xc0: {  	[dreg:$0x0] =	wrdreg $0xFFFFFFFF;
	(pc) =	sbr.abs _section_cstart, $3  }
0xc1: {  	[dreg:$0x1] =	wrdreg $0xFFFFFFFF  }
0xc2: {  	_ =	task.clear_ibuf [dreg:s7], $0x2FFFF;
	_ =	strace $0x9FFFFFFF  }
0xc3: {  	(tm) =	ssettm $0x7FFFFFFF  }
tec
execute0_lowered:
.L_overlay_start_1:
0x0: {  	(tag) =	ssettag $0x1  }
0x1: {  	s1 =	rddreg [dreg:$0x0]  }
0x2: {  	s0 =	rddreg [dreg:$0x1];
	s2 =	srdreg.scid  }
0x3: {  	s13 =	stileid.u32;
	s3 =	rddreg [dreg:$0x2];
	s4 =	simm.s32 $0x0  }
0x4: {  	s28 =	simm.s32 $0x4;
	s29 =	simm.s32 $0x5;
	s5 =	smul.u32 $0x4E00, s13  }
0x5: {  	s30 =	simm.s32 $0x6;
	s31 =	simm.s32 $0x80;
	s7 =	smul.u32 $0x9C40, s13  }
0x6: {  	s2 =	sand.u32 $0x1, s2;
	[smem:$0x7FF] =	sst s4;
	s9 =	smul.u32 $0x280, s13  }
0x7: {  	s24 =	sshll.u32 s13, $0x2;
	s18 =	sshll.u32 s13, $0x6;
	s19 =	smul.u32 $0x27100, s13  }
0x8: {  	s13 =	simm.s32 $0xBE00;
	s6 =	smul.u32 $0x4E000, s2;
	_ =	strace $0x8000004A  }
0x9: {  	s8 =	smul.u32 $0x2800, s2;
	s11 =	sadd.s32 s24, s0;
	s15 =	ssub.s32 $0x2, s2  }
0xa: {  	s2 =	sshll.u32 s2, $0x6;
	s25 =	sshrl.u32 s7, $0x3;
	s16 =	sshrl.u32 s15, $0x1  }
0xb: {  	s2 =	sadd.s32 s2, s11;
	s21 =	sshrl.u32 s19, $0x2;
	s22 =	sadd.s32 $0x4800, s11  }
0xc: {  	s11 =	simm.s32 $0x9EC0;
	s6 =	sadd.s32 s5, s6;
	s5 =	sshrl.u32 s5, $0x3  }
0xd: {  	s8 =	sadd.s32 s9, s8;
	s26 =	sadd.s32 s25, s0;
	s2 =	sadd.s32 $0x21E00, s2  }
0xe: {  	[dreg:$0x9] =	wrdreg s22;
	s22 =	simm.s32 $0x9C20;
	s9 =	simm.s32 $0x8  }
0xf: {  	s6 =	sshrl.u32 s6, $0x3;
	s10 =	sadd.s32 s5, s0;
	s14 =	sshrl.u32 s8, $0x3  }
0x10: {  	s5 =	sadd.s32 $0x40000, s0;
	s17 =	sadd.s32 $0x2C600, s26;
	[dreg:$0x7] =	wrdreg s2  }
0x11: {  	s2 =	sadd.s32 s21, s3;
	s21 =	simm.s32 $0x11D40;
	s12 =	sadd.s32 s14, s0  }
0x12: {  	s14 =	sadd.s32 s7, s3;
	[dreg:$0x4] =	wrdreg s17;
	s7 =	sor.u32 $0x1C01, s18  }
0x13: {  	s8 =	simm.s32 $0x7;
	s20 =	sadd.s32 $0x22A00, s10;
	[dreg:$0x5] =	wrdreg s7  }
0x14: {  	s6 =	sadd.s32 s6, s0;
	s24 =	sadd.s32 $0x1F40, s2;
	[dreg:$0x8] =	wrdreg s20  }
0x15: {  	s0 =	ssub.s32 s15, s16;
	s25 =	sadd.s32 $0x3E80, s2;
	[dreg:$0xb] =	wrdreg s24  }
0x16: {  	s26 =	sadd.s32 $0x5DC0, s2;
	s2 =	sadd.s32 $0x7D00, s2;
	[dreg:$0xc] =	wrdreg s25  }
0x17: {  	s10 =	simm.s32 $0x20;
	s6 =	sadd.s32 $0xE600, s6;
	[dreg:$0xd] =	wrdreg s26  }
0x18: {  	s23 =	sadd.s32 $0x22000, s12;
	[dreg:$0xe] =	wrdreg s2;
	s18 =	smax.u32 s0, $0x1  }
0x19: {  	s17 =	smov.u32 s14;
	s19 =	sshrl.u32 s14, $0x3;
	s20 =	simm.s32 $0x4E00  }
0x1a: {  	s24 =	simm.s32 $0x1;
	s25 =	simm.s32 $0x2;
	s26 =	simm.s32 $0x3  }
0x1b: {  	s2 =	simm.s32 $0xDD40;
	s0 =	simm.s32 $0xFD40;
	s7 =	simm.s32 $0x13D40  }
0x1c: {  	s12 =	simm.s32 $0x7D;
	s14 =	simm.s32 $0x0;
	[dreg:$0x6] =	wrdreg s6  }
0x1d: {  	[dreg:$0xa] =	wrdreg s23;
	s23 =	simm.s32 $0x9C40;
	s6 =	simm.s32 $0x9  }
.LBB2_1:
0x1e: {  	s15 =	rddreg [dreg:$0x4]  }
0x1f: {  	s16 =	rddreg [dreg:$0x5]  }
0x20: {  	[spmem:s19], [sflag:s16] =	dma.local [hbm:s15], $0x1388  }
0x21: {  	s15 =	rddreg [dreg:$0x6]  }
0x22: {  	[tilespmem:s4], [sflag:$0x2] =	stream.linear.gather [hbm4b:s15+s4], $0x4E00, $0x38;
	[tilespmem:$0x1F980] =	vst v63  }
0x23: {  	s16 =	rddreg [dreg:$0x7]  }
0x24: {  	[tilespmem:s20], [sflag:$0x3] =	stream.linear.gather [hbm4b:s16+s4], $0x20, $0x38;
	[tilespmem:$0x1F980] =	vst v63  }
0x25: {  	s16 =	rddreg [dreg:$0x8];
	s20 =	simm.s32 $0x4E20  }
0x26: {  	[tilespmem:s20], [sflag:$0x4] =	stream.linear.gather [hbm4b:s16+s4], $0x4E00, $0x38;
	[tilespmem:$0x1F980] =	vst v63  }
0x27: {  	s20 =	rddreg [dreg:$0x9]  }
0x28: {  	[tilespmem:s22], [sflag:$0x5] =	stream.linear.gather [hbm4b:s20+s4], $0x20, $0x38;
	[tilespmem:$0x1F980] =	vst v63  }
0x29: {  	s16 =	rddreg [dreg:$0xa]  }
0x2a: {  	[tilespmem:s23], [sflag:$0x6] =	stream.linear.gather [hbm4b:s16+s4], $0x280, $0x38;
	[tilespmem:$0x1F980] =	vst v63  }
0x2b: {  	_ =	swait.ge [sflag:s24], $0x1388  }
0x2c: {  	[sflag:s24] =	ssyncset.done $0x0  }
0x2d: {  	[sflag:s24] =	ssyncadd.s32 $0xFFFFEC78  }
0x2e: {  	_ =	swait.ge [sflag:s25], $0x4E00  }
0x2f: {  	[sflag:s25] =	ssyncset.done $0x0  }
0x30: {  	[sflag:s25] =	ssyncadd.s32 $0xFFFFB200  }
0x31: {  	_ =	swait.ge [sflag:s26], $0x20  }
0x32: {  	[sflag:s26] =	ssyncset.done $0x0  }
0x33: {  	[sflag:s26] =	ssyncadd.s32 $0xFFFFFFE0  }
0x34: {  	_ =	swait.ge [sflag:s28], $0x4E00  }
0x35: {  	[sflag:s28] =	ssyncset.done $0x0  }
0x36: {  	[sflag:s28] =	ssyncadd.s32 $0xFFFFB200  }
0x37: {  	_ =	swait.ge [sflag:s29], $0x20  }
0x38: {  	[sflag:s29] =	ssyncset.done $0x0  }
0x39: {  	[sflag:s29] =	ssyncadd.s32 $0xFFFFFFE0  }
0x3a: {  	_ =	swait.ge [sflag:s30], $0x280  }
0x3b: {  	[sflag:s30] =	ssyncset.done $0x0  }
0x3c: {  	[sflag:s30] =	ssyncadd.s32 $0xFFFFFD80  }
0x3d: {  	[bflag:$0x0] =	sbarrier.arrive $0xFFFF  }
0x3e: {  	[tilespmem:s2], [sflag:$0x1] =	stream.indirect.gather [hbm4b:s1+s31], $0x40, s4, s31, $0xb8;
	[tilespmem:$0x1F980] =	vst v63  }
0x3f: {  	_ = 	snop  }
0x40: {  	[tilespmem:s0], [sflag:$0x2] =	stream.indirect.gather [hbm4b:s1+s31], $0x40, s31, s31, $0xb8;
	[tilespmem:$0x1F980] =	vst v63  }
0x41: {  	s20 =	simm.s32 $0x100  }
0x42: {  	[tilespmem:s21], [sflag:$0x3] =	stream.indirect.gather [hbm4b:s1+s31], $0x40, s20, s31, $0xb8;
	[tilespmem:$0x1F980] =	vst v63  }
0x43: {  	s16 =	simm.s32 $0x180  }
0x44: {  	[tilespmem:s7], [sflag:$0x4] =	stream.indirect.gather [hbm4b:s1+s31], $0x40, s16, s31, $0xb8;
	[tilespmem:$0x1F980] =	vst v63  }
0x45: {  	_ =	swait.ge [sflag:s24], $0x2000  }
0x46: {  	[sflag:s24] =	ssyncset.done $0x0  }
0x47: {  	s20 =	simm.s32 $0x4E20;
	[sflag:s24] =	ssyncadd.s32 $0xFFFFE000  }
0x48: {  	[spmem:s3] =	stream.indirect.scatter.add.f32 [tilespmem:s2], [sflag:$0x5], $0x40, s20, s31, $0xb8;
	[tilespmem:$0x1F980] =	vst v63  }
0x49: {  	_ =	swait.ge [sflag:s25], $0x2000  }
0x4a: {  	[sflag:s25] =	ssyncset.done $0x0  }
0x4b: {  	s16 =	simm.s32 $0x4EA0;
	[sflag:s25] =	ssyncadd.s32 $0xFFFFE000  }
0x4c: {  	[spmem:s3] =	stream.indirect.scatter.add.f32 [tilespmem:s0], [sflag:$0x6], $0x40, s16, s31, $0xb8;
	[tilespmem:$0x1F980] =	vst v63  }
0x4d: {  	_ =	swait.ge [sflag:s26], $0x2000  }
0x4e: {  	[sflag:s26] =	ssyncset.done $0x0  }
0x4f: {  	s20 =	simm.s32 $0x4F20;
	[sflag:s26] =	ssyncadd.s32 $0xFFFFE000  }
0x50: {  	[spmem:s3] =	stream.indirect.scatter.add.f32 [tilespmem:s21], [sflag:$0x7], $0x40, s20, s31, $0xb8;
	[tilespmem:$0x1F980] =	vst v63  }
0x51: {  	_ =	swait.ge [sflag:s28], $0x2000  }
0x52: {  	[sflag:s28] =	ssyncset.done $0x0  }
0x53: {  	s16 =	simm.s32 $0x4FA0;
	[sflag:s28] =	ssyncadd.s32 $0xFFFFE000  }
0x54: {  	[spmem:s3] =	stream.indirect.scatter.add.f32 [tilespmem:s7], [sflag:$0x8], $0x40, s16, s31, $0xb8;
	[tilespmem:$0x1F980] =	vst v63  }
0x55: {  	_ =	swait.ge [sflag:s29], $0x2000  }
0x56: {  	[sflag:s29] =	ssyncset.done $0x0  }
0x57: {  	s20 =	simm.s32 $0x200;
	[sflag:s29] =	ssyncadd.s32 $0xFFFFE000  }
0x58: {  	[tilespmem:s2], [sflag:$0x1] =	stream.indirect.gather [hbm4b:s1+s31], $0x40, s20, s31, $0xb8;
	[tilespmem:$0x1F980] =	vst v63  }
0x59: {  	_ =	swait.ge [sflag:s30], $0x2000  }
0x5a: {  	[sflag:s30] =	ssyncset.done $0x0  }
0x5b: {  	s16 =	simm.s32 $0x280;
	[sflag:s30] =	ssyncadd.s32 $0xFFFFE000  }
0x5c: {  	[tilespmem:s0], [sflag:$0x2] =	stream.indirect.gather [hbm4b:s1+s31], $0x40, s16, s31, $0xb8;
	[tilespmem:$0x1F980] =	vst v63  }
0x5d: {  	_ =	swait.ge [sflag:s8], $0x2000  }
0x5e: {  	[sflag:s8] =	ssyncset.done $0x0  }
0x5f: {  	s20 =	simm.s32 $0x300;
	[sflag:s8] =	ssyncadd.s32 $0xFFFFE000  }
0x60: {  	[tilespmem:s21], [sflag:$0x3] =	stream.indirect.gather [hbm4b:s1+s31], $0x40, s20, s31, $0xb8;
	[tilespmem:$0x1F980] =	vst v63  }
0x61: {  	_ =	swait.ge [sflag:s9], $0x2000  }
0x62: {  	[sflag:s9] =	ssyncset.done $0x0  }
0x63: {  	s15 =	simm.s32 $0x800;
	s20 =	simm.s32 $0x380;
	[sflag:s9] =	ssyncadd.s32 $0xFFFFE000  }
.LBB2_2:
0x64: {  	[tilespmem:s7], [sflag:$0x4] =	stream.indirect.gather [hbm4b:s1+s31], $0x40, s20, s31, $0xb8;
	[tilespmem:$0x1F980] =	vst v63  }
0x65: {  	s20 =	smov.u32 s15  }
0x66: {  	p0 =	sne.s32 s15, $0x12800;
	s15 =	sadd.s32 $0x800, s15;
	_ =	swait.ge [sflag:s24], $0x2000  }
0x67: {  	s20 =	sshra.s32 s20, $0x2;
	[sflag:s24] =	ssyncset.done $0x0  }
0x68: {  	s16 =	sadd.s32 $0x4E20, s20;
	[sflag:s24] =	ssyncadd.s32 $0xFFFFE000  }
0x69: {  	[spmem:s3] =	stream.indirect.scatter.add.f32 [tilespmem:s2], [sflag:$0x5], $0x40, s16, s31, $0xb8;
	[tilespmem:$0x1F980] =	vst v63  }
0x6a: {  	_ =	swait.ge [sflag:s25], $0x2000  }
0x6b: {  	[sflag:s25] =	ssyncset.done $0x0  }
0x6c: {  	s16 =	sadd.s32 $0x4EA0, s20;
	[sflag:s25] =	ssyncadd.s32 $0xFFFFE000  }
0x6d: {  	[spmem:s3] =	stream.indirect.scatter.add.f32 [tilespmem:s0], [sflag:$0x6], $0x40, s16, s31, $0xb8;
	[tilespmem:$0x1F980] =	vst v63  }
0x6e: {  	_ =	swait.ge [sflag:s26], $0x2000  }
0x6f: {  	[sflag:s26] =	ssyncset.done $0x0  }
0x70: {  	s16 =	sadd.s32 $0x4F20, s20;
	[sflag:s26] =	ssyncadd.s32 $0xFFFFE000  }
0x71: {  	[spmem:s3] =	stream.indirect.scatter.add.f32 [tilespmem:s21], [sflag:$0x7], $0x40, s16, s31, $0xb8;
	[tilespmem:$0x1F980] =	vst v63  }
0x72: {  	_ =	swait.ge [sflag:s28], $0x2000  }
0x73: {  	[sflag:s28] =	ssyncset.done $0x0  }
0x74: {  	s16 =	sadd.s32 $0x4FA0, s20;
	[sflag:s28] =	ssyncadd.s32 $0xFFFFE000  }
0x75: {  	[spmem:s3] =	stream.indirect.scatter.add.f32 [tilespmem:s7], [sflag:$0x8], $0x40, s16, s31, $0xb8;
	[tilespmem:$0x1F980] =	vst v63  }
0x76: {  	_ =	swait.ge [sflag:s29], $0x2000  }
0x77: {  	[sflag:s29] =	ssyncset.done $0x0  }
0x78: {  	s16 =	sadd.s32 $0x200, s20;
	[sflag:s29] =	ssyncadd.s32 $0xFFFFE000  }
0x79: {  	[tilespmem:s2], [sflag:$0x1] =	stream.indirect.gather [hbm4b:s1+s31], $0x40, s16, s31, $0xb8;
	[tilespmem:$0x1F980] =	vst v63  }
0x7a: {  	_ =	swait.ge [sflag:s30], $0x2000  }
0x7b: {  	[sflag:s30] =	ssyncset.done $0x0  }
0x7c: {  	s16 =	sadd.s32 $0x280, s20;
	[sflag:s30] =	ssyncadd.s32 $0xFFFFE000  }
0x7d: {  	[tilespmem:s0], [sflag:$0x2] =	stream.indirect.gather [hbm4b:s1+s31], $0x40, s16, s31, $0xb8;
	[tilespmem:$0x1F980] =	vst v63  }
0x7e: {  	_ =	swait.ge [sflag:s8], $0x2000  }
0x7f: {  	[sflag:s8] =	ssyncset.done $0x0  }
.Ltmp0:
0x80: {  	s16 =	sadd.s32 $0x300, s20;
	[sflag:s8] =	ssyncadd.s32 $0xFFFFE000;
	(pc) =	sbr.rel @p0 .LBB2_2-.Ltmp0, $4  }
0x81: {  	[tilespmem:s21], [sflag:$0x3] =	stream.indirect.gather [hbm4b:s1+s31], $0x40, s16, s31, $0xb8;
	[tilespmem:$0x1F980] =	vst v63  }
0x82: {  	_ =	swait.ge [sflag:s9], $0x2000  }
0x83: {  	[sflag:s9] =	ssyncset.done $0x0  }
0x84: {  	s20 =	sadd.s32 $0x380, s20;
	[sflag:s9] =	ssyncadd.s32 $0xFFFFE000  }
0x85: {  	[tilespmem:s7], [sflag:$0x4] =	stream.indirect.gather [hbm4b:s1+s31], $0x40, s20, s31, $0xb8;
	[tilespmem:$0x1F980] =	vst v63  }
0x86: {  	_ =	swait.ge [sflag:s24], $0x2000  }
0x87: {  	[sflag:s24] =	ssyncset.done $0x0  }
0x88: {  	s15 =	simm.s32 $0x9A20;
	[sflag:s24] =	ssyncadd.s32 $0xFFFFE000  }
0x89: {  	[spmem:s3] =	stream.indirect.scatter.add.f32 [tilespmem:s2], [sflag:$0x5], $0x40, s15, s31, $0xb8;
	[tilespmem:$0x1F980] =	vst v63  }
0x8a: {  	_ =	swait.ge [sflag:s25], $0x2000  }
0x8b: {  	[sflag:s25] =	ssyncset.done $0x0  }
0x8c: {  	s20 =	simm.s32 $0x9AA0;
	[sflag:s25] =	ssyncadd.s32 $0xFFFFE000  }
0x8d: {  	[spmem:s3] =	stream.indirect.scatter.add.f32 [tilespmem:s0], [sflag:$0x6], $0x40, s20, s31, $0xb8;
	[tilespmem:$0x1F980] =	vst v63  }
0x8e: {  	_ =	swait.ge [sflag:s26], $0x2000  }
0x8f: {  	[sflag:s26] =	ssyncset.done $0x0  }
0x90: {  	s16 =	simm.s32 $0x9B20;
	[sflag:s26] =	ssyncadd.s32 $0xFFFFE000  }
0x91: {  	[spmem:s3] =	stream.indirect.scatter.add.f32 [tilespmem:s21], [sflag:$0x7], $0x40, s16, s31, $0xb8;
	[tilespmem:$0x1F980] =	vst v63  }
0x92: {  	_ =	swait.ge [sflag:s28], $0x2000  }
0x93: {  	[sflag:s28] =	ssyncset.done $0x0  }
0x94: {  	s20 =	simm.s32 $0x9BA0;
	[sflag:s28] =	ssyncadd.s32 $0xFFFFE000  }
0x95: {  	[spmem:s3] =	stream.indirect.scatter.add.f32 [tilespmem:s7], [sflag:$0x8], $0x40, s20, s31, $0xb8;
	[tilespmem:$0x1F980] =	vst v63  }
0x96: {  	_ =	swait.ge [sflag:s29], $0x2000  }
0x97: {  	[sflag:s29] =	ssyncset.done $0x0  }
0x98: {  	[sflag:s29] =	ssyncadd.s32 $0xFFFFE000  }
0x99: {  	_ =	swait.ge [sflag:s30], $0x2000  }
0x9a: {  	[sflag:s30] =	ssyncset.done $0x0  }
0x9b: {  	[sflag:s30] =	ssyncadd.s32 $0xFFFFE000  }
0x9c: {  	_ =	swait.ge [sflag:s8], $0x2000  }
0x9d: {  	[sflag:s8] =	ssyncset.done $0x0  }
0x9e: {  	[sflag:s8] =	ssyncadd.s32 $0xFFFFE000  }
0x9f: {  	_ =	swait.ge [sflag:s9], $0x2000  }
0xa0: {  	[sflag:s9] =	ssyncset.done $0x0  }
0xa1: {  	s20 =	simm.s32 $0x4E00;
	[sflag:s9] =	ssyncadd.s32 $0xFFFFE000  }
0xa2: {  	[tilespmem:s2], [sflag:$0x1] =	stream.indirect.gather [hbm4b:s1+s10], $0x40, s20, s10, $0xb8;
	[tilespmem:$0x1F980] =	vst v63  }
0xa3: {  	_ =	swait.ge [sflag:s24], $0x800  }
0xa4: {  	[sflag:s24] =	ssyncset.done $0x0  }
0xa5: {  	[sflag:s24] =	ssyncadd.s32 $0xFFFFF800  }
0xa6: {  	[spmem:s3] =	stream.indirect.scatter.add.f32 [tilespmem:s2], [sflag:$0x5], $0x40, s22, s10, $0xb8;
	[tilespmem:$0x1F980] =	vst v63  }
0xa7: {  	_ =	swait.ge [sflag:s29], $0x800  }
0xa8: {  	[sflag:s29] =	ssyncset.done $0x0  }
0xa9: {  	[sflag:s29] =	ssyncadd.s32 $0xFFFFF800  }
0xaa: {  	[bflag:$0x0] =	sbarrier.arrive $0xFFFF  }
0xab: {  	[tilespmem:s11], [sflag:$0x9] =	stream.linear.gather [spmem:s17], $0x1F40, $0x38;
	[tilespmem:$0x1F980] =	vst v63  }
0xac: {  	_ =	swait.ge [sflag:s6], $0x1F40  }
0xad: {  	[sflag:s6] =	ssyncset.done $0x0  }
0xae: {  	[sflag:s6] =	ssyncadd.s32 $0xFFFFE0C0  }
0xaf: {  	[hbm4b:s5+s12] =	stream.indirect.scatter [tilespmem:s11], [sflag:$0x5], $0x40, s23, s12, $0xb8;
	[tilespmem:$0x1F980] =	vst v63  }
0xb0: {  	s16 =	rddreg [dreg:$0xb]  }
0xb1: {  	[tilespmem:s13], [sflag:$0x9] =	stream.linear.gather [spmem:s16], $0x1F40, $0x38;
	[tilespmem:$0x1F980] =	vst v63  }
0xb2: {  	_ =	swait.ge [sflag:s6], $0x1F40  }
0xb3: {  	[sflag:s6] =	ssyncset.done $0x0  }
0xb4: {  	s16 =	simm.s32 $0x9CC0;
	[sflag:s6] =	ssyncadd.s32 $0xFFFFE0C0  }
0xb5: {  	[hbm4b:s5+s12] =	stream.indirect.scatter [tilespmem:s13], [sflag:$0x6], $0x40, s16, s12, $0xb8;
	[tilespmem:$0x1F980] =	vst v63  }
0xb6: {  	_ =	swait.ge [sflag:s29], $0x1F40  }
0xb7: {  	[sflag:s29] =	ssyncset.done $0x0  }
0xb8: {  	s16 =	rddreg [dreg:$0xc];
	[sflag:s29] =	ssyncadd.s32 $0xFFFFE0C0  }
0xb9: {  	[tilespmem:s11], [sflag:$0x9] =	stream.linear.gather [spmem:s16], $0x1F40, $0x38;
	[tilespmem:$0x1F980] =	vst v63  }
0xba: {  	_ =	swait.ge [sflag:s6], $0x1F40  }
0xbb: {  	[sflag:s6] =	ssyncset.done $0x0  }
0xbc: {  	s16 =	simm.s32 $0x9D40;
	[sflag:s6] =	ssyncadd.s32 $0xFFFFE0C0  }
0xbd: {  	[hbm4b:s5+s12] =	stream.indirect.scatter [tilespmem:s11], [sflag:$0x5], $0x40, s16, s12, $0xb8;
	[tilespmem:$0x1F980] =	vst v63  }
0xbe: {  	_ =	swait.ge [sflag:s30], $0x1F40  }
0xbf: {  	[sflag:s30] =	ssyncset.done $0x0  }
0xc0: {  	s16 =	rddreg [dreg:$0xd];
	[sflag:s30] =	ssyncadd.s32 $0xFFFFE0C0  }
0xc1: {  	[tilespmem:s13], [sflag:$0x9] =	stream.linear.gather [spmem:s16], $0x1F40, $0x38;
	[tilespmem:$0x1F980] =	vst v63  }
0xc2: {  	_ =	swait.ge [sflag:s6], $0x1F40  }
0xc3: {  	[sflag:s6] =	ssyncset.done $0x0  }
0xc4: {  	s16 =	simm.s32 $0x9DC0;
	[sflag:s6] =	ssyncadd.s32 $0xFFFFE0C0  }
0xc5: {  	[hbm4b:s5+s12] =	stream.indirect.scatter [tilespmem:s13], [sflag:$0x6], $0x40, s16, s12, $0xb8;
	[tilespmem:$0x1F980] =	vst v63  }
0xc6: {  	_ =	swait.ge [sflag:s29], $0x1F40  }
0xc7: {  	[sflag:s29] =	ssyncset.done $0x0  }
0xc8: {  	s16 =	rddreg [dreg:$0xe];
	[sflag:s29] =	ssyncadd.s32 $0xFFFFE0C0  }
0xc9: {  	[tilespmem:s11], [sflag:$0x9] =	stream.linear.gather [spmem:s16], $0x1F40, $0x38;
	[tilespmem:$0x1F980] =	vst v63  }
0xca: {  	_ =	swait.ge [sflag:s6], $0x1F40  }
0xcb: {  	[sflag:s6] =	ssyncset.done $0x0  }
0xcc: {  	s14 =	sadd.s32 $0x1, s14;
	s16 =	simm.s32 $0x9E40;
	[sflag:s6] =	ssyncadd.s32 $0xFFFFE0C0  }
0xcd: {  	[hbm4b:s5+s12] =	stream.indirect.scatter [tilespmem:s11], [sflag:$0x5], $0x40, s16, s12, $0xb8;
	[tilespmem:$0x1F980] =	vst v63  }
0xce: {  	p0 =	sne.s32 s14, s18;
	_ =	swait.ge [sflag:s29], $0x1F40  }
.Ltmp1:
0xcf: {  	[sflag:s29] =	ssyncset.done $0x0;
	(pc) =	sbr.rel @p0 .LBB2_1-.Ltmp1, $4  }
0xd0: {  	[sflag:s29] =	ssyncadd.s32 $0xFFFFE0C0  }
0xd1: {  	_ =	swait.ge [sflag:s30], $0x1F40  }
0xd2: {  	[sflag:s30] =	ssyncset.done $0x0  }
0xd3: {  	[sflag:s30] =	ssyncadd.s32 $0xFFFFE0C0  }
0xd4: {  	_ =	sfence.sel $0x180000  }
0xd5: {  	[bflag:$0x0] =	sbarrier.arrive $0xFFFF  }
0xd6: {  	_ =	strace $0x9000004A  }
0xd7: {  	s0 =	stileid.u32;
	[bflag:$0x2] =	sbarrier.arrive $0xFFFF  }
0xd8: {  	p0 =	sne.s32 s0, $0x0;
	s0 =	rddreg [dreg:$0x3]  }
0xd9: {  	s0 =	sadd.s32 @!p0 $0x100000, s0  }
0xda: {  	[sflag:s0] =	ssyncadd.tile.s32 @!p0 $0x1;
	_ =	shalt  }
.Lfunc_end2:
_tile_overlayer_lowered:
.L_overlay_start_2:
0xdb: {  	(tag) =	ssettag $0x2  }
0xdc: {  	s0 =	rddreg [dreg:$0x0];
	s2 =	stileid.u32  }
0xdd: {  	s1 =	rddreg [dreg:$0x1];
	p0 =	sne.s32 s2, $0x0  }
0xde: {  	s3 =	rddreg [dreg:$0x2];
	[bflag:$0x3] =	sbarrier.arrive $0xFFFF;
	s2 =	simm.s32 @!p0 $0x1C09  }
0xdf: {  	[timem:s3], [sflag:s2] =	dma.local @!p0 [hbm:s0], s1  }
0xe0: {  	s0 =	simm.s32 @!p0 $0x9  }
0xe1: {  	_ =	swait.ge @!p0 [sflag:s0], s1  }
0xe2: {  	s1 =	ssub.s32 @!p0 $0x0, s1;
	[sflag:s0] =	ssyncset.done @!p0 $0x0  }
0xe3: {  	[sflag:s0] =	ssyncadd.s32 @!p0 s1  }
0xe4: {  	[bflag:$0x3] =	sbarrier.arrive $0xFFFF  }
0xe5: {  	_ =	shalt  }

// kernel: kernel.14.cloned.1.call-start
scs
__scs_entry_jumppad:
0x0: {  	(pc) =	sbr.rel $0x88, $3  }
0x1: {  	(tag) =	ssettag $0x0;
	lr =	simm.s32 $0x1  }
0x2: {  	[smem:$0x3F9B] =	sst lr;
	_ =	strace $0xD0000000  }
0x3: {  	_ = 	snop  }
0x4: {  	_ = 	snop  }
0x5: {  	_ = 	snop  }
0x6: {  	_ = 	snop  }
0x7: {  	_ = 	snop  }
__scs_overlays_trampoline_lowered:
0x8: {  	[smem:$0x3FAA] =	sst s0  }
0x9: {  	[smem:$0x3FAB] =	sst s1  }
0xa: {  	[smem:$0x3FAC] =	sst s2  }
0xb: {  	[smem:$0x3FAD] =	sst s3  }
0xc: {  	[smem:$0x3FAE] =	sst s4  }
0xd: {  	[smem:$0x3FAF] =	sst s5  }
0xe: {  	[smem:$0x3FB0] =	sst s6  }
0xf: {  	[smem:$0x3FB1] =	sst s7  }
0x10: {  	[smem:$0x3FB2] =	sst s8  }
0x11: {  	[smem:$0x3FB3] =	sst s9;
	s0 =	simm.s32 @!p0 $0x0  }
0x12: {  	s1 =	sld [smem:$0x3F99];
	s0 =	simm.s32 @p0 $0x1  }
0x13: {  	[smem:$0x3FB4] =	sst s0;
	s0 =	simm.s32 @!p1 $0x0  }
0x14: {  	s2 =	sld [smem:$0x3F98];
	s0 =	simm.s32 @p1 $0x1  }
0x15: {  	[smem:$0x3FB5] =	sst s0;
	s0 =	simm.s32 @!p2 $0x0  }
0x16: {  	s3 =	sld [smem:$0x3FDB];
	s0 =	simm.s32 @p2 $0x1  }
0x17: {  	s4 =	simm.s32 $0x1BF5;
	[smem:$0x3FB7] =	sst s0  }
0x18: {  	s0 =	sld [smem:$0x3F9A];
	_ =	swait.ge [sflag:s4], $0x0  }
0x19: {  	s7 =	sld [smem:$0x3F9B]  }
0x1a: {  	s8 =	sadd.s32 $0xFFFFE003, lr  }
0x1b: {  	s9 =	sadd.s32 $0xFFFFFEF7, lr;
	s5 =	simm.s32 $0xFFFFFFFF;
	p2 =	slt.u32 s8, $0xFFFFF086  }
0x1c: {  	p1 =	slt.u32 s9, $0xF7A;
	s5 =	simm.s32 @!p2 $0x0  }
0x1d: {  	s5 =	simm.s32 @p1 $0x1;
	p0 =	seq.s32 s7, s2  }
0x1e: {  	s7 =	smul.u32 @!p0 $0xF7A, s2;
	p2 =	seq.s32 @!p0 s5, $0x0  }
0x1f: {  	s9 =	smul.u32 $0xF7A, s1;
	s8 =	simm.s32 @!p0 $0x1BF5;
	p2 =	por !p2, p0  }
0x20: {  	[sflag:s8] =	ssyncset.s32 @!p0 $0xFFFFF086;
	s6 =	sadd.s32 @!p0 s3, s7;
	s7 =	simm.s32 @!p0 $0x108  }
0x21: {  	s3 =	sadd.s32 s3, s9;
	s6 =	sadd.s32 @!p0 $0x88, s6;
	s7 =	simm.s32 @p2 $0x1082  }
0x22: {  	[simem:s7], [sflag:s8] =	dma.local @!p0 [hbm:s6], $0xF7A  }
0x23: {  	s9 =	sor.u32 $0xD0000000, s2;
	s6 =	simm.s32 $0x108;
	_ =	swait.ge @!p0 [sflag:s8], $0x0  }
0x24: {  	s3 =	sadd.s32 $0x88, s3;
	s6 =	simm.s32 @!p1 $0x1082;
	[sflag:s4] =	ssyncset.s32 $0xFFFFF086  }
0x25: {  	[simem:s6], [sflag:s4] =	dma.local [hbm:s3], $0xF7A  }
0x26: {  	[smem:$0x3F9B] =	sst s1;
	(tag) =	ssettag s2;
	_ =	strace s9  }
0x27: {  	s1 =	sld [smem:$0x3FAB]  }
0x28: {  	s2 =	sld [smem:$0x3FAC]  }
0x29: {  	s4 =	sld [smem:$0x3FAE]  }
0x2a: {  	p0 =	seq.s32 s5, $0x0;
	s5 =	sld [smem:$0x3FAF]  }
0x2b: {  	s6 =	sld [smem:$0x3FB0]  }
0x2c: {  	s7 =	sld [smem:$0x3FB1]  }
0x2d: {  	s3 =	simm.s32 $0x108;
	s8 =	sld [smem:$0x3FB2]  }
0x2e: {  	s3 =	simm.s32 @!p0 $0x1082;
	s9 =	sld [smem:$0x3FB3]  }
0x2f: {  	lr =	sadd.s32 s0, s3;
	s0 =	sld [smem:$0x3FAA]  }
0x30: {  	s3 =	sld [smem:$0x3FAD]  }
0x31: {  	[smem:$0x3FB6] =	sst s10  }
0x32: {  	s10 =	sld [smem:$0x3FB4];
	_ =	sdelay $0x3  }
0x33: {  	p0 =	seq.s32 s10, $0x1;
	s10 =	sld [smem:$0x3FB6];
	_ =	sdelay $0x3  }
0x34: {  	[smem:$0x3FB6] =	sst s10  }
0x35: {  	s10 =	sld [smem:$0x3FB5];
	_ =	sdelay $0x3  }
0x36: {  	p1 =	seq.s32 s10, $0x1;
	s10 =	sld [smem:$0x3FB6];
	_ =	sdelay $0x3  }
0x37: {  	[smem:$0x3FB6] =	sst s10  }
0x38: {  	s10 =	sld [smem:$0x3FB7]  }
0x39: {  	_ = 	snop;
	(pc) =	sbr.ind lr, $3  }
0x3a: {  	_ = 	snop  }
0x3b: {  	_ = 	snop  }
0x3c: {  	p2 =	seq.s32 s10, $0x1;
	s10 =	sld [smem:$0x3FB6]  }
0x3d: {  	_ =	shalt  }
0x3e: {  	_ =	shalt  }
0x3f: {  	_ =	shalt  }
0x40: {  	_ =	shalt  }
0x41: {  	_ =	shalt  }
0x42: {  	_ =	shalt  }
0x43: {  	_ =	shalt  }
0x44: {  	_ =	shalt  }
0x45: {  	_ =	shalt  }
0x46: {  	_ =	shalt  }
0x47: {  	_ =	shalt  }
0x48: {  	_ =	shalt  }
0x49: {  	_ =	shalt  }
0x4a: {  	_ =	shalt  }
0x4b: {  	_ =	shalt  }
0x4c: {  	_ =	shalt  }
0x4d: {  	_ =	shalt  }
0x4e: {  	_ =	shalt  }
0x4f: {  	_ =	shalt  }
0x50: {  	_ =	shalt  }
0x51: {  	_ =	shalt  }
0x52: {  	_ =	shalt  }
0x53: {  	_ =	shalt  }
0x54: {  	_ =	shalt  }
0x55: {  	_ =	shalt  }
0x56: {  	_ =	shalt  }
0x57: {  	_ =	shalt  }
0x58: {  	_ =	shalt  }
0x59: {  	_ =	shalt  }
0x5a: {  	_ =	shalt  }
0x5b: {  	_ =	shalt  }
0x5c: {  	_ =	shalt  }
0x5d: {  	_ =	shalt  }
0x5e: {  	_ =	shalt  }
0x5f: {  	_ =	shalt  }
0x60: {  	_ =	shalt  }
0x61: {  	_ =	shalt  }
0x62: {  	_ =	shalt  }
0x63: {  	_ =	shalt  }
0x64: {  	_ =	shalt  }
0x65: {  	_ =	shalt  }
0x66: {  	_ =	shalt  }
0x67: {  	_ =	shalt  }
0x68: {  	_ =	shalt  }
0x69: {  	_ =	shalt  }
0x6a: {  	_ =	shalt  }
0x6b: {  	_ =	shalt  }
0x6c: {  	_ =	shalt  }
0x6d: {  	_ =	shalt  }
0x6e: {  	_ =	shalt  }
0x6f: {  	_ =	shalt  }
0x70: {  	_ =	shalt  }
0x71: {  	_ =	shalt  }
0x72: {  	_ =	shalt  }
0x73: {  	_ =	shalt  }
0x74: {  	_ =	shalt  }
0x75: {  	_ =	shalt  }
0x76: {  	_ =	shalt  }
0x77: {  	_ =	shalt  }
0x78: {  	_ =	shalt  }
0x79: {  	_ =	shalt  }
0x7a: {  	_ =	shalt  }
0x7b: {  	_ =	shalt  }
0x7c: {  	_ =	shalt  }
0x7d: {  	_ =	shalt  }
0x7e: {  	_ =	shalt  }
0x7f: {  	_ =	shalt  }
0x80: {  	_ =	shalt  }
0x81: {  	_ =	shalt  }
0x82: {  	_ =	shalt  }
0x83: {  	_ =	shalt  }
0x84: {  	_ =	shalt  }
0x85: {  	_ =	shalt  }
0x86: {  	_ =	shalt  }
0x87: {  	_ =	shalt  }
.Lfunc_end0:
.L_simem_size_0:
called_computation.2_lowered:
.L_overlay_start_0:
0x88: {  	s2 =	sld [smem:$0x3FD9]  }
0x89: {  	s3 =	sld [smem:$0x3FFE];
	_ =	sdelay $0x1  }
0x8a: {  	s1 =	srdreg.scid  }
0x8b: {  	s0 =	sand.u32 $0x1, s1  }
0x8c: {  	s17 =	sshll.u32 s0, $0xA;
	s2 =	sadd.s32 s3, s2  }
0x8d: {  	s2 =	sadd.s32 s2, s17  }
0x8e: {  	[smem:$0x3FC2] =	sst s2  }
0x8f: {  	_ = 	snop  }
0x90: {  	s2 =	sld [smem:$0x3FD0];
	(tm) =	ssettm $0x1  }
0x91: {  	s18 =	sld [smem:$0x3FFB];
	_ =	sdelay $0x3  }
0x92: {  	_ =	strace s18  }
0x93: {  	s3 =	sld [smem:$0x3FFC];
	_ =	sdelay $0x3  }
0x94: {  	_ =	strace s3  }
0x95: {  	s3 =	sld [smem:$0x3FFD];
	_ =	sdelay $0x3  }
0x96: {  	_ =	strace s3  }
0x97: {  	_ =	strace $0x8FFFFFFF  }
0x98: {  	s19 =	sld [smem:$0x3FDB];
	_ =	sdelay $0x1  }
0x99: {  	s4 =	simm.s32 $_scs_section_size  }
0x9a: {  	s5 =	simm.s32 $_size__tile_overlayer_lowered;
	s6 =	simm.s32 $_tile_overlayer_lowered  }
0x9b: {  	s22 =	simm.s32 $0x1BFF;
	s21 =	sshll.u32 s6, $0x1;
	s3 =	sadd.s32 s4, s19  }
0x9c: {  	s7 =	simm.s32 $0x0;
	s20 =	sshll.u32 s5, $0x1;
	s5 =	sadd.s32 s21, s3  }
0x9d: {  	[timem:s7], [sflag:s22] =	dma.local [hbm:s5], s20  }
0x9e: {  	_ =	swait.ge [sflag:s22], s20  }
0x9f: {  	s4 =	ssub.s32 $0x0, s20;
	[sflag:s22] =	ssyncset.done $0x0  }
0xa0: {  	[sflag:s22] =	ssyncadd.s32 s4;
	_ =	sdelay $0x1  }
0xa1: {  	s23 =	simm.s32 $0x1B8B  }
0xa2: {  	_ =	swait.ge [sflag:s23], $0x1  }
0xa3: {  	[sflag:s23] =	ssyncset.done $0x0  }
0xa4: {  	s25 =	simm.s32 $0x1B8E;
	s24 =	sld [smem:$0x3FFE];
	[sflag:s23] =	ssyncadd.s32 $0xFFFFFFFF  }
0xa5: {  	s26 =	simm.s32 $execute0_lowered;
	[smem:$0x3FD2] =	sst s25  }
0xa6: {  	s5 =	sshll.u32 s26, $0x1;
	_ =	strace $0x8000004C;
	[dreg:$0x1] =	wrdreg $0xFFFFFFFF  }
0xa7: {  	s28 =	simm.s32 $_size_execute0_lowered;
	s3 =	sadd.s32 s3, s5;
	[dreg:$0x0] =	wrdreg $0x0  }
0xa8: {  	s5 =	sshll.u32 s28, $0x1;
	[dreg:$0x2] =	wrdreg s3  }
0xa9: {  	[dreg:$0x3] =	wrdreg s5  }
0xaa: {  	[dreg:$0x4] =	wrdreg $0xC0  }
0xab: {  	_ =	task [dreg:s7], $0x5FFFF  }
0xac: {  	[dreg:$0x1] =	wrdreg $0xFFFFFFFF  }
0xad: {  	[dreg:$0x0] =	wrdreg $0x60  }
0xae: {  	[dreg:$0x2] =	wrdreg s2  }
0xaf: {  	[dreg:$0x3] =	wrdreg s24  }
0xb0: {  	[dreg:$0x4] =	wrdreg $0x15D400  }
0xb1: {  	[dreg:$0x5] =	wrdreg $0x9  }
0xb2: {  	_ =	task.clear_ibuf [dreg:s7], $0x6FFFF;
	_ =	strace $0x9000004C  }
0xb3: {  	s29 =	simm.s32 $0x9;
	_ =	strace $0x8000004E  }
0xb4: {  	_ =	swait.ge [sflag:s29], $0x1  }
0xb5: {  	[sflag:s29] =	ssyncadd.s32 $0xFFFFFFFF  }
0xb6: {  	_ =	strace $0x9000004E  }
0xb7: {  	_ =	sfence  }
0xb8: {  	s30 =	sld [smem:$0x0];
	_ =	sdelay $0x2  }
0xb9: {  	s31 =	sshll.u32 s1, $0xD;
	s1 =	sshrl.u32 s1, $0x2  }
0xba: {  	s3 =	sand.u32 $0x4000, s31;
	s1 =	sadd.s32 s1, s30  }
0xbb: {  	s0 =	sor.u32 s3, s0;
	s1 =	sshll.u32 s1, $0x11  }
0xbc: {  	s0 =	sor.u32 s1, s0  }
0xbd: {  	s0 =	sadd.s32 $0x8F2B, s0  }
0xbe: {  	[sflag:s0] =	ssyncadd.remote.s32 $0x1  }
0xbf: {  	_ =	sfence.sel $0xFFFF  }
0xc0: {  	[dreg:$0x0] =	wrdreg $0xFFFFFFFF;
	(pc) =	sbr.abs _section_cstart, $3  }
0xc1: {  	[dreg:$0x1] =	wrdreg $0xFFFFFFFF  }
0xc2: {  	_ =	task.clear_ibuf [dreg:s7], $0x2FFFF;
	_ =	strace $0x9FFFFFFF  }
0xc3: {  	(tm) =	ssettm $0x7FFFFFFF  }
tec
execute0_lowered:
.L_overlay_start_1:
0x0: {  	(tag) =	ssettag $0x1  }
0x1: {  	s1 =	rddreg [dreg:$0x0]  }
0x2: {  	s0 =	rddreg [dreg:$0x1];
	s2 =	srdreg.scid  }
0x3: {  	s13 =	stileid.u32;
	s3 =	rddreg [dreg:$0x2];
	s4 =	simm.s32 $0x0  }
0x4: {  	s28 =	simm.s32 $0x4;
	s29 =	simm.s32 $0x5;
	s5 =	smul.u32 $0x4E00, s13  }
0x5: {  	s30 =	simm.s32 $0x6;
	s31 =	simm.s32 $0x80;
	s7 =	smul.u32 $0x9C40, s13  }
0x6: {  	s2 =	sand.u32 $0x1, s2;
	[smem:$0x7FF] =	sst s4;
	s9 =	smul.u32 $0x280, s13  }
0x7: {  	s24 =	sshll.u32 s13, $0x2;
	s18 =	sshll.u32 s13, $0x6;
	s19 =	smul.u32 $0x27100, s13  }
0x8: {  	s13 =	simm.s32 $0xBE00;
	s6 =	smul.u32 $0x4E000, s2;
	_ =	strace $0x8000004D  }
0x9: {  	s8 =	smul.u32 $0x2800, s2;
	s11 =	sadd.s32 s24, s0;
	s15 =	ssub.s32 $0x2, s2  }
0xa: {  	s2 =	sshll.u32 s2, $0x6;
	s25 =	sshrl.u32 s7, $0x3;
	s16 =	sshrl.u32 s15, $0x1  }
0xb: {  	s2 =	sadd.s32 s2, s11;
	s21 =	sshrl.u32 s19, $0x2;
	s22 =	sadd.s32 $0x4800, s11  }
0xc: {  	s11 =	simm.s32 $0x9EC0;
	s6 =	sadd.s32 s5, s6;
	s5 =	sshrl.u32 s5, $0x3  }
0xd: {  	s8 =	sadd.s32 s9, s8;
	s26 =	sadd.s32 s25, s0;
	s2 =	sadd.s32 $0x21E00, s2  }
0xe: {  	[dreg:$0x9] =	wrdreg s22;
	s22 =	simm.s32 $0x9C20;
	s9 =	simm.s32 $0x8  }
0xf: {  	s6 =	sshrl.u32 s6, $0x3;
	s10 =	sadd.s32 s5, s0;
	s14 =	sshrl.u32 s8, $0x3  }
0x10: {  	s5 =	sadd.s32 $0x40000, s0;
	s17 =	sadd.s32 $0x2C600, s26;
	[dreg:$0x7] =	wrdreg s2  }
0x11: {  	s2 =	sadd.s32 s21, s3;
	s21 =	simm.s32 $0x11D40;
	s12 =	sadd.s32 s14, s0  }
0x12: {  	s14 =	sadd.s32 s7, s3;
	[dreg:$0x4] =	wrdreg s17;
	s7 =	sor.u32 $0x1C01, s18  }
0x13: {  	s8 =	simm.s32 $0x7;
	s20 =	sadd.s32 $0x22A00, s10;
	[dreg:$0x5] =	wrdreg s7  }
0x14: {  	s6 =	sadd.s32 s6, s0;
	s24 =	sadd.s32 $0x1F40, s2;
	[dreg:$0x8] =	wrdreg s20  }
0x15: {  	s0 =	ssub.s32 s15, s16;
	s25 =	sadd.s32 $0x3E80, s2;
	[dreg:$0xb] =	wrdreg s24  }
0x16: {  	s26 =	sadd.s32 $0x5DC0, s2;
	s2 =	sadd.s32 $0x7D00, s2;
	[dreg:$0xc] =	wrdreg s25  }
0x17: {  	s10 =	simm.s32 $0x20;
	s6 =	sadd.s32 $0xE600, s6;
	[dreg:$0xd] =	wrdreg s26  }
0x18: {  	s23 =	sadd.s32 $0x22000, s12;
	[dreg:$0xe] =	wrdreg s2;
	s18 =	smax.u32 s0, $0x1  }
0x19: {  	s17 =	smov.u32 s14;
	s19 =	sshrl.u32 s14, $0x3;
	s20 =	simm.s32 $0x4E00  }
0x1a: {  	s24 =	simm.s32 $0x1;
	s25 =	simm.s32 $0x2;
	s26 =	simm.s32 $0x3  }
0x1b: {  	s2 =	simm.s32 $0xDD40;
	s0 =	simm.s32 $0xFD40;
	s7 =	simm.s32 $0x13D40  }
0x1c: {  	s12 =	simm.s32 $0x7D;
	s14 =	simm.s32 $0x0;
	[dreg:$0x6] =	wrdreg s6  }
0x1d: {  	[dreg:$0xa] =	wrdreg s23;
	s23 =	simm.s32 $0x9C40;
	s6 =	simm.s32 $0x9  }
.LBB2_1:
0x1e: {  	s15 =	rddreg [dreg:$0x4]  }
0x1f: {  	s16 =	rddreg [dreg:$0x5]  }
0x20: {  	[spmem:s19], [sflag:s16] =	dma.local [hbm:s15], $0x1388  }
0x21: {  	s15 =	rddreg [dreg:$0x6]  }
0x22: {  	[tilespmem:s4], [sflag:$0x2] =	stream.linear.gather [hbm4b:s15+s4], $0x4E00, $0x38;
	[tilespmem:$0x1F980] =	vst v63  }
0x23: {  	s16 =	rddreg [dreg:$0x7]  }
0x24: {  	[tilespmem:s20], [sflag:$0x3] =	stream.linear.gather [hbm4b:s16+s4], $0x20, $0x38;
	[tilespmem:$0x1F980] =	vst v63  }
0x25: {  	s16 =	rddreg [dreg:$0x8];
	s20 =	simm.s32 $0x4E20  }
0x26: {  	[tilespmem:s20], [sflag:$0x4] =	stream.linear.gather [hbm4b:s16+s4], $0x4E00, $0x38;
	[tilespmem:$0x1F980] =	vst v63  }
0x27: {  	s20 =	rddreg [dreg:$0x9]  }
0x28: {  	[tilespmem:s22], [sflag:$0x5] =	stream.linear.gather [hbm4b:s20+s4], $0x20, $0x38;
	[tilespmem:$0x1F980] =	vst v63  }
0x29: {  	s16 =	rddreg [dreg:$0xa]  }
0x2a: {  	[tilespmem:s23], [sflag:$0x6] =	stream.linear.gather [hbm4b:s16+s4], $0x280, $0x38;
	[tilespmem:$0x1F980] =	vst v63  }
0x2b: {  	_ =	swait.ge [sflag:s24], $0x1388  }
0x2c: {  	[sflag:s24] =	ssyncset.done $0x0  }
0x2d: {  	[sflag:s24] =	ssyncadd.s32 $0xFFFFEC78  }
0x2e: {  	_ =	swait.ge [sflag:s25], $0x4E00  }
0x2f: {  	[sflag:s25] =	ssyncset.done $0x0  }
0x30: {  	[sflag:s25] =	ssyncadd.s32 $0xFFFFB200  }
0x31: {  	_ =	swait.ge [sflag:s26], $0x20  }
0x32: {  	[sflag:s26] =	ssyncset.done $0x0  }
0x33: {  	[sflag:s26] =	ssyncadd.s32 $0xFFFFFFE0  }
0x34: {  	_ =	swait.ge [sflag:s28], $0x4E00  }
0x35: {  	[sflag:s28] =	ssyncset.done $0x0  }
0x36: {  	[sflag:s28] =	ssyncadd.s32 $0xFFFFB200  }
0x37: {  	_ =	swait.ge [sflag:s29], $0x20  }
0x38: {  	[sflag:s29] =	ssyncset.done $0x0  }
0x39: {  	[sflag:s29] =	ssyncadd.s32 $0xFFFFFFE0  }
0x3a: {  	_ =	swait.ge [sflag:s30], $0x280  }
0x3b: {  	[sflag:s30] =	ssyncset.done $0x0  }
0x3c: {  	[sflag:s30] =	ssyncadd.s32 $0xFFFFFD80  }
0x3d: {  	[bflag:$0x0] =	sbarrier.arrive $0xFFFF  }
0x3e: {  	[tilespmem:s2], [sflag:$0x1] =	stream.indirect.gather [hbm4b:s1+s31], $0x40, s4, s31, $0xb8;
	[tilespmem:$0x1F980] =	vst v63  }
0x3f: {  	_ = 	snop  }
0x40: {  	[tilespmem:s0], [sflag:$0x2] =	stream.indirect.gather [hbm4b:s1+s31], $0x40, s31, s31, $0xb8;
	[tilespmem:$0x1F980] =	vst v63  }
0x41: {  	s20 =	simm.s32 $0x100  }
0x42: {  	[tilespmem:s21], [sflag:$0x3] =	stream.indirect.gather [hbm4b:s1+s31], $0x40, s20, s31, $0xb8;
	[tilespmem:$0x1F980] =	vst v63  }
0x43: {  	s16 =	simm.s32 $0x180  }
0x44: {  	[tilespmem:s7], [sflag:$0x4] =	stream.indirect.gather [hbm4b:s1+s31], $0x40, s16, s31, $0xb8;
	[tilespmem:$0x1F980] =	vst v63  }
0x45: {  	_ =	swait.ge [sflag:s24], $0x2000  }
0x46: {  	[sflag:s24] =	ssyncset.done $0x0  }
0x47: {  	s20 =	simm.s32 $0x4E20;
	[sflag:s24] =	ssyncadd.s32 $0xFFFFE000  }
0x48: {  	[spmem:s3] =	stream.indirect.scatter.add.f32 [tilespmem:s2], [sflag:$0x5], $0x40, s20, s31, $0xb8;
	[tilespmem:$0x1F980] =	vst v63  }
0x49: {  	_ =	swait.ge [sflag:s25], $0x2000  }
0x4a: {  	[sflag:s25] =	ssyncset.done $0x0  }
0x4b: {  	s16 =	simm.s32 $0x4EA0;
	[sflag:s25] =	ssyncadd.s32 $0xFFFFE000  }
0x4c: {  	[spmem:s3] =	stream.indirect.scatter.add.f32 [tilespmem:s0], [sflag:$0x6], $0x40, s16, s31, $0xb8;
	[tilespmem:$0x1F980] =	vst v63  }
0x4d: {  	_ =	swait.ge [sflag:s26], $0x2000  }
0x4e: {  	[sflag:s26] =	ssyncset.done $0x0  }
0x4f: {  	s20 =	simm.s32 $0x4F20;
	[sflag:s26] =	ssyncadd.s32 $0xFFFFE000  }
0x50: {  	[spmem:s3] =	stream.indirect.scatter.add.f32 [tilespmem:s21], [sflag:$0x7], $0x40, s20, s31, $0xb8;
	[tilespmem:$0x1F980] =	vst v63  }
0x51: {  	_ =	swait.ge [sflag:s28], $0x2000  }
0x52: {  	[sflag:s28] =	ssyncset.done $0x0  }
0x53: {  	s16 =	simm.s32 $0x4FA0;
	[sflag:s28] =	ssyncadd.s32 $0xFFFFE000  }
0x54: {  	[spmem:s3] =	stream.indirect.scatter.add.f32 [tilespmem:s7], [sflag:$0x8], $0x40, s16, s31, $0xb8;
	[tilespmem:$0x1F980] =	vst v63  }
0x55: {  	_ =	swait.ge [sflag:s29], $0x2000  }
0x56: {  	[sflag:s29] =	ssyncset.done $0x0  }
0x57: {  	s20 =	simm.s32 $0x200;
	[sflag:s29] =	ssyncadd.s32 $0xFFFFE000  }
0x58: {  	[tilespmem:s2], [sflag:$0x1] =	stream.indirect.gather [hbm4b:s1+s31], $0x40, s20, s31, $0xb8;
	[tilespmem:$0x1F980] =	vst v63  }
0x59: {  	_ =	swait.ge [sflag:s30], $0x2000  }
0x5a: {  	[sflag:s30] =	ssyncset.done $0x0  }
0x5b: {  	s16 =	simm.s32 $0x280;
	[sflag:s30] =	ssyncadd.s32 $0xFFFFE000  }
0x5c: {  	[tilespmem:s0], [sflag:$0x2] =	stream.indirect.gather [hbm4b:s1+s31], $0x40, s16, s31, $0xb8;
	[tilespmem:$0x1F980] =	vst v63  }
0x5d: {  	_ =	swait.ge [sflag:s8], $0x2000  }
0x5e: {  	[sflag:s8] =	ssyncset.done $0x0  }
0x5f: {  	s20 =	simm.s32 $0x300;
	[sflag:s8] =	ssyncadd.s32 $0xFFFFE000  }
0x60: {  	[tilespmem:s21], [sflag:$0x3] =	stream.indirect.gather [hbm4b:s1+s31], $0x40, s20, s31, $0xb8;
	[tilespmem:$0x1F980] =	vst v63  }
0x61: {  	_ =	swait.ge [sflag:s9], $0x2000  }
0x62: {  	[sflag:s9] =	ssyncset.done $0x0  }
0x63: {  	s15 =	simm.s32 $0x800;
	s20 =	simm.s32 $0x380;
	[sflag:s9] =	ssyncadd.s32 $0xFFFFE000  }
.LBB2_2:
0x64: {  	[tilespmem:s7], [sflag:$0x4] =	stream.indirect.gather [hbm4b:s1+s31], $0x40, s20, s31, $0xb8;
	[tilespmem:$0x1F980] =	vst v63  }
0x65: {  	s20 =	smov.u32 s15  }
0x66: {  	p0 =	sne.s32 s15, $0x12800;
	s15 =	sadd.s32 $0x800, s15;
	_ =	swait.ge [sflag:s24], $0x2000  }
0x67: {  	s20 =	sshra.s32 s20, $0x2;
	[sflag:s24] =	ssyncset.done $0x0  }
0x68: {  	s16 =	sadd.s32 $0x4E20, s20;
	[sflag:s24] =	ssyncadd.s32 $0xFFFFE000  }
0x69: {  	[spmem:s3] =	stream.indirect.scatter.add.f32 [tilespmem:s2], [sflag:$0x5], $0x40, s16, s31, $0xb8;
	[tilespmem:$0x1F980] =	vst v63  }
0x6a: {  	_ =	swait.ge [sflag:s25], $0x2000  }
0x6b: {  	[sflag:s25] =	ssyncset.done $0x0  }
0x6c: {  	s16 =	sadd.s32 $0x4EA0, s20;
	[sflag:s25] =	ssyncadd.s32 $0xFFFFE000  }
0x6d: {  	[spmem:s3] =	stream.indirect.scatter.add.f32 [tilespmem:s0], [sflag:$0x6], $0x40, s16, s31, $0xb8;
	[tilespmem:$0x1F980] =	vst v63  }
0x6e: {  	_ =	swait.ge [sflag:s26], $0x2000  }
0x6f: {  	[sflag:s26] =	ssyncset.done $0x0  }
0x70: {  	s16 =	sadd.s32 $0x4F20, s20;
	[sflag:s26] =	ssyncadd.s32 $0xFFFFE000  }
0x71: {  	[spmem:s3] =	stream.indirect.scatter.add.f32 [tilespmem:s21], [sflag:$0x7], $0x40, s16, s31, $0xb8;
	[tilespmem:$0x1F980] =	vst v63  }
0x72: {  	_ =	swait.ge [sflag:s28], $0x2000  }
0x73: {  	[sflag:s28] =	ssyncset.done $0x0  }
0x74: {  	s16 =	sadd.s32 $0x4FA0, s20;
	[sflag:s28] =	ssyncadd.s32 $0xFFFFE000  }
0x75: {  	[spmem:s3] =	stream.indirect.scatter.add.f32 [tilespmem:s7], [sflag:$0x8], $0x40, s16, s31, $0xb8;
	[tilespmem:$0x1F980] =	vst v63  }
0x76: {  	_ =	swait.ge [sflag:s29], $0x2000  }
0x77: {  	[sflag:s29] =	ssyncset.done $0x0  }
0x78: {  	s16 =	sadd.s32 $0x200, s20;
	[sflag:s29] =	ssyncadd.s32 $0xFFFFE000  }
0x79: {  	[tilespmem:s2], [sflag:$0x1] =	stream.indirect.gather [hbm4b:s1+s31], $0x40, s16, s31, $0xb8;
	[tilespmem:$0x1F980] =	vst v63  }
0x7a: {  	_ =	swait.ge [sflag:s30], $0x2000  }
0x7b: {  	[sflag:s30] =	ssyncset.done $0x0  }
0x7c: {  	s16 =	sadd.s32 $0x280, s20;
	[sflag:s30] =	ssyncadd.s32 $0xFFFFE000  }
0x7d: {  	[tilespmem:s0], [sflag:$0x2] =	stream.indirect.gather [hbm4b:s1+s31], $0x40, s16, s31, $0xb8;
	[tilespmem:$0x1F980] =	vst v63  }
0x7e: {  	_ =	swait.ge [sflag:s8], $0x2000  }
0x7f: {  	[sflag:s8] =	ssyncset.done $0x0  }
.Ltmp0:
0x80: {  	s16 =	sadd.s32 $0x300, s20;
	[sflag:s8] =	ssyncadd.s32 $0xFFFFE000;
	(pc) =	sbr.rel @p0 .LBB2_2-.Ltmp0, $4  }
0x81: {  	[tilespmem:s21], [sflag:$0x3] =	stream.indirect.gather [hbm4b:s1+s31], $0x40, s16, s31, $0xb8;
	[tilespmem:$0x1F980] =	vst v63  }
0x82: {  	_ =	swait.ge [sflag:s9], $0x2000  }
0x83: {  	[sflag:s9] =	ssyncset.done $0x0  }
0x84: {  	s20 =	sadd.s32 $0x380, s20;
	[sflag:s9] =	ssyncadd.s32 $0xFFFFE000  }
0x85: {  	[tilespmem:s7], [sflag:$0x4] =	stream.indirect.gather [hbm4b:s1+s31], $0x40, s20, s31, $0xb8;
	[tilespmem:$0x1F980] =	vst v63  }
0x86: {  	_ =	swait.ge [sflag:s24], $0x2000  }
0x87: {  	[sflag:s24] =	ssyncset.done $0x0  }
0x88: {  	s15 =	simm.s32 $0x9A20;
	[sflag:s24] =	ssyncadd.s32 $0xFFFFE000  }
0x89: {  	[spmem:s3] =	stream.indirect.scatter.add.f32 [tilespmem:s2], [sflag:$0x5], $0x40, s15, s31, $0xb8;
	[tilespmem:$0x1F980] =	vst v63  }
0x8a: {  	_ =	swait.ge [sflag:s25], $0x2000  }
0x8b: {  	[sflag:s25] =	ssyncset.done $0x0  }
0x8c: {  	s20 =	simm.s32 $0x9AA0;
	[sflag:s25] =	ssyncadd.s32 $0xFFFFE000  }
0x8d: {  	[spmem:s3] =	stream.indirect.scatter.add.f32 [tilespmem:s0], [sflag:$0x6], $0x40, s20, s31, $0xb8;
	[tilespmem:$0x1F980] =	vst v63  }
0x8e: {  	_ =	swait.ge [sflag:s26], $0x2000  }
0x8f: {  	[sflag:s26] =	ssyncset.done $0x0  }
0x90: {  	s16 =	simm.s32 $0x9B20;
	[sflag:s26] =	ssyncadd.s32 $0xFFFFE000  }
0x91: {  	[spmem:s3] =	stream.indirect.scatter.add.f32 [tilespmem:s21], [sflag:$0x7], $0x40, s16, s31, $0xb8;
	[tilespmem:$0x1F980] =	vst v63  }
0x92: {  	_ =	swait.ge [sflag:s28], $0x2000  }
0x93: {  	[sflag:s28] =	ssyncset.done $0x0  }
0x94: {  	s20 =	simm.s32 $0x9BA0;
	[sflag:s28] =	ssyncadd.s32 $0xFFFFE000  }
0x95: {  	[spmem:s3] =	stream.indirect.scatter.add.f32 [tilespmem:s7], [sflag:$0x8], $0x40, s20, s31, $0xb8;
	[tilespmem:$0x1F980] =	vst v63  }
0x96: {  	_ =	swait.ge [sflag:s29], $0x2000  }
0x97: {  	[sflag:s29] =	ssyncset.done $0x0  }
0x98: {  	[sflag:s29] =	ssyncadd.s32 $0xFFFFE000  }
0x99: {  	_ =	swait.ge [sflag:s30], $0x2000  }
0x9a: {  	[sflag:s30] =	ssyncset.done $0x0  }
0x9b: {  	[sflag:s30] =	ssyncadd.s32 $0xFFFFE000  }
0x9c: {  	_ =	swait.ge [sflag:s8], $0x2000  }
0x9d: {  	[sflag:s8] =	ssyncset.done $0x0  }
0x9e: {  	[sflag:s8] =	ssyncadd.s32 $0xFFFFE000  }
0x9f: {  	_ =	swait.ge [sflag:s9], $0x2000  }
0xa0: {  	[sflag:s9] =	ssyncset.done $0x0  }
0xa1: {  	s20 =	simm.s32 $0x4E00;
	[sflag:s9] =	ssyncadd.s32 $0xFFFFE000  }
0xa2: {  	[tilespmem:s2], [sflag:$0x1] =	stream.indirect.gather [hbm4b:s1+s10], $0x40, s20, s10, $0xb8;
	[tilespmem:$0x1F980] =	vst v63  }
0xa3: {  	_ =	swait.ge [sflag:s24], $0x800  }
0xa4: {  	[sflag:s24] =	ssyncset.done $0x0  }
0xa5: {  	[sflag:s24] =	ssyncadd.s32 $0xFFFFF800  }
0xa6: {  	[spmem:s3] =	stream.indirect.scatter.add.f32 [tilespmem:s2], [sflag:$0x5], $0x40, s22, s10, $0xb8;
	[tilespmem:$0x1F980] =	vst v63  }
0xa7: {  	_ =	swait.ge [sflag:s29], $0x800  }
0xa8: {  	[sflag:s29] =	ssyncset.done $0x0  }
0xa9: {  	[sflag:s29] =	ssyncadd.s32 $0xFFFFF800  }
0xaa: {  	[bflag:$0x0] =	sbarrier.arrive $0xFFFF  }
0xab: {  	[tilespmem:s11], [sflag:$0x9] =	stream.linear.gather [spmem:s17], $0x1F40, $0x38;
	[tilespmem:$0x1F980] =	vst v63  }
0xac: {  	_ =	swait.ge [sflag:s6], $0x1F40  }
0xad: {  	[sflag:s6] =	ssyncset.done $0x0  }
0xae: {  	[sflag:s6] =	ssyncadd.s32 $0xFFFFE0C0  }
0xaf: {  	[hbm4b:s5+s12] =	stream.indirect.scatter [tilespmem:s11], [sflag:$0x5], $0x40, s23, s12, $0xb8;
	[tilespmem:$0x1F980] =	vst v63  }
0xb0: {  	s16 =	rddreg [dreg:$0xb]  }
0xb1: {  	[tilespmem:s13], [sflag:$0x9] =	stream.linear.gather [spmem:s16], $0x1F40, $0x38;
	[tilespmem:$0x1F980] =	vst v63  }
0xb2: {  	_ =	swait.ge [sflag:s6], $0x1F40  }
0xb3: {  	[sflag:s6] =	ssyncset.done $0x0  }
0xb4: {  	s16 =	simm.s32 $0x9CC0;
	[sflag:s6] =	ssyncadd.s32 $0xFFFFE0C0  }
0xb5: {  	[hbm4b:s5+s12] =	stream.indirect.scatter [tilespmem:s13], [sflag:$0x6], $0x40, s16, s12, $0xb8;
	[tilespmem:$0x1F980] =	vst v63  }
0xb6: {  	_ =	swait.ge [sflag:s29], $0x1F40  }
0xb7: {  	[sflag:s29] =	ssyncset.done $0x0  }
0xb8: {  	s16 =	rddreg [dreg:$0xc];
	[sflag:s29] =	ssyncadd.s32 $0xFFFFE0C0  }
0xb9: {  	[tilespmem:s11], [sflag:$0x9] =	stream.linear.gather [spmem:s16], $0x1F40, $0x38;
	[tilespmem:$0x1F980] =	vst v63  }
0xba: {  	_ =	swait.ge [sflag:s6], $0x1F40  }
0xbb: {  	[sflag:s6] =	ssyncset.done $0x0  }
0xbc: {  	s16 =	simm.s32 $0x9D40;
	[sflag:s6] =	ssyncadd.s32 $0xFFFFE0C0  }
0xbd: {  	[hbm4b:s5+s12] =	stream.indirect.scatter [tilespmem:s11], [sflag:$0x5], $0x40, s16, s12, $0xb8;
	[tilespmem:$0x1F980] =	vst v63  }
0xbe: {  	_ =	swait.ge [sflag:s30], $0x1F40  }
0xbf: {  	[sflag:s30] =	ssyncset.done $0x0  }
0xc0: {  	s16 =	rddreg [dreg:$0xd];
	[sflag:s30] =	ssyncadd.s32 $0xFFFFE0C0  }
0xc1: {  	[tilespmem:s13], [sflag:$0x9] =	stream.linear.gather [spmem:s16], $0x1F40, $0x38;
	[tilespmem:$0x1F980] =	vst v63  }
0xc2: {  	_ =	swait.ge [sflag:s6], $0x1F40  }
0xc3: {  	[sflag:s6] =	ssyncset.done $0x0  }
0xc4: {  	s16 =	simm.s32 $0x9DC0;
	[sflag:s6] =	ssyncadd.s32 $0xFFFFE0C0  }
0xc5: {  	[hbm4b:s5+s12] =	stream.indirect.scatter [tilespmem:s13], [sflag:$0x6], $0x40, s16, s12, $0xb8;
	[tilespmem:$0x1F980] =	vst v63  }
0xc6: {  	_ =	swait.ge [sflag:s29], $0x1F40  }
0xc7: {  	[sflag:s29] =	ssyncset.done $0x0  }
0xc8: {  	s16 =	rddreg [dreg:$0xe];
	[sflag:s29] =	ssyncadd.s32 $0xFFFFE0C0  }
0xc9: {  	[tilespmem:s11], [sflag:$0x9] =	stream.linear.gather [spmem:s16], $0x1F40, $0x38;
	[tilespmem:$0x1F980] =	vst v63  }
0xca: {  	_ =	swait.ge [sflag:s6], $0x1F40  }
0xcb: {  	[sflag:s6] =	ssyncset.done $0x0  }
0xcc: {  	s14 =	sadd.s32 $0x1, s14;
	s16 =	simm.s32 $0x9E40;
	[sflag:s6] =	ssyncadd.s32 $0xFFFFE0C0  }
0xcd: {  	[hbm4b:s5+s12] =	stream.indirect.scatter [tilespmem:s11], [sflag:$0x5], $0x40, s16, s12, $0xb8;
	[tilespmem:$0x1F980] =	vst v63  }
0xce: {  	p0 =	sne.s32 s14, s18;
	_ =	swait.ge [sflag:s29], $0x1F40  }
.Ltmp1:
0xcf: {  	[sflag:s29] =	ssyncset.done $0x0;
	(pc) =	sbr.rel @p0 .LBB2_1-.Ltmp1, $4  }
0xd0: {  	[sflag:s29] =	ssyncadd.s32 $0xFFFFE0C0  }
0xd1: {  	_ =	swait.ge [sflag:s30], $0x1F40  }
0xd2: {  	[sflag:s30] =	ssyncset.done $0x0  }
0xd3: {  	[sflag:s30] =	ssyncadd.s32 $0xFFFFE0C0  }
0xd4: {  	_ =	sfence.sel $0x180000  }
0xd5: {  	[bflag:$0x0] =	sbarrier.arrive $0xFFFF  }
0xd6: {  	_ =	strace $0x9000004D  }
0xd7: {  	s0 =	stileid.u32;
	[bflag:$0x2] =	sbarrier.arrive $0xFFFF  }
0xd8: {  	p0 =	sne.s32 s0, $0x0;
	s0 =	rddreg [dreg:$0x3]  }
0xd9: {  	s0 =	sadd.s32 @!p0 $0x100000, s0  }
0xda: {  	[sflag:s0] =	ssyncadd.tile.s32 @!p0 $0x1;
	_ =	shalt  }
.Lfunc_end2:
_tile_overlayer_lowered:
.L_overlay_start_2:
0xdb: {  	(tag) =	ssettag $0x2  }
0xdc: {  	s0 =	rddreg [dreg:$0x0];
	s2 =	stileid.u32  }
0xdd: {  	s1 =	rddreg [dreg:$0x1];
	p0 =	sne.s32 s2, $0x0  }
0xde: {  	s3 =	rddreg [dreg:$0x2];
	[bflag:$0x3] =	sbarrier.arrive $0xFFFF;
	s2 =	simm.s32 @!p0 $0x1C09  }
0xdf: {  	[timem:s3], [sflag:s2] =	dma.local @!p0 [hbm:s0], s1  }
0xe0: {  	s0 =	simm.s32 @!p0 $0x9  }
0xe1: {  	_ =	swait.ge @!p0 [sflag:s0], s1  }
0xe2: {  	s1 =	ssub.s32 @!p0 $0x0, s1;
	[sflag:s0] =	ssyncset.done @!p0 $0x0  }
0xe3: {  	[sflag:s0] =	ssyncadd.s32 @!p0 s1  }
0xe4: {  	[bflag:$0x3] =	sbarrier.arrive $0xFFFF  }
0xe5: {  	_ =	shalt  }

// kernel: kernel.8.cloned.1.call-start
scs
__scs_entry_jumppad:
0x0: {  	(pc) =	sbr.rel $0x88, $3  }
0x1: {  	(tag) =	ssettag $0x0;
	lr =	simm.s32 $0x1  }
0x2: {  	[smem:$0x3F9B] =	sst lr;
	_ =	strace $0xD0000000  }
0x3: {  	_ = 	snop  }
0x4: {  	_ = 	snop  }
0x5: {  	_ = 	snop  }
0x6: {  	_ = 	snop  }
0x7: {  	_ = 	snop  }
__scs_overlays_trampoline_lowered:
0x8: {  	[smem:$0x3FAA] =	sst s0  }
0x9: {  	[smem:$0x3FAB] =	sst s1  }
0xa: {  	[smem:$0x3FAC] =	sst s2  }
0xb: {  	[smem:$0x3FAD] =	sst s3  }
0xc: {  	[smem:$0x3FAE] =	sst s4  }
0xd: {  	[smem:$0x3FAF] =	sst s5  }
0xe: {  	[smem:$0x3FB0] =	sst s6  }
0xf: {  	[smem:$0x3FB1] =	sst s7  }
0x10: {  	[smem:$0x3FB2] =	sst s8  }
0x11: {  	[smem:$0x3FB3] =	sst s9;
	s0 =	simm.s32 @!p0 $0x0  }
0x12: {  	s1 =	sld [smem:$0x3F99];
	s0 =	simm.s32 @p0 $0x1  }
0x13: {  	[smem:$0x3FB4] =	sst s0;
	s0 =	simm.s32 @!p1 $0x0  }
0x14: {  	s2 =	sld [smem:$0x3F98];
	s0 =	simm.s32 @p1 $0x1  }
0x15: {  	[smem:$0x3FB5] =	sst s0;
	s0 =	simm.s32 @!p2 $0x0  }
0x16: {  	s3 =	sld [smem:$0x3FDB];
	s0 =	simm.s32 @p2 $0x1  }
0x17: {  	s4 =	simm.s32 $0x1BF5;
	[smem:$0x3FB7] =	sst s0  }
0x18: {  	s0 =	sld [smem:$0x3F9A];
	_ =	swait.ge [sflag:s4], $0x0  }
0x19: {  	s7 =	sld [smem:$0x3F9B]  }
0x1a: {  	s8 =	sadd.s32 $0xFFFFE003, lr  }
0x1b: {  	s9 =	sadd.s32 $0xFFFFFEF7, lr;
	s5 =	simm.s32 $0xFFFFFFFF;
	p2 =	slt.u32 s8, $0xFFFFF086  }
0x1c: {  	p1 =	slt.u32 s9, $0xF7A;
	s5 =	simm.s32 @!p2 $0x0  }
0x1d: {  	s5 =	simm.s32 @p1 $0x1;
	p0 =	seq.s32 s7, s2  }
0x1e: {  	s7 =	smul.u32 @!p0 $0xF7A, s2;
	p2 =	seq.s32 @!p0 s5, $0x0  }
0x1f: {  	s9 =	smul.u32 $0xF7A, s1;
	s8 =	simm.s32 @!p0 $0x1BF5;
	p2 =	por !p2, p0  }
0x20: {  	[sflag:s8] =	ssyncset.s32 @!p0 $0xFFFFF086;
	s6 =	sadd.s32 @!p0 s3, s7;
	s7 =	simm.s32 @!p0 $0x108  }
0x21: {  	s3 =	sadd.s32 s3, s9;
	s6 =	sadd.s32 @!p0 $0x88, s6;
	s7 =	simm.s32 @p2 $0x1082  }
0x22: {  	[simem:s7], [sflag:s8] =	dma.local @!p0 [hbm:s6], $0xF7A  }
0x23: {  	s9 =	sor.u32 $0xD0000000, s2;
	s6 =	simm.s32 $0x108;
	_ =	swait.ge @!p0 [sflag:s8], $0x0  }
0x24: {  	s3 =	sadd.s32 $0x88, s3;
	s6 =	simm.s32 @!p1 $0x1082;
	[sflag:s4] =	ssyncset.s32 $0xFFFFF086  }
0x25: {  	[simem:s6], [sflag:s4] =	dma.local [hbm:s3], $0xF7A  }
0x26: {  	[smem:$0x3F9B] =	sst s1;
	(tag) =	ssettag s2;
	_ =	strace s9  }
0x27: {  	s1 =	sld [smem:$0x3FAB]  }
0x28: {  	s2 =	sld [smem:$0x3FAC]  }
0x29: {  	s4 =	sld [smem:$0x3FAE]  }
0x2a: {  	p0 =	seq.s32 s5, $0x0;
	s5 =	sld [smem:$0x3FAF]  }
0x2b: {  	s6 =	sld [smem:$0x3FB0]  }
0x2c: {  	s7 =	sld [smem:$0x3FB1]  }
0x2d: {  	s3 =	simm.s32 $0x108;
	s8 =	sld [smem:$0x3FB2]  }
0x2e: {  	s3 =	simm.s32 @!p0 $0x1082;
	s9 =	sld [smem:$0x3FB3]  }
0x2f: {  	lr =	sadd.s32 s0, s3;
	s0 =	sld [smem:$0x3FAA]  }
0x30: {  	s3 =	sld [smem:$0x3FAD]  }
0x31: {  	[smem:$0x3FB6] =	sst s10  }
0x32: {  	s10 =	sld [smem:$0x3FB4];
	_ =	sdelay $0x3  }
0x33: {  	p0 =	seq.s32 s10, $0x1;
	s10 =	sld [smem:$0x3FB6];
	_ =	sdelay $0x3  }
0x34: {  	[smem:$0x3FB6] =	sst s10  }
0x35: {  	s10 =	sld [smem:$0x3FB5];
	_ =	sdelay $0x3  }
0x36: {  	p1 =	seq.s32 s10, $0x1;
	s10 =	sld [smem:$0x3FB6];
	_ =	sdelay $0x3  }
0x37: {  	[smem:$0x3FB6] =	sst s10  }
0x38: {  	s10 =	sld [smem:$0x3FB7]  }
0x39: {  	_ = 	snop;
	(pc) =	sbr.ind lr, $3  }
0x3a: {  	_ = 	snop  }
0x3b: {  	_ = 	snop  }
0x3c: {  	p2 =	seq.s32 s10, $0x1;
	s10 =	sld [smem:$0x3FB6]  }
0x3d: {  	_ =	shalt  }
0x3e: {  	_ =	shalt  }
0x3f: {  	_ =	shalt  }
0x40: {  	_ =	shalt  }
0x41: {  	_ =	shalt  }
0x42: {  	_ =	shalt  }
0x43: {  	_ =	shalt  }
0x44: {  	_ =	shalt  }
0x45: {  	_ =	shalt  }
0x46: {  	_ =	shalt  }
0x47: {  	_ =	shalt  }
0x48: {  	_ =	shalt  }
0x49: {  	_ =	shalt  }
0x4a: {  	_ =	shalt  }
0x4b: {  	_ =	shalt  }
0x4c: {  	_ =	shalt  }
0x4d: {  	_ =	shalt  }
0x4e: {  	_ =	shalt  }
0x4f: {  	_ =	shalt  }
0x50: {  	_ =	shalt  }
0x51: {  	_ =	shalt  }
0x52: {  	_ =	shalt  }
0x53: {  	_ =	shalt  }
0x54: {  	_ =	shalt  }
0x55: {  	_ =	shalt  }
0x56: {  	_ =	shalt  }
0x57: {  	_ =	shalt  }
0x58: {  	_ =	shalt  }
0x59: {  	_ =	shalt  }
0x5a: {  	_ =	shalt  }
0x5b: {  	_ =	shalt  }
0x5c: {  	_ =	shalt  }
0x5d: {  	_ =	shalt  }
0x5e: {  	_ =	shalt  }
0x5f: {  	_ =	shalt  }
0x60: {  	_ =	shalt  }
0x61: {  	_ =	shalt  }
0x62: {  	_ =	shalt  }
0x63: {  	_ =	shalt  }
0x64: {  	_ =	shalt  }
0x65: {  	_ =	shalt  }
0x66: {  	_ =	shalt  }
0x67: {  	_ =	shalt  }
0x68: {  	_ =	shalt  }
0x69: {  	_ =	shalt  }
0x6a: {  	_ =	shalt  }
0x6b: {  	_ =	shalt  }
0x6c: {  	_ =	shalt  }
0x6d: {  	_ =	shalt  }
0x6e: {  	_ =	shalt  }
0x6f: {  	_ =	shalt  }
0x70: {  	_ =	shalt  }
0x71: {  	_ =	shalt  }
0x72: {  	_ =	shalt  }
0x73: {  	_ =	shalt  }
0x74: {  	_ =	shalt  }
0x75: {  	_ =	shalt  }
0x76: {  	_ =	shalt  }
0x77: {  	_ =	shalt  }
0x78: {  	_ =	shalt  }
0x79: {  	_ =	shalt  }
0x7a: {  	_ =	shalt  }
0x7b: {  	_ =	shalt  }
0x7c: {  	_ =	shalt  }
0x7d: {  	_ =	shalt  }
0x7e: {  	_ =	shalt  }
0x7f: {  	_ =	shalt  }
0x80: {  	_ =	shalt  }
0x81: {  	_ =	shalt  }
0x82: {  	_ =	shalt  }
0x83: {  	_ =	shalt  }
0x84: {  	_ =	shalt  }
0x85: {  	_ =	shalt  }
0x86: {  	_ =	shalt  }
0x87: {  	_ =	shalt  }
.Lfunc_end0:
.L_simem_size_0:
called_computation_lowered:
.L_overlay_start_0:
0x88: {  	s2 =	sld [smem:$0x3FD9]  }
0x89: {  	s3 =	sld [smem:$0x3FFE];
	_ =	sdelay $0x1  }
0x8a: {  	s1 =	srdreg.scid  }
0x8b: {  	s0 =	sand.u32 $0x1, s1  }
0x8c: {  	s17 =	sshll.u32 s0, $0xA;
	s2 =	sadd.s32 s3, s2  }
0x8d: {  	s2 =	sadd.s32 s2, s17  }
0x8e: {  	[smem:$0x3FC2] =	sst s2  }
0x8f: {  	_ = 	snop  }
0x90: {  	s2 =	sld [smem:$0x3FD0];
	(tm) =	ssettm $0x1  }
0x91: {  	s18 =	sld [smem:$0x3FFB];
	_ =	sdelay $0x3  }
0x92: {  	_ =	strace s18  }
0x93: {  	s3 =	sld [smem:$0x3FFC];
	_ =	sdelay $0x3  }
0x94: {  	_ =	strace s3  }
0x95: {  	s3 =	sld [smem:$0x3FFD];
	_ =	sdelay $0x3  }
0x96: {  	_ =	strace s3  }
0x97: {  	_ =	strace $0x8FFFFFFF  }
0x98: {  	s19 =	sld [smem:$0x3FDB];
	_ =	sdelay $0x1  }
0x99: {  	s4 =	simm.s32 $_scs_section_size  }
0x9a: {  	s5 =	simm.s32 $_size__tile_overlayer_lowered;
	s6 =	simm.s32 $_tile_overlayer_lowered  }
0x9b: {  	s22 =	simm.s32 $0x1BFF;
	s21 =	sshll.u32 s6, $0x1;
	s3 =	sadd.s32 s4, s19  }
0x9c: {  	s7 =	simm.s32 $0x0;
	s20 =	sshll.u32 s5, $0x1;
	s5 =	sadd.s32 s21, s3  }
0x9d: {  	[timem:s7], [sflag:s22] =	dma.local [hbm:s5], s20  }
0x9e: {  	_ =	swait.ge [sflag:s22], s20  }
0x9f: {  	s4 =	ssub.s32 $0x0, s20;
	[sflag:s22] =	ssyncset.done $0x0  }
0xa0: {  	[sflag:s22] =	ssyncadd.s32 s4;
	_ =	sdelay $0x1  }
0xa1: {  	s23 =	simm.s32 $0x1B8B  }
0xa2: {  	_ =	swait.ge [sflag:s23], $0x1  }
0xa3: {  	[sflag:s23] =	ssyncset.done $0x0  }
0xa4: {  	s25 =	simm.s32 $0x1B8E;
	s24 =	sld [smem:$0x3FFE];
	[sflag:s23] =	ssyncadd.s32 $0xFFFFFFFF  }
0xa5: {  	s26 =	simm.s32 $execute0_lowered;
	[smem:$0x3FD2] =	sst s25  }
0xa6: {  	s5 =	sshll.u32 s26, $0x1;
	_ =	strace $0x80000046;
	[dreg:$0x1] =	wrdreg $0xFFFFFFFF  }
0xa7: {  	s28 =	simm.s32 $_size_execute0_lowered;
	s3 =	sadd.s32 s3, s5;
	[dreg:$0x0] =	wrdreg $0x0  }
0xa8: {  	s5 =	sshll.u32 s28, $0x1;
	[dreg:$0x2] =	wrdreg s3  }
0xa9: {  	[dreg:$0x3] =	wrdreg s5  }
0xaa: {  	[dreg:$0x4] =	wrdreg $0xC0  }
0xab: {  	_ =	task [dreg:s7], $0x5FFFF  }
0xac: {  	[dreg:$0x1] =	wrdreg $0xFFFFFFFF  }
0xad: {  	[dreg:$0x0] =	wrdreg $0x60  }
0xae: {  	[dreg:$0x2] =	wrdreg s2  }
0xaf: {  	[dreg:$0x3] =	wrdreg s24  }
0xb0: {  	[dreg:$0x4] =	wrdreg $0x40800  }
0xb1: {  	[dreg:$0x5] =	wrdreg $0x9  }
0xb2: {  	_ =	task.clear_ibuf [dreg:s7], $0x6FFFF;
	_ =	strace $0x90000046  }
0xb3: {  	s29 =	simm.s32 $0x9;
	_ =	strace $0x80000048  }
0xb4: {  	_ =	swait.ge [sflag:s29], $0x1  }
0xb5: {  	[sflag:s29] =	ssyncadd.s32 $0xFFFFFFFF  }
0xb6: {  	_ =	strace $0x90000048  }
0xb7: {  	_ =	sfence  }
0xb8: {  	s30 =	sld [smem:$0x0];
	_ =	sdelay $0x2  }
0xb9: {  	s31 =	sshll.u32 s1, $0xD;
	s1 =	sshrl.u32 s1, $0x2  }
0xba: {  	s3 =	sand.u32 $0x4000, s31;
	s1 =	sadd.s32 s1, s30  }
0xbb: {  	s0 =	sor.u32 s3, s0;
	s1 =	sshll.u32 s1, $0x11  }
0xbc: {  	s0 =	sor.u32 s1, s0  }
0xbd: {  	s0 =	sadd.s32 $0x8F2B, s0  }
0xbe: {  	[sflag:s0] =	ssyncadd.remote.s32 $0x1  }
0xbf: {  	_ =	sfence.sel $0xFFFF  }
0xc0: {  	[dreg:$0x0] =	wrdreg $0xFFFFFFFF;
	(pc) =	sbr.abs _section_cstart, $3  }
0xc1: {  	[dreg:$0x1] =	wrdreg $0xFFFFFFFF  }
0xc2: {  	_ =	task.clear_ibuf [dreg:s7], $0x2FFFF;
	_ =	strace $0x9FFFFFFF  }
0xc3: {  	(tm) =	ssettm $0x7FFFFFFF  }
tec
execute0_lowered:
.L_overlay_start_1:
0x0: {  	(tag) =	ssettag $0x1  }
0x1: {  	s5 =	rddreg [dreg:$0x0]  }
0x2: {  	s6 =	rddreg [dreg:$0x1]  }
0x3: {  	s2 =	rddreg [dreg:$0x2]  }
0x4: {  	s0 =	rddreg [dreg:$0x3]  }
0x5: {  	s1 =	stileid.u32;
	s4 =	srdreg.scid  }
0x6: {  	s3 =	simm.s32 $0x0;
	s13 =	simm.s32 $0x2;
	s14 =	simm.s32 $0x3  }
0x7: {  	s15 =	simm.s32 $0x50;
	s16 =	simm.s32 $0x4;
	s17 =	simm.s32 $0x5  }
0x8: {  	s19 =	simm.s32 $0x20;
	s20 =	simm.s32 $0x10;
	s21 =	simm.s32 $0x6  }
0x9: {  	s22 =	simm.s32 $0x0;
	s7 =	smul.u32 $0x280, s1;
	s8 =	sand.u32 $0x1, s4  }
0xa: {  	s24 =	smul.u32 $0x500, s1;
	[smem:$0x7FF] =	sst s3;
	s29 =	sshll.u32 s1, $0xB  }
0xb: {  	s18 =	sshll.u32 s1, $0x6;
	s9 =	sshll.u32 s8, $0x7;
	_ =	strace $0x80000047  }
0xc: {  	s11 =	ssub.s32 $0x2, s8;
	s30 =	sshll.u32 s8, $0xF;
	s31 =	sadd.s32 s5, s29  }
0xd: {  	s10 =	sshrl.u32 s7, $0x3;
	s4 =	sor.u32 s9, s24;
	s28 =	sshrl.u32 s11, $0x1  }
0xe: {  	s12 =	sadd.s32 s7, s2;
	s7 =	sadd.s32 s30, s31;
	s25 =	sadd.s32 s10, s6  }
0xf: {  	s26 =	sshrl.u32 s4, $0x3;
	s4 =	sadd.s32 $0x3600, s6;
	s11 =	ssub.s32 s11, s28  }
0x10: {  	s10 =	sadd.s32 s26, s6;
	s5 =	sadd.s32 $0x3800, s25;
	s6 =	sor.u32 $0x1C01, s18  }
0x11: {  	s9 =	smax.u32 s11, $0x1;
	s11 =	simm.s32 $0x4000;
	s18 =	sor.u32 $0x1C06, s18  }
0x12: {  	s8 =	sadd.s32 $0x3E00, s10;
	s10 =	sshrl.u32 s12, $0x3;
	s12 =	simm.s32 $0x1  }
.LBB2_1:
0x13: {  	[spmem:s10], [sflag:s6] =	dma.local [hbm:s5], $0x50  }
0x14: {  	[tilespmem:s11], [sflag:$0x2] =	stream.linear.gather [hbm4b:s4+s3], $0x80, $0x38;
	[tilespmem:$0x4300] =	vst v63  }
0x15: {  	_ = 	snop  }
0x16: {  	[tilespmem:s3], [sflag:$0x3] =	stream.linear.gather [hbm4b:s7+s3], $0x3E80, $0x38;
	[tilespmem:$0x4300] =	vst v63  }
0x17: {  	_ =	swait.ge [sflag:s12], $0x50  }
0x18: {  	[sflag:s12] =	ssyncset.done $0x0  }
0x19: {  	[sflag:s12] =	ssyncadd.s32 $0xFFFFFFB0  }
0x1a: {  	_ =	swait.ge [sflag:s13], $0x80  }
0x1b: {  	[sflag:s13] =	ssyncset.done $0x0  }
0x1c: {  	[sflag:s13] =	ssyncadd.s32 $0xFFFFFF80  }
0x1d: {  	_ =	swait.ge [sflag:s14], $0x3E80  }
0x1e: {  	[sflag:s14] =	ssyncset.done $0x0  }
0x1f: {  	[sflag:s14] =	ssyncadd.s32 $0xFFFFC180  }
0x20: {  	s23 =	simm.s32 $0x0;
	[bflag:$0x0] =	sbarrier.arrive $0xFFFF  }
0x21: {  	[spmem:s2] =	stream.indirect.scatter.add.f32 [tilespmem:s11], [sflag:$0x1], $0x1, s23, s15, $0xb8;
	[tilespmem:$0x4300] =	vst v63  }
0x22: {  	s28 =	simm.s32 $0x80  }
0x23: {  	[spmem:s2] =	stream.indirect.scatter.add.f32 [tilespmem:s11], [sflag:$0x2], $0x1, s28, s15, $0xb8;
	[tilespmem:$0x4300] =	vst v63  }
0x24: {  	s29 =	simm.s32 $0x100  }
0x25: {  	[spmem:s2] =	stream.indirect.scatter.add.f32 [tilespmem:s11], [sflag:$0x3], $0x1, s29, s15, $0xb8;
	[tilespmem:$0x4300] =	vst v63  }
0x26: {  	s30 =	simm.s32 $0x180  }
0x27: {  	[spmem:s2] =	stream.indirect.scatter.add.f32 [tilespmem:s11], [sflag:$0x4], $0x1, s30, s15, $0xb8;
	[tilespmem:$0x4300] =	vst v63  }
0x28: {  	s31 =	simm.s32 $0x200  }
0x29: {  	[spmem:s2] =	stream.indirect.scatter.add.f32 [tilespmem:s11], [sflag:$0x5], $0x1, s31, s15, $0xb8;
	[tilespmem:$0x4300] =	vst v63  }
0x2a: {  	_ =	swait.ge [sflag:s12], $0x50  }
0x2b: {  	[sflag:s12] =	ssyncset.done $0x0  }
0x2c: {  	[sflag:s12] =	ssyncadd.s32 $0xFFFFFFB0  }
0x2d: {  	_ =	swait.ge [sflag:s13], $0x50  }
0x2e: {  	[sflag:s13] =	ssyncset.done $0x0  }
0x2f: {  	[sflag:s13] =	ssyncadd.s32 $0xFFFFFFB0  }
0x30: {  	_ =	swait.ge [sflag:s14], $0x50  }
0x31: {  	[sflag:s14] =	ssyncset.done $0x0  }
0x32: {  	[sflag:s14] =	ssyncadd.s32 $0xFFFFFFB0  }
0x33: {  	_ =	swait.ge [sflag:s16], $0x50  }
0x34: {  	[sflag:s16] =	ssyncset.done $0x0  }
0x35: {  	[sflag:s16] =	ssyncadd.s32 $0xFFFFFFB0  }
0x36: {  	_ =	swait.ge [sflag:s17], $0x50  }
0x37: {  	s24 =	simm.s32 $0x1400;
	s23 =	simm.s32 $0xA00;
	[sflag:s17] =	ssyncset.done $0x0  }
.LBB2_2:
0x38: {  	s25 =	sshra.s32 s23, $0x2  }
0x39: {  	[sflag:s17] =	ssyncadd.s32 $0xFFFFFFB0;
	s23 =	smov.u32 s24;
	s26 =	sadd.s32 $0xA00, s24  }
0x3a: {  	[spmem:s2] =	stream.indirect.scatter.add.f32 [tilespmem:s11], [sflag:$0x1], $0x1, s25, s15, $0xb8;
	[tilespmem:$0x4300] =	vst v63  }
0x3b: {  	p0 =	sne.s32 s24, $0xF000;
	s24 =	sadd.s32 $0x80, s25  }
0x3c: {  	[spmem:s2] =	stream.indirect.scatter.add.f32 [tilespmem:s11], [sflag:$0x2], $0x1, s24, s15, $0xb8;
	[tilespmem:$0x4300] =	vst v63  }
0x3d: {  	s24 =	sadd.s32 $0x100, s25  }
0x3e: {  	[spmem:s2] =	stream.indirect.scatter.add.f32 [tilespmem:s11], [sflag:$0x3], $0x1, s24, s15, $0xb8;
	[tilespmem:$0x4300] =	vst v63  }
0x3f: {  	s24 =	sadd.s32 $0x180, s25  }
0x40: {  	[spmem:s2] =	stream.indirect.scatter.add.f32 [tilespmem:s11], [sflag:$0x4], $0x1, s24, s15, $0xb8;
	[tilespmem:$0x4300] =	vst v63  }
0x41: {  	s24 =	sadd.s32 $0x200, s25  }
0x42: {  	[spmem:s2] =	stream.indirect.scatter.add.f32 [tilespmem:s11], [sflag:$0x5], $0x1, s24, s15, $0xb8;
	[tilespmem:$0x4300] =	vst v63  }
0x43: {  	_ =	swait.ge [sflag:s12], $0x50  }
0x44: {  	[sflag:s12] =	ssyncset.done $0x0  }
0x45: {  	[sflag:s12] =	ssyncadd.s32 $0xFFFFFFB0  }
0x46: {  	_ =	swait.ge [sflag:s13], $0x50  }
0x47: {  	[sflag:s13] =	ssyncset.done $0x0  }
0x48: {  	[sflag:s13] =	ssyncadd.s32 $0xFFFFFFB0  }
0x49: {  	_ =	swait.ge [sflag:s14], $0x50  }
0x4a: {  	[sflag:s14] =	ssyncset.done $0x0  }
0x4b: {  	[sflag:s14] =	ssyncadd.s32 $0xFFFFFFB0  }
.Ltmp0:
0x4c: {  	_ =	swait.ge [sflag:s16], $0x50;
	(pc) =	sbr.rel @p0 .LBB2_2-.Ltmp0, $4  }
0x4d: {  	[sflag:s16] =	ssyncset.done $0x0  }
0x4e: {  	[sflag:s16] =	ssyncadd.s32 $0xFFFFFFB0  }
0x4f: {  	_ =	swait.ge [sflag:s17], $0x50  }
0x50: {  	s24 =	smov.u32 s26;
	[sflag:s17] =	ssyncset.done $0x0  }
0x51: {  	s23 =	sshra.s32 s23, $0x2;
	[sflag:s17] =	ssyncadd.s32 $0xFFFFFFB0  }
0x52: {  	[spmem:s2] =	stream.indirect.scatter.add.f32 [tilespmem:s11], [sflag:$0x1], $0x1, s23, s15, $0xb8;
	[tilespmem:$0x4300] =	vst v63  }
0x53: {  	s24 =	sadd.s32 $0x80, s23  }
0x54: {  	[spmem:s2] =	stream.indirect.scatter.add.f32 [tilespmem:s11], [sflag:$0x2], $0x1, s24, s15, $0xb8;
	[tilespmem:$0x4300] =	vst v63  }
0x55: {  	s30 =	sadd.s32 $0x100, s23  }
0x56: {  	[spmem:s2] =	stream.indirect.scatter.add.f32 [tilespmem:s11], [sflag:$0x3], $0x1, s30, s15, $0xb8;
	[tilespmem:$0x4300] =	vst v63  }
0x57: {  	s31 =	sadd.s32 $0x180, s23  }
0x58: {  	[spmem:s2] =	stream.indirect.scatter.add.f32 [tilespmem:s11], [sflag:$0x4], $0x1, s31, s15, $0xb8;
	[tilespmem:$0x4300] =	vst v63  }
0x59: {  	s23 =	sadd.s32 $0x200, s23  }
0x5a: {  	[spmem:s2] =	stream.indirect.scatter.add.f32 [tilespmem:s11], [sflag:$0x5], $0x1, s23, s15, $0xb8;
	[tilespmem:$0x4300] =	vst v63  }
0x5b: {  	_ =	swait.ge [sflag:s12], $0x50  }
0x5c: {  	[sflag:s12] =	ssyncset.done $0x0  }
0x5d: {  	[sflag:s12] =	ssyncadd.s32 $0xFFFFFFB0  }
0x5e: {  	_ =	swait.ge [sflag:s13], $0x50  }
0x5f: {  	[sflag:s13] =	ssyncset.done $0x0  }
0x60: {  	[sflag:s13] =	ssyncadd.s32 $0xFFFFFFB0  }
0x61: {  	_ =	swait.ge [sflag:s14], $0x50  }
0x62: {  	[sflag:s14] =	ssyncset.done $0x0  }
0x63: {  	[sflag:s14] =	ssyncadd.s32 $0xFFFFFFB0  }
0x64: {  	_ =	swait.ge [sflag:s16], $0x50  }
0x65: {  	[sflag:s16] =	ssyncset.done $0x0  }
0x66: {  	[sflag:s16] =	ssyncadd.s32 $0xFFFFFFB0  }
0x67: {  	_ =	swait.ge [sflag:s17], $0x50  }
0x68: {  	s22 =	sadd.s32 $0x1, s22;
	[sflag:s17] =	ssyncset.done $0x0  }
0x69: {  	p0 =	sne.s32 s22, s9;
	[sflag:s17] =	ssyncadd.s32 $0xFFFFFFB0  }
.Ltmp1:
0x6a: {  	[bflag:$0x0] =	sbarrier.arrive $0xFFFF;
	(pc) =	sbr.rel @p0 .LBB2_1-.Ltmp1, $4  }
0x6b: {  	[hbm:s8@s19], [sflag:s18] =	dma.strided [spmem:s10@s20], $0x50, s12, $0x10   }
0x6c: {  	_ =	swait.ge [sflag:s21], $0x50  }
0x6d: {  	[sflag:s21] =	ssyncset.done $0x0  }
0x6e: {  	[sflag:s21] =	ssyncadd.s32 $0xFFFFFFB0  }
0x6f: {  	_ =	sfence.sel $0x180000  }
0x70: {  	[bflag:$0x0] =	sbarrier.arrive $0xFFFF  }
0x71: {  	p0 =	sne.s32 s1, $0x0;
	_ =	strace $0x90000047  }
0x72: {  	s0 =	sadd.s32 @!p0 $0x100000, s0;
	[bflag:$0x2] =	sbarrier.arrive $0xFFFF  }
0x73: {  	[sflag:s0] =	ssyncadd.tile.s32 @!p0 $0x1;
	_ =	shalt  }
.Lfunc_end2:
_tile_overlayer_lowered:
.L_overlay_start_2:
0x74: {  	(tag) =	ssettag $0x2  }
0x75: {  	s0 =	rddreg [dreg:$0x0];
	s2 =	stileid.u32  }
0x76: {  	s1 =	rddreg [dreg:$0x1];
	p0 =	sne.s32 s2, $0x0  }
0x77: {  	s3 =	rddreg [dreg:$0x2];
	[bflag:$0x3] =	sbarrier.arrive $0xFFFF;
	s2 =	simm.s32 @!p0 $0x1C06  }
0x78: {  	[timem:s3], [sflag:s2] =	dma.local @!p0 [hbm:s0], s1  }
0x79: {  	s0 =	simm.s32 @!p0 $0x6  }
0x7a: {  	_ =	swait.ge @!p0 [sflag:s0], s1  }
0x7b: {  	s1 =	ssub.s32 @!p0 $0x0, s1;
	[sflag:s0] =	ssyncset.done @!p0 $0x0  }
0x7c: {  	[sflag:s0] =	ssyncadd.s32 @!p0 s1  }
0x7d: {  	[bflag:$0x3] =	sbarrier.arrive $0xFFFF  }
0x7e: {  	_ =	shalt  }

</sc_bundles>
